<compile_context>
chip_gen: v7x
topology: tpu7x:2x2x1
jax: 0.10.2.dev20260603
libtpu: 0.0.44.dev20260713+nightly
codegen_flags: <defaults>
</compile_context>

<pallas_src>
import functools

import jax
import jax.numpy as jnp
from jax import lax
from jax.experimental import pallas as pl
from jax.experimental.pallas import tpu as pltpu
from jax.experimental.pallas import tpu_sc as plsc

_BN_EPS = 1e-5

_N = 10000
_D = 128
_HD = 64
_E = 320000
_NC = 2
_NS = 16
_NPAD = 10112
_RPS = _NPAD // _NS
_RPSL = _N - (_NS - 1) * _RPS
_CHUNK = 128
_CPT = 160
_EPAD = _NS * _CPT * _CHUNK
_NBUF = 2

_mesh = plsc.VectorSubcoreMesh(core_axis_name="c", subcore_axis_name="s")


@functools.partial(
    pl.kernel,
    mesh=_mesh,
    compiler_params=pltpu.CompilerParams(use_tc_tiling_on_sc=False),
    out_type=jax.ShapeDtypeStruct((_N, _D), jnp.float32),
    scratch_types=[
        pltpu.VMEM((_CPT // 2, _CHUNK), jnp.int32),
        pltpu.VMEM((_NBUF, _CHUNK), jnp.int32),
        pltpu.VMEM((_NBUF, _CHUNK), jnp.int32),
        pltpu.VMEM((_NBUF, _CHUNK, _HD), jnp.float32),
        pltpu.VMEM_SHARED((_NPAD, _HD), jnp.float32),
        pltpu.VMEM_SHARED((_NPAD, _HD), jnp.float32),
    ] + [pltpu.SemaphoreType.DMA] * _NBUF,
)
def _sc_aggregate(x_hbm, combo_hbm, out_hbm,
                  combo_v, sidx_v, didx_v, rows_v, x_sh, agg_sh, *sems):
    cid = lax.axis_index("c")
    sid = lax.axis_index("s")
    r0 = pl.multiple_of(sid * _RPS, 8)
    c0 = pl.multiple_of(cid * _HD, _HD)

    @pl.when(sid < _NS - 1)
    def _():
        pltpu.sync_copy(x_hbm.at[pl.ds(r0, _RPS), pl.ds(c0, _HD)],
                        x_sh.at[pl.ds(r0, _RPS)])
        pltpu.sync_copy(x_hbm.at[pl.ds(r0, _RPS), pl.ds(c0, _HD)],
                        agg_sh.at[pl.ds(r0, _RPS)])

    @pl.when(sid == _NS - 1)
    def _():
        pltpu.sync_copy(x_hbm.at[pl.ds(r0, _RPSL), pl.ds(c0, _HD)],
                        x_sh.at[pl.ds(r0, _RPSL)])
        pltpu.sync_copy(x_hbm.at[pl.ds(r0, _RPSL), pl.ds(c0, _HD)],
                        agg_sh.at[pl.ds(r0, _RPSL)])

    plsc.subcore_barrier()

    def unpack_idx(j, p):
        for k in range(_CHUNK // 16):
            c = combo_v[j, pl.ds(k * 16, 16)]
            sidx_v[p, pl.ds(k * 16, 16)] = lax.shift_right_logical(c, 14)
            didx_v[p, pl.ds(k * 16, 16)] = lax.bitwise_and(c, 16383)

    half = _CPT // 2
    for h in range(2):
        pltpu.sync_copy(combo_hbm.at[sid, pl.ds(h * half, half)], combo_v)
        for p in range(_NBUF):
            unpack_idx(p, p)
            pltpu.async_copy(x_sh.at[sidx_v.at[p]], rows_v.at[p], sems[p])

        @pl.loop(0, half, step=_NBUF)
        def _(j0):
            for p in range(_NBUF):
                j = j0 + p
                pltpu.make_async_copy(x_sh.at[sidx_v.at[p]], rows_v.at[p],
                                      sems[p]).wait()
                pltpu.sync_copy(rows_v.at[p], agg_sh.at[didx_v.at[p]],
                                add=True)

                @pl.when(j + _NBUF < half)
                def _():
                    unpack_idx(j + _NBUF, p)
                    pltpu.async_copy(x_sh.at[sidx_v.at[p]], rows_v.at[p],
                                     sems[p])

    plsc.subcore_barrier()

    @pl.when(sid < _NS - 1)
    def _():
        pltpu.sync_copy(agg_sh.at[pl.ds(r0, _RPS)],
                        out_hbm.at[pl.ds(r0, _RPS), pl.ds(c0, _HD)])

    @pl.when(sid == _NS - 1)
    def _():
        pltpu.sync_copy(agg_sh.at[pl.ds(r0, _RPSL)],
                        out_hbm.at[pl.ds(r0, _RPSL), pl.ds(c0, _HD)])


_EROW = _E // 128
_OROW = _EPAD // 128
_PBLK = _OROW // 8


def _tc_pack(srcdst):
    def body(x_ref, o_ref):
        row = lax.broadcasted_iota(jnp.int32, (_OROW, 128), 0)
        packed = jnp.left_shift(x_ref[0], 14) | x_ref[1]
        o_ref[...] = jnp.where(row < _EROW, packed, _N).reshape(
            _NS, _CPT, _CHUNK)

    return pl.pallas_call(
        body,
        out_shape=jax.ShapeDtypeStruct((_NS, _CPT, _CHUNK), jnp.int32),
    )(srcdst)


def _tc_tail(parts, w1, b1, w2, b2, gamma, beta):
    def body(p_ref, w1_ref, b1_ref, w2_ref, b2_ref, g_ref, bt_ref, o_ref):
        h = p_ref[...]
        h = jnp.dot(h, w1_ref[...], preferred_element_type=jnp.float32)
        h = jnp.maximum(h + b1_ref[...], 0.0)
        h = jnp.dot(h, w2_ref[...], preferred_element_type=jnp.float32)
        h = h + b2_ref[...]
        mean = jnp.mean(h, axis=0, keepdims=True)
        var = jnp.mean(h * h, axis=0, keepdims=True) - mean * mean
        scale = lax.rsqrt(var + _BN_EPS) * g_ref[...]
        o_ref[...] = jnp.maximum((h - mean) * scale + bt_ref[...], 0.0)

    return pl.pallas_call(
        body,
        out_shape=jax.ShapeDtypeStruct((_N, _D), jnp.float32),
    )(parts, w1, b1.reshape(1, _D), w2, b2.reshape(1, _D),
      gamma.reshape(1, _D), beta.reshape(1, _D))


def kernel(x, edge_index, W1, b1, W2, b2, gamma, beta):
    ei = edge_index.astype(jnp.int32)
    ei = jnp.pad(ei, ((0, 0), (0, _EPAD - _E)))
    combo = _tc_pack(ei.reshape(2, _OROW, 128))
    parts = _sc_aggregate(x, combo)
    return _tc_tail(parts, W1, b1, W2, b2, gamma, beta)

# --- scband reference (transcript-rebuilt; emitter-appended) ---
"""Pipeline reference for scband-ginlayer-12764642804257 (READ-ONLY COPY).

The authoritative reference and input builder live on the scoring server;
editing this copy changes nothing except your own understanding.
"""

import jax, jax.numpy as jnp
import numpy as np

BN_EPS = 1e-5

def setup_inputs(seed: int = 0) -> dict:
    key = jax.random.key(seed)
    ks = jax.random.split(key, 8)
    N, D = 10000, 128
    E = 320000
    x = jax.random.normal(ks[0], (N, D), dtype=jnp.float32)
    edge_index = jax.random.randint(ks[1], (2, E), 0, N, dtype=jnp.int64)
    W1 = jax.random.normal(ks[2], (D, D), dtype=jnp.float32) * 0.05
    b1 = jnp.zeros((D,), dtype=jnp.float32)
    W2 = jax.random.normal(ks[3], (D, D), dtype=jnp.float32) * 0.05
    b2 = jnp.zeros((D,), dtype=jnp.float32)
    gamma = jnp.ones((D,), dtype=jnp.float32)
    beta = jnp.zeros((D,), dtype=jnp.float32)
    return {"x": x, "edge_index": edge_index, "W1": W1, "b1": b1, "W2": W2, "b2": b2, "gamma": gamma, "beta": beta}

def reference(x, edge_index, W1, b1, W2, b2, gamma, beta):
    # GINConv: out = mlp((1+eps)*x + sum_{j in N(i)} x_j), eps=0 (default, not trainable)
    src = edge_index[0]
    dst = edge_index[1]
    msgs = jnp.take(x, src, axis=0)                      # gather source features
    agg = jax.ops.segment_sum(msgs, dst, num_segments=x.shape[0])  # scatter-add at dst
    h = x + agg                                           # (1+eps)*x + agg with eps=0
    # MLP: Linear -> ReLU -> Linear
    h = h @ W1 + b1
    h = jax.nn.relu(h)
    h = h @ W2 + b2
    # BatchNorm1d (training mode: batch statistics, biased variance)
    mean = jnp.mean(h, axis=0)
    var = jnp.var(h, axis=0)
    h = (h - mean) / jnp.sqrt(var + BN_EPS) * gamma + beta
    # ReLU; dropout p=0.0 is identity
    return jax.nn.relu(h)

if __name__ == "__main__":
    import jax
    _d = setup_inputs()
    print(jax.jit(kernel)(*tuple(_d.values())))

</pallas_src>

<mosaic_0001>
#map = affine_map<(d0, d1) -> (0, 0)>
#map1 = affine_map<(d0, d1) -> (0, 0, 0)>
module attributes {stable_mosaic.version = 14 : i64} {
  func.func @_sc_aggregate(%arg0: i32, %arg1: i32, %arg2: memref<10000x128xf32, #tpu.memory_space<hbm>>, %arg3: memref<16x160x128xi32, #tpu.memory_space<hbm>>, %arg4: memref<10000x128xf32, #tpu.memory_space<hbm>>, %arg5: memref<80x128xi32, #tpu.memory_space<vmem>>, %arg6: memref<2x128xi32, #tpu.memory_space<vmem>>, %arg7: memref<2x128xi32, #tpu.memory_space<vmem>>, %arg8: memref<2x128x64xf32, #tpu.memory_space<vmem>>, %arg9: memref<10112x64xf32, #tpu.memory_space<vmem_shared>>, %arg10: memref<10112x64xf32, #tpu.memory_space<vmem_shared>>, %arg11: memref<!tpu.dma_semaphore, #tpu.memory_space<semaphore_mem>>, %arg12: memref<!tpu.dma_semaphore, #tpu.memory_space<semaphore_mem>>) attributes {dimension_semantics = [#tpu.dimension_semantics<core_parallel>, #tpu.dimension_semantics<subcore_parallel>], iteration_bounds = array<i64: 2, 16>, scalar_prefetch = 0 : i64, scratch_operands = 8 : i64, tpu.core_type = #tpu.core_type<sc_vector_subcore>, window_params = [{transform_indices = #map}, {transform_indices = #map1}, {transform_indices = #map}]} {
    %mul3A = arith.constant 632 : i32
    %mul3A_0 = arith.muli %arg1, %mul3A : i32
    %multiple_of3A = tpu.assume_multiple %mul3A_0, 8 : i32
    %mul3A_1 = arith.constant 64 : i32
    %mul3A_2 = arith.muli %arg0, %mul3A_1 : i32
    %multiple_of3A_3 = tpu.assume_multiple %mul3A_2, 64 : i32
    %lt3A = arith.constant 15 : i32
    %lt3A_4 = arith.cmpi slt, %arg1, %lt3A : i32
    %convert_element_type3A = arith.extui %lt3A_4 : i1 to i32
    %cond3A = arith.constant 0 : i32
    %cond3A_5 = arith.cmpi ne, %convert_element_type3A, %cond3A : i32
    scf.if %cond3A_5 {
      "tpu.region"() ({
        %run_scoped3A = tpu.sem_alloc : memref<!tpu.dma_semaphore, #tpu.memory_space<semaphore_mem>>
        %dma_start3A_809 = arith.constant 0 : i32
        %dma_start3A_810 = tpu.memref_slice %arg9[%multiple_of3A, %dma_start3A_809] : memref<10112x64xf32, #tpu.memory_space<vmem_shared>> -> memref<632x64xf32, #tpu.memory_space<vmem_shared>>
        %dma_start3A_811 = tpu.memref_slice %arg2[%multiple_of3A, %multiple_of3A_3] : memref<10000x128xf32, #tpu.memory_space<hbm>> -> memref<632x64xf32, #tpu.memory_space<hbm>>
        tpu.enqueue_dma source(%dma_start3A_811 : memref<632x64xf32, #tpu.memory_space<hbm>>) target(%dma_start3A_810 : memref<632x64xf32, #tpu.memory_space<vmem_shared>>) target_semaphore(%run_scoped3A : memref<!tpu.dma_semaphore, #tpu.memory_space<semaphore_mem>>)
        %dma_wait3A = arith.constant 0 : i32
        %dma_wait3A_812 = tpu.memref_slice %arg9[%multiple_of3A, %dma_wait3A] : memref<10112x64xf32, #tpu.memory_space<vmem_shared>> -> memref<632x64xf32, #tpu.memory_space<vmem_shared>>
        %dma_wait3A_813 = tpu.memref_slice %arg2[%multiple_of3A, %multiple_of3A_3] : memref<10000x128xf32, #tpu.memory_space<hbm>> -> memref<632x64xf32, #tpu.memory_space<hbm>>
        tpu.wait_dma2 semaphore(%run_scoped3A : memref<!tpu.dma_semaphore, #tpu.memory_space<semaphore_mem>>) src(%dma_wait3A_813 : memref<632x64xf32, #tpu.memory_space<hbm>>) dst(%dma_wait3A_812 : memref<632x64xf32, #tpu.memory_space<vmem_shared>>)
        tpu.yield
      }) : () -> ()
      "tpu.region"() ({
        %run_scoped3A = tpu.sem_alloc : memref<!tpu.dma_semaphore, #tpu.memory_space<semaphore_mem>>
        %dma_start3A_809 = arith.constant 0 : i32
        %dma_start3A_810 = tpu.memref_slice %arg10[%multiple_of3A, %dma_start3A_809] : memref<10112x64xf32, #tpu.memory_space<vmem_shared>> -> memref<632x64xf32, #tpu.memory_space<vmem_shared>>
        %dma_start3A_811 = tpu.memref_slice %arg2[%multiple_of3A, %multiple_of3A_3] : memref<10000x128xf32, #tpu.memory_space<hbm>> -> memref<632x64xf32, #tpu.memory_space<hbm>>
        tpu.enqueue_dma source(%dma_start3A_811 : memref<632x64xf32, #tpu.memory_space<hbm>>) target(%dma_start3A_810 : memref<632x64xf32, #tpu.memory_space<vmem_shared>>) target_semaphore(%run_scoped3A : memref<!tpu.dma_semaphore, #tpu.memory_space<semaphore_mem>>)
        %dma_wait3A = arith.constant 0 : i32
        %dma_wait3A_812 = tpu.memref_slice %arg10[%multiple_of3A, %dma_wait3A] : memref<10112x64xf32, #tpu.memory_space<vmem_shared>> -> memref<632x64xf32, #tpu.memory_space<vmem_shared>>
        %dma_wait3A_813 = tpu.memref_slice %arg2[%multiple_of3A, %multiple_of3A_3] : memref<10000x128xf32, #tpu.memory_space<hbm>> -> memref<632x64xf32, #tpu.memory_space<hbm>>
        tpu.wait_dma2 semaphore(%run_scoped3A : memref<!tpu.dma_semaphore, #tpu.memory_space<semaphore_mem>>) src(%dma_wait3A_813 : memref<632x64xf32, #tpu.memory_space<hbm>>) dst(%dma_wait3A_812 : memref<632x64xf32, #tpu.memory_space<vmem_shared>>)
        tpu.yield
      }) : () -> ()
    } else {
    }
    %eq3A = arith.constant 15 : i32
    %eq3A_6 = arith.cmpi eq, %arg1, %eq3A : i32
    %convert_element_type3A_7 = arith.extui %eq3A_6 : i1 to i32
    %cond3A_8 = arith.constant 0 : i32
    %cond3A_9 = arith.cmpi ne, %convert_element_type3A_7, %cond3A_8 : i32
    scf.if %cond3A_9 {
      "tpu.region"() ({
        %run_scoped3A = tpu.sem_alloc : memref<!tpu.dma_semaphore, #tpu.memory_space<semaphore_mem>>
        %dma_start3A_809 = arith.constant 0 : i32
        %dma_start3A_810 = tpu.memref_slice %arg9[%multiple_of3A, %dma_start3A_809] : memref<10112x64xf32, #tpu.memory_space<vmem_shared>> -> memref<520x64xf32, #tpu.memory_space<vmem_shared>>
        %dma_start3A_811 = tpu.memref_slice %arg2[%multiple_of3A, %multiple_of3A_3] : memref<10000x128xf32, #tpu.memory_space<hbm>> -> memref<520x64xf32, #tpu.memory_space<hbm>>
        tpu.enqueue_dma source(%dma_start3A_811 : memref<520x64xf32, #tpu.memory_space<hbm>>) target(%dma_start3A_810 : memref<520x64xf32, #tpu.memory_space<vmem_shared>>) target_semaphore(%run_scoped3A : memref<!tpu.dma_semaphore, #tpu.memory_space<semaphore_mem>>)
        %dma_wait3A = arith.constant 0 : i32
        %dma_wait3A_812 = tpu.memref_slice %arg9[%multiple_of3A, %dma_wait3A] : memref<10112x64xf32, #tpu.memory_space<vmem_shared>> -> memref<520x64xf32, #tpu.memory_space<vmem_shared>>
        %dma_wait3A_813 = tpu.memref_slice %arg2[%multiple_of3A, %multiple_of3A_3] : memref<10000x128xf32, #tpu.memory_space<hbm>> -> memref<520x64xf32, #tpu.memory_space<hbm>>
        tpu.wait_dma2 semaphore(%run_scoped3A : memref<!tpu.dma_semaphore, #tpu.memory_space<semaphore_mem>>) src(%dma_wait3A_813 : memref<520x64xf32, #tpu.memory_space<hbm>>) dst(%dma_wait3A_812 : memref<520x64xf32, #tpu.memory_space<vmem_shared>>)
        tpu.yield
      }) : () -> ()
      "tpu.region"() ({
        %run_scoped3A = tpu.sem_alloc : memref<!tpu.dma_semaphore, #tpu.memory_space<semaphore_mem>>
        %dma_start3A_809 = arith.constant 0 : i32
        %dma_start3A_810 = tpu.memref_slice %arg10[%multiple_of3A, %dma_start3A_809] : memref<10112x64xf32, #tpu.memory_space<vmem_shared>> -> memref<520x64xf32, #tpu.memory_space<vmem_shared>>
        %dma_start3A_811 = tpu.memref_slice %arg2[%multiple_of3A, %multiple_of3A_3] : memref<10000x128xf32, #tpu.memory_space<hbm>> -> memref<520x64xf32, #tpu.memory_space<hbm>>
        tpu.enqueue_dma source(%dma_start3A_811 : memref<520x64xf32, #tpu.memory_space<hbm>>) target(%dma_start3A_810 : memref<520x64xf32, #tpu.memory_space<vmem_shared>>) target_semaphore(%run_scoped3A : memref<!tpu.dma_semaphore, #tpu.memory_space<semaphore_mem>>)
        %dma_wait3A = arith.constant 0 : i32
        %dma_wait3A_812 = tpu.memref_slice %arg10[%multiple_of3A, %dma_wait3A] : memref<10112x64xf32, #tpu.memory_space<vmem_shared>> -> memref<520x64xf32, #tpu.memory_space<vmem_shared>>
        %dma_wait3A_813 = tpu.memref_slice %arg2[%multiple_of3A, %multiple_of3A_3] : memref<10000x128xf32, #tpu.memory_space<hbm>> -> memref<520x64xf32, #tpu.memory_space<hbm>>
        tpu.wait_dma2 semaphore(%run_scoped3A : memref<!tpu.dma_semaphore, #tpu.memory_space<semaphore_mem>>) src(%dma_wait3A_813 : memref<520x64xf32, #tpu.memory_space<hbm>>) dst(%dma_wait3A_812 : memref<520x64xf32, #tpu.memory_space<vmem_shared>>)
        tpu.yield
      }) : () -> ()
    } else {
    }
    %barrier3A = arith.constant 0 : index
    tpu.barrier barrier_id(%barrier3A)
    "tpu.region"() ({
      %run_scoped3A = tpu.sem_alloc : memref<!tpu.dma_semaphore, #tpu.memory_space<semaphore_mem>>
      %dma_start3A_809 = arith.constant 0 : i32
      %dma_start3A_810 = arith.constant 0 : i32
      %dma_start3A_811 = tpu.memref_slice %arg3[%arg1, %dma_start3A_809, %dma_start3A_810] : memref<16x160x128xi32, #tpu.memory_space<hbm>> -> memref<1x80x128xi32, #tpu.memory_space<hbm>>
      %dma_start3A_812 = tpu.memref_squeeze %dma_start3A_811 : memref<1x80x128xi32, #tpu.memory_space<hbm>> -> memref<80x128xi32, #tpu.memory_space<hbm>>
      %dma_start3A_813 = arith.constant 0 : i32
      %dma_start3A_814 = arith.constant 0 : i32
      %dma_start3A_815 = tpu.memref_slice %arg3[%arg1, %dma_start3A_813, %dma_start3A_814] : memref<16x160x128xi32, #tpu.memory_space<hbm>> -> memref<1x80x128xi32, #tpu.memory_space<hbm>>
      %dma_start3A_816 = tpu.memref_squeeze %dma_start3A_815 : memref<1x80x128xi32, #tpu.memory_space<hbm>> -> memref<80x128xi32, #tpu.memory_space<hbm>>
      tpu.enqueue_dma source(%dma_start3A_816 : memref<80x128xi32, #tpu.memory_space<hbm>>) target(%arg5 : memref<80x128xi32, #tpu.memory_space<vmem>>) target_semaphore(%run_scoped3A : memref<!tpu.dma_semaphore, #tpu.memory_space<semaphore_mem>>)
      %dma_wait3A = arith.constant 0 : i32
      %dma_wait3A_817 = arith.constant 0 : i32
      %dma_wait3A_818 = tpu.memref_slice %arg3[%arg1, %dma_wait3A, %dma_wait3A_817] : memref<16x160x128xi32, #tpu.memory_space<hbm>> -> memref<1x80x128xi32, #tpu.memory_space<hbm>>
      %dma_wait3A_819 = tpu.memref_squeeze %dma_wait3A_818 : memref<1x80x128xi32, #tpu.memory_space<hbm>> -> memref<80x128xi32, #tpu.memory_space<hbm>>
      %dma_wait3A_820 = arith.constant 0 : i32
      %dma_wait3A_821 = arith.constant 0 : i32
      %dma_wait3A_822 = tpu.memref_slice %arg3[%arg1, %dma_wait3A_820, %dma_wait3A_821] : memref<16x160x128xi32, #tpu.memory_space<hbm>> -> memref<1x80x128xi32, #tpu.memory_space<hbm>>
      %dma_wait3A_823 = tpu.memref_squeeze %dma_wait3A_822 : memref<1x80x128xi32, #tpu.memory_space<hbm>> -> memref<80x128xi32, #tpu.memory_space<hbm>>
      tpu.wait_dma2 semaphore(%run_scoped3A : memref<!tpu.dma_semaphore, #tpu.memory_space<semaphore_mem>>) src(%dma_wait3A_823 : memref<80x128xi32, #tpu.memory_space<hbm>>) dst(%arg5 : memref<80x128xi32, #tpu.memory_space<vmem>>)
      tpu.yield
    }) : () -> ()
    %get3A = arith.constant 0 : i32
    %get3A_10 = arith.index_cast %get3A : i32 to index
    %get3A_11 = arith.constant 0 : index
    %get3A_12 = tpu.vector_load %arg5[%get3A_10, %get3A_11] {strides = array<i32>} : memref<80x128xi32, #tpu.memory_space<vmem>>, vector<1x16xi32>,
    %get3A_13 = vector.shape_cast %get3A_12 : vector<1x16xi32> to vector<16xi32>
    %shift_right_logical3A = arith.constant 14 : i32
    %shift_right_logical3A_14 = vector.broadcast %shift_right_logical3A : i32 to vector<16xi32>
    %shift_right_logical3A_15 = arith.shrui %get3A_13, %shift_right_logical3A_14 : vector<16xi32>
    %swap3A = arith.constant 0 : i32
    %swap3A_16 = arith.index_cast %swap3A : i32 to index
    %swap3A_17 = arith.constant 0 : index
    %swap3A_18 = tpu.vector_load %arg6[%swap3A_16, %swap3A_17] {strides = array<i32>} : memref<2x128xi32, #tpu.memory_space<vmem>>, vector<1x16xi32>,
    %swap3A_19 = vector.shape_cast %swap3A_18 : vector<1x16xi32> to vector<16xi32>
    %swap3A_20 = vector.shape_cast %shift_right_logical3A_15 : vector<16xi32> to vector<1x16xi32>
    tpu.vector_store %arg6[%swap3A_16, %swap3A_17], %swap3A_20 {strides = array<i32>} : memref<2x128xi32, #tpu.memory_space<vmem>>, vector<1x16xi32>,
    %and3A = arith.constant 16383 : i32
    %and3A_21 = vector.broadcast %and3A : i32 to vector<16xi32>
    %and3A_22 = arith.andi %get3A_13, %and3A_21 : vector<16xi32>
    %swap3A_23 = arith.constant 0 : i32
    %swap3A_24 = arith.index_cast %swap3A_23 : i32 to index
    %swap3A_25 = arith.constant 0 : index
    %swap3A_26 = tpu.vector_load %arg7[%swap3A_24, %swap3A_25] {strides = array<i32>} : memref<2x128xi32, #tpu.memory_space<vmem>>, vector<1x16xi32>,
    %swap3A_27 = vector.shape_cast %swap3A_26 : vector<1x16xi32> to vector<16xi32>
    %swap3A_28 = vector.shape_cast %and3A_22 : vector<16xi32> to vector<1x16xi32>
    tpu.vector_store %arg7[%swap3A_24, %swap3A_25], %swap3A_28 {strides = array<i32>} : memref<2x128xi32, #tpu.memory_space<vmem>>, vector<1x16xi32>,
    %get3A_29 = arith.constant 0 : i32
    %get3A_30 = arith.index_cast %get3A_29 : i32 to index
    %get3A_31 = arith.constant 16 : index
    %get3A_32 = tpu.vector_load %arg5[%get3A_30, %get3A_31] {strides = array<i32>} : memref<80x128xi32, #tpu.memory_space<vmem>>, vector<1x16xi32>,
    %get3A_33 = vector.shape_cast %get3A_32 : vector<1x16xi32> to vector<16xi32>
    %shift_right_logical3A_34 = arith.constant 14 : i32
    %shift_right_logical3A_35 = vector.broadcast %shift_right_logical3A_34 : i32 to vector<16xi32>
    %shift_right_logical3A_36 = arith.shrui %get3A_33, %shift_right_logical3A_35 : vector<16xi32>
    %swap3A_37 = arith.constant 0 : i32
    %swap3A_38 = arith.index_cast %swap3A_37 : i32 to index
    %swap3A_39 = arith.constant 16 : index
    %swap3A_40 = tpu.vector_load %arg6[%swap3A_38, %swap3A_39] {strides = array<i32>} : memref<2x128xi32, #tpu.memory_space<vmem>>, vector<1x16xi32>,
    %swap3A_41 = vector.shape_cast %swap3A_40 : vector<1x16xi32> to vector<16xi32>
    %swap3A_42 = vector.shape_cast %shift_right_logical3A_36 : vector<16xi32> to vector<1x16xi32>
    tpu.vector_store %arg6[%swap3A_38, %swap3A_39], %swap3A_42 {strides = array<i32>} : memref<2x128xi32, #tpu.memory_space<vmem>>, vector<1x16xi32>,
    %and3A_43 = arith.constant 16383 : i32
    %and3A_44 = vector.broadcast %and3A_43 : i32 to vector<16xi32>
    %and3A_45 = arith.andi %get3A_33, %and3A_44 : vector<16xi32>
    %swap3A_46 = arith.constant 0 : i32
    %swap3A_47 = arith.index_cast %swap3A_46 : i32 to index
    %swap3A_48 = arith.constant 16 : index
    %swap3A_49 = tpu.vector_load %arg7[%swap3A_47, %swap3A_48] {strides = array<i32>} : memref<2x128xi32, #tpu.memory_space<vmem>>, vector<1x16xi32>,
    %swap3A_50 = vector.shape_cast %swap3A_49 : vector<1x16xi32> to vector<16xi32>
    %swap3A_51 = vector.shape_cast %and3A_45 : vector<16xi32> to vector<1x16xi32>
    tpu.vector_store %arg7[%swap3A_47, %swap3A_48], %swap3A_51 {strides = array<i32>} : memref<2x128xi32, #tpu.memory_space<vmem>>, vector<1x16xi32>,
    %get3A_52 = arith.constant 0 : i32
    %get3A_53 = arith.index_cast %get3A_52 : i32 to index
    %get3A_54 = arith.constant 32 : index
    %get3A_55 = tpu.vector_load %arg5[%get3A_53, %get3A_54] {strides = array<i32>} : memref<80x128xi32, #tpu.memory_space<vmem>>, vector<1x16xi32>,
    %get3A_56 = vector.shape_cast %get3A_55 : vector<1x16xi32> to vector<16xi32>
    %shift_right_logical3A_57 = arith.constant 14 : i32
    %shift_right_logical3A_58 = vector.broadcast %shift_right_logical3A_57 : i32 to vector<16xi32>
    %shift_right_logical3A_59 = arith.shrui %get3A_56, %shift_right_logical3A_58 : vector<16xi32>
    %swap3A_60 = arith.constant 0 : i32
    %swap3A_61 = arith.index_cast %swap3A_60 : i32 to index
    %swap3A_62 = arith.constant 32 : index
    %swap3A_63 = tpu.vector_load %arg6[%swap3A_61, %swap3A_62] {strides = array<i32>} : memref<2x128xi32, #tpu.memory_space<vmem>>, vector<1x16xi32>,
    %swap3A_64 = vector.shape_cast %swap3A_63 : vector<1x16xi32> to vector<16xi32>
    %swap3A_65 = vector.shape_cast %shift_right_logical3A_59 : vector<16xi32> to vector<1x16xi32>
    tpu.vector_store %arg6[%swap3A_61, %swap3A_62], %swap3A_65 {strides = array<i32>} : memref<2x128xi32, #tpu.memory_space<vmem>>, vector<1x16xi32>,
    %and3A_66 = arith.constant 16383 : i32
    %and3A_67 = vector.broadcast %and3A_66 : i32 to vector<16xi32>
    %and3A_68 = arith.andi %get3A_56, %and3A_67 : vector<16xi32>
    %swap3A_69 = arith.constant 0 : i32
    %swap3A_70 = arith.index_cast %swap3A_69 : i32 to index
    %swap3A_71 = arith.constant 32 : index
    %swap3A_72 = tpu.vector_load %arg7[%swap3A_70, %swap3A_71] {strides = array<i32>} : memref<2x128xi32, #tpu.memory_space<vmem>>, vector<1x16xi32>,
    %swap3A_73 = vector.shape_cast %swap3A_72 : vector<1x16xi32> to vector<16xi32>
    %swap3A_74 = vector.shape_cast %and3A_68 : vector<16xi32> to vector<1x16xi32>
    tpu.vector_store %arg7[%swap3A_70, %swap3A_71], %swap3A_74 {strides = array<i32>} : memref<2x128xi32, #tpu.memory_space<vmem>>, vector<1x16xi32>,
    %get3A_75 = arith.constant 0 : i32
    %get3A_76 = arith.index_cast %get3A_75 : i32 to index
    %get3A_77 = arith.constant 48 : index
    %get3A_78 = tpu.vector_load %arg5[%get3A_76, %get3A_77] {strides = array<i32>} : memref<80x128xi32, #tpu.memory_space<vmem>>, vector<1x16xi32>,
    %get3A_79 = vector.shape_cast %get3A_78 : vector<1x16xi32> to vector<16xi32>
    %shift_right_logical3A_80 = arith.constant 14 : i32
    %shift_right_logical3A_81 = vector.broadcast %shift_right_logical3A_80 : i32 to vector<16xi32>
    %shift_right_logical3A_82 = arith.shrui %get3A_79, %shift_right_logical3A_81 : vector<16xi32>
    %swap3A_83 = arith.constant 0 : i32
    %swap3A_84 = arith.index_cast %swap3A_83 : i32 to index
    %swap3A_85 = arith.constant 48 : index
    %swap3A_86 = tpu.vector_load %arg6[%swap3A_84, %swap3A_85] {strides = array<i32>} : memref<2x128xi32, #tpu.memory_space<vmem>>, vector<1x16xi32>,
    %swap3A_87 = vector.shape_cast %swap3A_86 : vector<1x16xi32> to vector<16xi32>
    %swap3A_88 = vector.shape_cast %shift_right_logical3A_82 : vector<16xi32> to vector<1x16xi32>
    tpu.vector_store %arg6[%swap3A_84, %swap3A_85], %swap3A_88 {strides = array<i32>} : memref<2x128xi32, #tpu.memory_space<vmem>>, vector<1x16xi32>,
    %and3A_89 = arith.constant 16383 : i32
    %and3A_90 = vector.broadcast %and3A_89 : i32 to vector<16xi32>
    %and3A_91 = arith.andi %get3A_79, %and3A_90 : vector<16xi32>
    %swap3A_92 = arith.constant 0 : i32
    %swap3A_93 = arith.index_cast %swap3A_92 : i32 to index
    %swap3A_94 = arith.constant 48 : index
    %swap3A_95 = tpu.vector_load %arg7[%swap3A_93, %swap3A_94] {strides = array<i32>} : memref<2x128xi32, #tpu.memory_space<vmem>>, vector<1x16xi32>,
    %swap3A_96 = vector.shape_cast %swap3A_95 : vector<1x16xi32> to vector<16xi32>
    %swap3A_97 = vector.shape_cast %and3A_91 : vector<16xi32> to vector<1x16xi32>
    tpu.vector_store %arg7[%swap3A_93, %swap3A_94], %swap3A_97 {strides = array<i32>} : memref<2x128xi32, #tpu.memory_space<vmem>>, vector<1x16xi32>,
    %get3A_98 = arith.constant 0 : i32
    %get3A_99 = arith.index_cast %get3A_98 : i32 to index
    %get3A_100 = arith.constant 64 : index
    %get3A_101 = tpu.vector_load %arg5[%get3A_99, %get3A_100] {strides = array<i32>} : memref<80x128xi32, #tpu.memory_space<vmem>>, vector<1x16xi32>,
    %get3A_102 = vector.shape_cast %get3A_101 : vector<1x16xi32> to vector<16xi32>
    %shift_right_logical3A_103 = arith.constant 14 : i32
    %shift_right_logical3A_104 = vector.broadcast %shift_right_logical3A_103 : i32 to vector<16xi32>
    %shift_right_logical3A_105 = arith.shrui %get3A_102, %shift_right_logical3A_104 : vector<16xi32>
    %swap3A_106 = arith.constant 0 : i32
    %swap3A_107 = arith.index_cast %swap3A_106 : i32 to index
    %swap3A_108 = arith.constant 64 : index
    %swap3A_109 = tpu.vector_load %arg6[%swap3A_107, %swap3A_108] {strides = array<i32>} : memref<2x128xi32, #tpu.memory_space<vmem>>, vector<1x16xi32>,
    %swap3A_110 = vector.shape_cast %swap3A_109 : vector<1x16xi32> to vector<16xi32>
    %swap3A_111 = vector.shape_cast %shift_right_logical3A_105 : vector<16xi32> to vector<1x16xi32>
    tpu.vector_store %arg6[%swap3A_107, %swap3A_108], %swap3A_111 {strides = array<i32>} : memref<2x128xi32, #tpu.memory_space<vmem>>, vector<1x16xi32>,
    %and3A_112 = arith.constant 16383 : i32
    %and3A_113 = vector.broadcast %and3A_112 : i32 to vector<16xi32>
    %and3A_114 = arith.andi %get3A_102, %and3A_113 : vector<16xi32>
    %swap3A_115 = arith.constant 0 : i32
    %swap3A_116 = arith.index_cast %swap3A_115 : i32 to index
    %swap3A_117 = arith.constant 64 : index
    %swap3A_118 = tpu.vector_load %arg7[%swap3A_116, %swap3A_117] {strides = array<i32>} : memref<2x128xi32, #tpu.memory_space<vmem>>, vector<1x16xi32>,
    %swap3A_119 = vector.shape_cast %swap3A_118 : vector<1x16xi32> to vector<16xi32>
    %swap3A_120 = vector.shape_cast %and3A_114 : vector<16xi32> to vector<1x16xi32>
    tpu.vector_store %arg7[%swap3A_116, %swap3A_117], %swap3A_120 {strides = array<i32>} : memref<2x128xi32, #tpu.memory_space<vmem>>, vector<1x16xi32>,
    %get3A_121 = arith.constant 0 : i32
    %get3A_122 = arith.index_cast %get3A_121 : i32 to index
    %get3A_123 = arith.constant 80 : index
    %get3A_124 = tpu.vector_load %arg5[%get3A_122, %get3A_123] {strides = array<i32>} : memref<80x128xi32, #tpu.memory_space<vmem>>, vector<1x16xi32>,
    %get3A_125 = vector.shape_cast %get3A_124 : vector<1x16xi32> to vector<16xi32>
    %shift_right_logical3A_126 = arith.constant 14 : i32
    %shift_right_logical3A_127 = vector.broadcast %shift_right_logical3A_126 : i32 to vector<16xi32>
    %shift_right_logical3A_128 = arith.shrui %get3A_125, %shift_right_logical3A_127 : vector<16xi32>
    %swap3A_129 = arith.constant 0 : i32
    %swap3A_130 = arith.index_cast %swap3A_129 : i32 to index
    %swap3A_131 = arith.constant 80 : index
    %swap3A_132 = tpu.vector_load %arg6[%swap3A_130, %swap3A_131] {strides = array<i32>} : memref<2x128xi32, #tpu.memory_space<vmem>>, vector<1x16xi32>,
    %swap3A_133 = vector.shape_cast %swap3A_132 : vector<1x16xi32> to vector<16xi32>
    %swap3A_134 = vector.shape_cast %shift_right_logical3A_128 : vector<16xi32> to vector<1x16xi32>
    tpu.vector_store %arg6[%swap3A_130, %swap3A_131], %swap3A_134 {strides = array<i32>} : memref<2x128xi32, #tpu.memory_space<vmem>>, vector<1x16xi32>,
    %and3A_135 = arith.constant 16383 : i32
    %and3A_136 = vector.broadcast %and3A_135 : i32 to vector<16xi32>
    %and3A_137 = arith.andi %get3A_125, %and3A_136 : vector<16xi32>
    %swap3A_138 = arith.constant 0 : i32
    %swap3A_139 = arith.index_cast %swap3A_138 : i32 to index
    %swap3A_140 = arith.constant 80 : index
    %swap3A_141 = tpu.vector_load %arg7[%swap3A_139, %swap3A_140] {strides = array<i32>} : memref<2x128xi32, #tpu.memory_space<vmem>>, vector<1x16xi32>,
    %swap3A_142 = vector.shape_cast %swap3A_141 : vector<1x16xi32> to vector<16xi32>
    %swap3A_143 = vector.shape_cast %and3A_137 : vector<16xi32> to vector<1x16xi32>
    tpu.vector_store %arg7[%swap3A_139, %swap3A_140], %swap3A_143 {strides = array<i32>} : memref<2x128xi32, #tpu.memory_space<vmem>>, vector<1x16xi32>,
    %get3A_144 = arith.constant 0 : i32
    %get3A_145 = arith.index_cast %get3A_144 : i32 to index
    %get3A_146 = arith.constant 96 : index
    %get3A_147 = tpu.vector_load %arg5[%get3A_145, %get3A_146] {strides = array<i32>} : memref<80x128xi32, #tpu.memory_space<vmem>>, vector<1x16xi32>,
    %get3A_148 = vector.shape_cast %get3A_147 : vector<1x16xi32> to vector<16xi32>
    %shift_right_logical3A_149 = arith.constant 14 : i32
    %shift_right_logical3A_150 = vector.broadcast %shift_right_logical3A_149 : i32 to vector<16xi32>
    %shift_right_logical3A_151 = arith.shrui %get3A_148, %shift_right_logical3A_150 : vector<16xi32>
    %swap3A_152 = arith.constant 0 : i32
    %swap3A_153 = arith.index_cast %swap3A_152 : i32 to index
    %swap3A_154 = arith.constant 96 : index
    %swap3A_155 = tpu.vector_load %arg6[%swap3A_153, %swap3A_154] {strides = array<i32>} : memref<2x128xi32, #tpu.memory_space<vmem>>, vector<1x16xi32>,
    %swap3A_156 = vector.shape_cast %swap3A_155 : vector<1x16xi32> to vector<16xi32>
    %swap3A_157 = vector.shape_cast %shift_right_logical3A_151 : vector<16xi32> to vector<1x16xi32>
    tpu.vector_store %arg6[%swap3A_153, %swap3A_154], %swap3A_157 {strides = array<i32>} : memref<2x128xi32, #tpu.memory_space<vmem>>, vector<1x16xi32>,
    %and3A_158 = arith.constant 16383 : i32
    %and3A_159 = vector.broadcast %and3A_158 : i32 to vector<16xi32>
    %and3A_160 = arith.andi %get3A_148, %and3A_159 : vector<16xi32>
    %swap3A_161 = arith.constant 0 : i32
    %swap3A_162 = arith.index_cast %swap3A_161 : i32 to index
    %swap3A_163 = arith.constant 96 : index
    %swap3A_164 = tpu.vector_load %arg7[%swap3A_162, %swap3A_163] {strides = array<i32>} : memref<2x128xi32, #tpu.memory_space<vmem>>, vector<1x16xi32>,
    %swap3A_165 = vector.shape_cast %swap3A_164 : vector<1x16xi32> to vector<16xi32>
    %swap3A_166 = vector.shape_cast %and3A_160 : vector<16xi32> to vector<1x16xi32>
    tpu.vector_store %arg7[%swap3A_162, %swap3A_163], %swap3A_166 {strides = array<i32>} : memref<2x128xi32, #tpu.memory_space<vmem>>, vector<1x16xi32>,
    %get3A_167 = arith.constant 0 : i32
    %get3A_168 = arith.index_cast %get3A_167 : i32 to index
    %get3A_169 = arith.constant 112 : index
    %get3A_170 = tpu.vector_load %arg5[%get3A_168, %get3A_169] {strides = array<i32>} : memref<80x128xi32, #tpu.memory_space<vmem>>, vector<1x16xi32>,
    %get3A_171 = vector.shape_cast %get3A_170 : vector<1x16xi32> to vector<16xi32>
    %shift_right_logical3A_172 = arith.constant 14 : i32
    %shift_right_logical3A_173 = vector.broadcast %shift_right_logical3A_172 : i32 to vector<16xi32>
    %shift_right_logical3A_174 = arith.shrui %get3A_171, %shift_right_logical3A_173 : vector<16xi32>
    %swap3A_175 = arith.constant 0 : i32
    %swap3A_176 = arith.index_cast %swap3A_175 : i32 to index
    %swap3A_177 = arith.constant 112 : index
    %swap3A_178 = tpu.vector_load %arg6[%swap3A_176, %swap3A_177] {strides = array<i32>} : memref<2x128xi32, #tpu.memory_space<vmem>>, vector<1x16xi32>,
    %swap3A_179 = vector.shape_cast %swap3A_178 : vector<1x16xi32> to vector<16xi32>
    %swap3A_180 = vector.shape_cast %shift_right_logical3A_174 : vector<16xi32> to vector<1x16xi32>
    tpu.vector_store %arg6[%swap3A_176, %swap3A_177], %swap3A_180 {strides = array<i32>} : memref<2x128xi32, #tpu.memory_space<vmem>>, vector<1x16xi32>,
    %and3A_181 = arith.constant 16383 : i32
    %and3A_182 = vector.broadcast %and3A_181 : i32 to vector<16xi32>
    %and3A_183 = arith.andi %get3A_171, %and3A_182 : vector<16xi32>
    %swap3A_184 = arith.constant 0 : i32
    %swap3A_185 = arith.index_cast %swap3A_184 : i32 to index
    %swap3A_186 = arith.constant 112 : index
    %swap3A_187 = tpu.vector_load %arg7[%swap3A_185, %swap3A_186] {strides = array<i32>} : memref<2x128xi32, #tpu.memory_space<vmem>>, vector<1x16xi32>,
    %swap3A_188 = vector.shape_cast %swap3A_187 : vector<1x16xi32> to vector<16xi32>
    %swap3A_189 = vector.shape_cast %and3A_183 : vector<16xi32> to vector<1x16xi32>
    tpu.vector_store %arg7[%swap3A_185, %swap3A_186], %swap3A_189 {strides = array<i32>} : memref<2x128xi32, #tpu.memory_space<vmem>>, vector<1x16xi32>,
    %dma_start3A = arith.constant 0 : i32
    %dma_start3A_190 = arith.constant 0 : i32
    %dma_start3A_191 = arith.constant 0 : i32
    %dma_start3A_192 = arith.constant 0 : i32
    %dma_start3A_193 = tpu.memref_slice %arg8[%dma_start3A_190, %dma_start3A_191, %dma_start3A_192] : memref<2x128x64xf32, #tpu.memory_space<vmem>> -> memref<1x128x64xf32, #tpu.memory_space<vmem>>
    %dma_start3A_194 = tpu.memref_squeeze %dma_start3A_193 : memref<1x128x64xf32, #tpu.memory_space<vmem>> -> memref<128x64xf32, #tpu.memory_space<vmem>>
    %dma_start3A_195 = arith.constant 0 : i32
    %dma_start3A_196 = tpu.memref_slice %arg6[%dma_start3A, %dma_start3A_195] : memref<2x128xi32, #tpu.memory_space<vmem>> -> memref<1x128xi32, #tpu.memory_space<vmem>>
    %dma_start3A_197 = tpu.memref_squeeze %dma_start3A_196 : memref<1x128xi32, #tpu.memory_space<vmem>> -> memref<128xi32, #tpu.memory_space<vmem>>
    %dma_start3A_198 = arith.constant 0 : i32
    %dma_start3A_199 = arith.constant 0 : i32
    %dma_start3A_200 = tpu.memref_slice %arg9[%dma_start3A_198, %dma_start3A_199] : memref<10112x64xf32, #tpu.memory_space<vmem_shared>> -> memref<10112x64xf32, #tpu.memory_space<vmem_shared>>
    tpu.enqueue_indirect_dma source(%dma_start3A_200 : memref<10112x64xf32, #tpu.memory_space<vmem_shared>>) target(%dma_start3A_194 : memref<128x64xf32, #tpu.memory_space<vmem>>) offsets(%dma_start3A_197 : memref<128xi32, #tpu.memory_space<vmem>>) semaphore(%arg11 : memref<!tpu.dma_semaphore, #tpu.memory_space<semaphore_mem>>)
    %get3A_201 = arith.constant 1 : i32
    %get3A_202 = arith.index_cast %get3A_201 : i32 to index
    %get3A_203 = arith.constant 0 : index
    %get3A_204 = tpu.vector_load %arg5[%get3A_202, %get3A_203] {strides = array<i32>} : memref<80x128xi32, #tpu.memory_space<vmem>>, vector<1x16xi32>,
    %get3A_205 = vector.shape_cast %get3A_204 : vector<1x16xi32> to vector<16xi32>
    %shift_right_logical3A_206 = arith.constant 14 : i32
    %shift_right_logical3A_207 = vector.broadcast %shift_right_logical3A_206 : i32 to vector<16xi32>
    %shift_right_logical3A_208 = arith.shrui %get3A_205, %shift_right_logical3A_207 : vector<16xi32>
    %swap3A_209 = arith.constant 1 : i32
    %swap3A_210 = arith.index_cast %swap3A_209 : i32 to index
    %swap3A_211 = arith.constant 0 : index
    %swap3A_212 = tpu.vector_load %arg6[%swap3A_210, %swap3A_211] {strides = array<i32>} : memref<2x128xi32, #tpu.memory_space<vmem>>, vector<1x16xi32>,
    %swap3A_213 = vector.shape_cast %swap3A_212 : vector<1x16xi32> to vector<16xi32>
    %swap3A_214 = vector.shape_cast %shift_right_logical3A_208 : vector<16xi32> to vector<1x16xi32>
    tpu.vector_store %arg6[%swap3A_210, %swap3A_211], %swap3A_214 {strides = array<i32>} : memref<2x128xi32, #tpu.memory_space<vmem>>, vector<1x16xi32>,
    %and3A_215 = arith.constant 16383 : i32
    %and3A_216 = vector.broadcast %and3A_215 : i32 to vector<16xi32>
    %and3A_217 = arith.andi %get3A_205, %and3A_216 : vector<16xi32>
    %swap3A_218 = arith.constant 1 : i32
    %swap3A_219 = arith.index_cast %swap3A_218 : i32 to index
    %swap3A_220 = arith.constant 0 : index
    %swap3A_221 = tpu.vector_load %arg7[%swap3A_219, %swap3A_220] {strides = array<i32>} : memref<2x128xi32, #tpu.memory_space<vmem>>, vector<1x16xi32>,
    %swap3A_222 = vector.shape_cast %swap3A_221 : vector<1x16xi32> to vector<16xi32>
    %swap3A_223 = vector.shape_cast %and3A_217 : vector<16xi32> to vector<1x16xi32>
    tpu.vector_store %arg7[%swap3A_219, %swap3A_220], %swap3A_223 {strides = array<i32>} : memref<2x128xi32, #tpu.memory_space<vmem>>, vector<1x16xi32>,
    %get3A_224 = arith.constant 1 : i32
    %get3A_225 = arith.index_cast %get3A_224 : i32 to index
    %get3A_226 = arith.constant 16 : index
    %get3A_227 = tpu.vector_load %arg5[%get3A_225, %get3A_226] {strides = array<i32>} : memref<80x128xi32, #tpu.memory_space<vmem>>, vector<1x16xi32>,
    %get3A_228 = vector.shape_cast %get3A_227 : vector<1x16xi32> to vector<16xi32>
    %shift_right_logical3A_229 = arith.constant 14 : i32
    %shift_right_logical3A_230 = vector.broadcast %shift_right_logical3A_229 : i32 to vector<16xi32>
    %shift_right_logical3A_231 = arith.shrui %get3A_228, %shift_right_logical3A_230 : vector<16xi32>
    %swap3A_232 = arith.constant 1 : i32
    %swap3A_233 = arith.index_cast %swap3A_232 : i32 to index
    %swap3A_234 = arith.constant 16 : index
    %swap3A_235 = tpu.vector_load %arg6[%swap3A_233, %swap3A_234] {strides = array<i32>} : memref<2x128xi32, #tpu.memory_space<vmem>>, vector<1x16xi32>,
    %swap3A_236 = vector.shape_cast %swap3A_235 : vector<1x16xi32> to vector<16xi32>
    %swap3A_237 = vector.shape_cast %shift_right_logical3A_231 : vector<16xi32> to vector<1x16xi32>
    tpu.vector_store %arg6[%swap3A_233, %swap3A_234], %swap3A_237 {strides = array<i32>} : memref<2x128xi32, #tpu.memory_space<vmem>>, vector<1x16xi32>,
    %and3A_238 = arith.constant 16383 : i32
    %and3A_239 = vector.broadcast %and3A_238 : i32 to vector<16xi32>
    %and3A_240 = arith.andi %get3A_228, %and3A_239 : vector<16xi32>
    %swap3A_241 = arith.constant 1 : i32
    %swap3A_242 = arith.index_cast %swap3A_241 : i32 to index
    %swap3A_243 = arith.constant 16 : index
    %swap3A_244 = tpu.vector_load %arg7[%swap3A_242, %swap3A_243] {strides = array<i32>} : memref<2x128xi32, #tpu.memory_space<vmem>>, vector<1x16xi32>,
    %swap3A_245 = vector.shape_cast %swap3A_244 : vector<1x16xi32> to vector<16xi32>
    %swap3A_246 = vector.shape_cast %and3A_240 : vector<16xi32> to vector<1x16xi32>
    tpu.vector_store %arg7[%swap3A_242, %swap3A_243], %swap3A_246 {strides = array<i32>} : memref<2x128xi32, #tpu.memory_space<vmem>>, vector<1x16xi32>,
    %get3A_247 = arith.constant 1 : i32
    %get3A_248 = arith.index_cast %get3A_247 : i32 to index
    %get3A_249 = arith.constant 32 : index
    %get3A_250 = tpu.vector_load %arg5[%get3A_248, %get3A_249] {strides = array<i32>} : memref<80x128xi32, #tpu.memory_space<vmem>>, vector<1x16xi32>,
    %get3A_251 = vector.shape_cast %get3A_250 : vector<1x16xi32> to vector<16xi32>
    %shift_right_logical3A_252 = arith.constant 14 : i32
    %shift_right_logical3A_253 = vector.broadcast %shift_right_logical3A_252 : i32 to vector<16xi32>
    %shift_right_logical3A_254 = arith.shrui %get3A_251, %shift_right_logical3A_253 : vector<16xi32>
    %swap3A_255 = arith.constant 1 : i32
    %swap3A_256 = arith.index_cast %swap3A_255 : i32 to index
    %swap3A_257 = arith.constant 32 : index
    %swap3A_258 = tpu.vector_load %arg6[%swap3A_256, %swap3A_257] {strides = array<i32>} : memref<2x128xi32, #tpu.memory_space<vmem>>, vector<1x16xi32>,
    %swap3A_259 = vector.shape_cast %swap3A_258 : vector<1x16xi32> to vector<16xi32>
    %swap3A_260 = vector.shape_cast %shift_right_logical3A_254 : vector<16xi32> to vector<1x16xi32>
    tpu.vector_store %arg6[%swap3A_256, %swap3A_257], %swap3A_260 {strides = array<i32>} : memref<2x128xi32, #tpu.memory_space<vmem>>, vector<1x16xi32>,
    %and3A_261 = arith.constant 16383 : i32
    %and3A_262 = vector.broadcast %and3A_261 : i32 to vector<16xi32>
    %and3A_263 = arith.andi %get3A_251, %and3A_262 : vector<16xi32>
    %swap3A_264 = arith.constant 1 : i32
    %swap3A_265 = arith.index_cast %swap3A_264 : i32 to index
    %swap3A_266 = arith.constant 32 : index
    %swap3A_267 = tpu.vector_load %arg7[%swap3A_265, %swap3A_266] {strides = array<i32>} : memref<2x128xi32, #tpu.memory_space<vmem>>, vector<1x16xi32>,
    %swap3A_268 = vector.shape_cast %swap3A_267 : vector<1x16xi32> to vector<16xi32>
    %swap3A_269 = vector.shape_cast %and3A_263 : vector<16xi32> to vector<1x16xi32>
    tpu.vector_store %arg7[%swap3A_265, %swap3A_266], %swap3A_269 {strides = array<i32>} : memref<2x128xi32, #tpu.memory_space<vmem>>, vector<1x16xi32>,
    %get3A_270 = arith.constant 1 : i32
    %get3A_271 = arith.index_cast %get3A_270 : i32 to index
    %get3A_272 = arith.constant 48 : index
    %get3A_273 = tpu.vector_load %arg5[%get3A_271, %get3A_272] {strides = array<i32>} : memref<80x128xi32, #tpu.memory_space<vmem>>, vector<1x16xi32>,
    %get3A_274 = vector.shape_cast %get3A_273 : vector<1x16xi32> to vector<16xi32>
    %shift_right_logical3A_275 = arith.constant 14 : i32
    %shift_right_logical3A_276 = vector.broadcast %shift_right_logical3A_275 : i32 to vector<16xi32>
    %shift_right_logical3A_277 = arith.shrui %get3A_274, %shift_right_logical3A_276 : vector<16xi32>
    %swap3A_278 = arith.constant 1 : i32
    %swap3A_279 = arith.index_cast %swap3A_278 : i32 to index
    %swap3A_280 = arith.constant 48 : index
    %swap3A_281 = tpu.vector_load %arg6[%swap3A_279, %swap3A_280] {strides = array<i32>} : memref<2x128xi32, #tpu.memory_space<vmem>>, vector<1x16xi32>,
    %swap3A_282 = vector.shape_cast %swap3A_281 : vector<1x16xi32> to vector<16xi32>
    %swap3A_283 = vector.shape_cast %shift_right_logical3A_277 : vector<16xi32> to vector<1x16xi32>
    tpu.vector_store %arg6[%swap3A_279, %swap3A_280], %swap3A_283 {strides = array<i32>} : memref<2x128xi32, #tpu.memory_space<vmem>>, vector<1x16xi32>,
    %and3A_284 = arith.constant 16383 : i32
    %and3A_285 = vector.broadcast %and3A_284 : i32 to vector<16xi32>
    %and3A_286 = arith.andi %get3A_274, %and3A_285 : vector<16xi32>
    %swap3A_287 = arith.constant 1 : i32
    %swap3A_288 = arith.index_cast %swap3A_287 : i32 to index
    %swap3A_289 = arith.constant 48 : index
    %swap3A_290 = tpu.vector_load %arg7[%swap3A_288, %swap3A_289] {strides = array<i32>} : memref<2x128xi32, #tpu.memory_space<vmem>>, vector<1x16xi32>,
    %swap3A_291 = vector.shape_cast %swap3A_290 : vector<1x16xi32> to vector<16xi32>
    %swap3A_292 = vector.shape_cast %and3A_286 : vector<16xi32> to vector<1x16xi32>
    tpu.vector_store %arg7[%swap3A_288, %swap3A_289], %swap3A_292 {strides = array<i32>} : memref<2x128xi32, #tpu.memory_space<vmem>>, vector<1x16xi32>,
    %get3A_293 = arith.constant 1 : i32
    %get3A_294 = arith.index_cast %get3A_293 : i32 to index
    %get3A_295 = arith.constant 64 : index
    %get3A_296 = tpu.vector_load %arg5[%get3A_294, %get3A_295] {strides = array<i32>} : memref<80x128xi32, #tpu.memory_space<vmem>>, vector<1x16xi32>,
    %get3A_297 = vector.shape_cast %get3A_296 : vector<1x16xi32> to vector<16xi32>
    %shift_right_logical3A_298 = arith.constant 14 : i32
    %shift_right_logical3A_299 = vector.broadcast %shift_right_logical3A_298 : i32 to vector<16xi32>
    %shift_right_logical3A_300 = arith.shrui %get3A_297, %shift_right_logical3A_299 : vector<16xi32>
    %swap3A_301 = arith.constant 1 : i32
    %swap3A_302 = arith.index_cast %swap3A_301 : i32 to index
    %swap3A_303 = arith.constant 64 : index
    %swap3A_304 = tpu.vector_load %arg6[%swap3A_302, %swap3A_303] {strides = array<i32>} : memref<2x128xi32, #tpu.memory_space<vmem>>, vector<1x16xi32>,
    %swap3A_305 = vector.shape_cast %swap3A_304 : vector<1x16xi32> to vector<16xi32>
    %swap3A_306 = vector.shape_cast %shift_right_logical3A_300 : vector<16xi32> to vector<1x16xi32>
    tpu.vector_store %arg6[%swap3A_302, %swap3A_303], %swap3A_306 {strides = array<i32>} : memref<2x128xi32, #tpu.memory_space<vmem>>, vector<1x16xi32>,
    %and3A_307 = arith.constant 16383 : i32
    %and3A_308 = vector.broadcast %and3A_307 : i32 to vector<16xi32>
    %and3A_309 = arith.andi %get3A_297, %and3A_308 : vector<16xi32>
    %swap3A_310 = arith.constant 1 : i32
    %swap3A_311 = arith.index_cast %swap3A_310 : i32 to index
    %swap3A_312 = arith.constant 64 : index
    %swap3A_313 = tpu.vector_load %arg7[%swap3A_311, %swap3A_312] {strides = array<i32>} : memref<2x128xi32, #tpu.memory_space<vmem>>, vector<1x16xi32>,
    %swap3A_314 = vector.shape_cast %swap3A_313 : vector<1x16xi32> to vector<16xi32>
    %swap3A_315 = vector.shape_cast %and3A_309 : vector<16xi32> to vector<1x16xi32>
    tpu.vector_store %arg7[%swap3A_311, %swap3A_312], %swap3A_315 {strides = array<i32>} : memref<2x128xi32, #tpu.memory_space<vmem>>, vector<1x16xi32>,
    %get3A_316 = arith.constant 1 : i32
    %get3A_317 = arith.index_cast %get3A_316 : i32 to index
    %get3A_318 = arith.constant 80 : index
    %get3A_319 = tpu.vector_load %arg5[%get3A_317, %get3A_318] {strides = array<i32>} : memref<80x128xi32, #tpu.memory_space<vmem>>, vector<1x16xi32>,
    %get3A_320 = vector.shape_cast %get3A_319 : vector<1x16xi32> to vector<16xi32>
    %shift_right_logical3A_321 = arith.constant 14 : i32
    %shift_right_logical3A_322 = vector.broadcast %shift_right_logical3A_321 : i32 to vector<16xi32>
    %shift_right_logical3A_323 = arith.shrui %get3A_320, %shift_right_logical3A_322 : vector<16xi32>
    %swap3A_324 = arith.constant 1 : i32
    %swap3A_325 = arith.index_cast %swap3A_324 : i32 to index
    %swap3A_326 = arith.constant 80 : index
    %swap3A_327 = tpu.vector_load %arg6[%swap3A_325, %swap3A_326] {strides = array<i32>} : memref<2x128xi32, #tpu.memory_space<vmem>>, vector<1x16xi32>,
    %swap3A_328 = vector.shape_cast %swap3A_327 : vector<1x16xi32> to vector<16xi32>
    %swap3A_329 = vector.shape_cast %shift_right_logical3A_323 : vector<16xi32> to vector<1x16xi32>
    tpu.vector_store %arg6[%swap3A_325, %swap3A_326], %swap3A_329 {strides = array<i32>} : memref<2x128xi32, #tpu.memory_space<vmem>>, vector<1x16xi32>,
    %and3A_330 = arith.constant 16383 : i32
    %and3A_331 = vector.broadcast %and3A_330 : i32 to vector<16xi32>
    %and3A_332 = arith.andi %get3A_320, %and3A_331 : vector<16xi32>
    %swap3A_333 = arith.constant 1 : i32
    %swap3A_334 = arith.index_cast %swap3A_333 : i32 to index
    %swap3A_335 = arith.constant 80 : index
    %swap3A_336 = tpu.vector_load %arg7[%swap3A_334, %swap3A_335] {strides = array<i32>} : memref<2x128xi32, #tpu.memory_space<vmem>>, vector<1x16xi32>,
    %swap3A_337 = vector.shape_cast %swap3A_336 : vector<1x16xi32> to vector<16xi32>
    %swap3A_338 = vector.shape_cast %and3A_332 : vector<16xi32> to vector<1x16xi32>
    tpu.vector_store %arg7[%swap3A_334, %swap3A_335], %swap3A_338 {strides = array<i32>} : memref<2x128xi32, #tpu.memory_space<vmem>>, vector<1x16xi32>,
    %get3A_339 = arith.constant 1 : i32
    %get3A_340 = arith.index_cast %get3A_339 : i32 to index
    %get3A_341 = arith.constant 96 : index
    %get3A_342 = tpu.vector_load %arg5[%get3A_340, %get3A_341] {strides = array<i32>} : memref<80x128xi32, #tpu.memory_space<vmem>>, vector<1x16xi32>,
    %get3A_343 = vector.shape_cast %get3A_342 : vector<1x16xi32> to vector<16xi32>
    %shift_right_logical3A_344 = arith.constant 14 : i32
    %shift_right_logical3A_345 = vector.broadcast %shift_right_logical3A_344 : i32 to vector<16xi32>
    %shift_right_logical3A_346 = arith.shrui %get3A_343, %shift_right_logical3A_345 : vector<16xi32>
    %swap3A_347 = arith.constant 1 : i32
    %swap3A_348 = arith.index_cast %swap3A_347 : i32 to index
    %swap3A_349 = arith.constant 96 : index
    %swap3A_350 = tpu.vector_load %arg6[%swap3A_348, %swap3A_349] {strides = array<i32>} : memref<2x128xi32, #tpu.memory_space<vmem>>, vector<1x16xi32>,
    %swap3A_351 = vector.shape_cast %swap3A_350 : vector<1x16xi32> to vector<16xi32>
    %swap3A_352 = vector.shape_cast %shift_right_logical3A_346 : vector<16xi32> to vector<1x16xi32>
    tpu.vector_store %arg6[%swap3A_348, %swap3A_349], %swap3A_352 {strides = array<i32>} : memref<2x128xi32, #tpu.memory_space<vmem>>, vector<1x16xi32>,
    %and3A_353 = arith.constant 16383 : i32
    %and3A_354 = vector.broadcast %and3A_353 : i32 to vector<16xi32>
    %and3A_355 = arith.andi %get3A_343, %and3A_354 : vector<16xi32>
    %swap3A_356 = arith.constant 1 : i32
    %swap3A_357 = arith.index_cast %swap3A_356 : i32 to index
    %swap3A_358 = arith.constant 96 : index
    %swap3A_359 = tpu.vector_load %arg7[%swap3A_357, %swap3A_358] {strides = array<i32>} : memref<2x128xi32, #tpu.memory_space<vmem>>, vector<1x16xi32>,
    %swap3A_360 = vector.shape_cast %swap3A_359 : vector<1x16xi32> to vector<16xi32>
    %swap3A_361 = vector.shape_cast %and3A_355 : vector<16xi32> to vector<1x16xi32>
    tpu.vector_store %arg7[%swap3A_357, %swap3A_358], %swap3A_361 {strides = array<i32>} : memref<2x128xi32, #tpu.memory_space<vmem>>, vector<1x16xi32>,
    %get3A_362 = arith.constant 1 : i32
    %get3A_363 = arith.index_cast %get3A_362 : i32 to index
    %get3A_364 = arith.constant 112 : index
    %get3A_365 = tpu.vector_load %arg5[%get3A_363, %get3A_364] {strides = array<i32>} : memref<80x128xi32, #tpu.memory_space<vmem>>, vector<1x16xi32>,
    %get3A_366 = vector.shape_cast %get3A_365 : vector<1x16xi32> to vector<16xi32>
    %shift_right_logical3A_367 = arith.constant 14 : i32
    %shift_right_logical3A_368 = vector.broadcast %shift_right_logical3A_367 : i32 to vector<16xi32>
    %shift_right_logical3A_369 = arith.shrui %get3A_366, %shift_right_logical3A_368 : vector<16xi32>
    %swap3A_370 = arith.constant 1 : i32
    %swap3A_371 = arith.index_cast %swap3A_370 : i32 to index
    %swap3A_372 = arith.constant 112 : index
    %swap3A_373 = tpu.vector_load %arg6[%swap3A_371, %swap3A_372] {strides = array<i32>} : memref<2x128xi32, #tpu.memory_space<vmem>>, vector<1x16xi32>,
    %swap3A_374 = vector.shape_cast %swap3A_373 : vector<1x16xi32> to vector<16xi32>
    %swap3A_375 = vector.shape_cast %shift_right_logical3A_369 : vector<16xi32> to vector<1x16xi32>
    tpu.vector_store %arg6[%swap3A_371, %swap3A_372], %swap3A_375 {strides = array<i32>} : memref<2x128xi32, #tpu.memory_space<vmem>>, vector<1x16xi32>,
    %and3A_376 = arith.constant 16383 : i32
    %and3A_377 = vector.broadcast %and3A_376 : i32 to vector<16xi32>
    %and3A_378 = arith.andi %get3A_366, %and3A_377 : vector<16xi32>
    %swap3A_379 = arith.constant 1 : i32
    %swap3A_380 = arith.index_cast %swap3A_379 : i32 to index
    %swap3A_381 = arith.constant 112 : index
    %swap3A_382 = tpu.vector_load %arg7[%swap3A_380, %swap3A_381] {strides = array<i32>} : memref<2x128xi32, #tpu.memory_space<vmem>>, vector<1x16xi32>,
    %swap3A_383 = vector.shape_cast %swap3A_382 : vector<1x16xi32> to vector<16xi32>
    %swap3A_384 = vector.shape_cast %and3A_378 : vector<16xi32> to vector<1x16xi32>
    tpu.vector_store %arg7[%swap3A_380, %swap3A_381], %swap3A_384 {strides = array<i32>} : memref<2x128xi32, #tpu.memory_space<vmem>>, vector<1x16xi32>,
    %dma_start3A_385 = arith.constant 1 : i32
    %dma_start3A_386 = arith.constant 1 : i32
    %dma_start3A_387 = arith.constant 0 : i32
    %dma_start3A_388 = arith.constant 0 : i32
    %dma_start3A_389 = tpu.memref_slice %arg8[%dma_start3A_386, %dma_start3A_387, %dma_start3A_388] : memref<2x128x64xf32, #tpu.memory_space<vmem>> -> memref<1x128x64xf32, #tpu.memory_space<vmem>>
    %dma_start3A_390 = tpu.memref_squeeze %dma_start3A_389 : memref<1x128x64xf32, #tpu.memory_space<vmem>> -> memref<128x64xf32, #tpu.memory_space<vmem>>
    %dma_start3A_391 = arith.constant 0 : i32
    %dma_start3A_392 = tpu.memref_slice %arg6[%dma_start3A_385, %dma_start3A_391] : memref<2x128xi32, #tpu.memory_space<vmem>> -> memref<1x128xi32, #tpu.memory_space<vmem>>
    %dma_start3A_393 = tpu.memref_squeeze %dma_start3A_392 : memref<1x128xi32, #tpu.memory_space<vmem>> -> memref<128xi32, #tpu.memory_space<vmem>>
    %dma_start3A_394 = arith.constant 0 : i32
    %dma_start3A_395 = arith.constant 0 : i32
    %dma_start3A_396 = tpu.memref_slice %arg9[%dma_start3A_394, %dma_start3A_395] : memref<10112x64xf32, #tpu.memory_space<vmem_shared>> -> memref<10112x64xf32, #tpu.memory_space<vmem_shared>>
    tpu.enqueue_indirect_dma source(%dma_start3A_396 : memref<10112x64xf32, #tpu.memory_space<vmem_shared>>) target(%dma_start3A_390 : memref<128x64xf32, #tpu.memory_space<vmem>>) offsets(%dma_start3A_393 : memref<128xi32, #tpu.memory_space<vmem>>) semaphore(%arg12 : memref<!tpu.dma_semaphore, #tpu.memory_space<semaphore_mem>>)
    %scan3A = arith.constant 0 : i32
    %scan3A_397 = arith.constant 40 : i32
    %scan3A_398 = arith.addi %scan3A, %scan3A_397 : i32
    %scan3A_399 = arith.constant 1 : i32
    scf.for %scan3A_809 = %scan3A to %scan3A_398 step %scan3A_399  : i32 {
      %mul3A_810 = arith.constant 2 : i32
      %mul3A_811 = arith.muli %scan3A_809, %mul3A_810 : i32
      %add3A = arith.constant 0 : i32
      %add3A_812 = arith.addi %add3A, %mul3A_811 : i32
      %add3A_813 = arith.constant 0 : i32
      %add3A_814 = arith.addi %add3A_812, %add3A_813 : i32
      %dma_wait3A = arith.constant 0 : i32
      %dma_wait3A_815 = arith.constant 0 : i32
      %dma_wait3A_816 = arith.constant 0 : i32
      %dma_wait3A_817 = arith.constant 0 : i32
      %dma_wait3A_818 = tpu.memref_slice %arg8[%dma_wait3A_815, %dma_wait3A_816, %dma_wait3A_817] : memref<2x128x64xf32, #tpu.memory_space<vmem>> -> memref<1x128x64xf32, #tpu.memory_space<vmem>>
      %dma_wait3A_819 = tpu.memref_squeeze %dma_wait3A_818 : memref<1x128x64xf32, #tpu.memory_space<vmem>> -> memref<128x64xf32, #tpu.memory_space<vmem>>
      %dma_wait3A_820 = arith.constant 0 : i32
      %dma_wait3A_821 = tpu.memref_slice %arg6[%dma_wait3A, %dma_wait3A_820] : memref<2x128xi32, #tpu.memory_space<vmem>> -> memref<1x128xi32, #tpu.memory_space<vmem>>
      %dma_wait3A_822 = tpu.memref_squeeze %dma_wait3A_821 : memref<1x128xi32, #tpu.memory_space<vmem>> -> memref<128xi32, #tpu.memory_space<vmem>>
      %dma_wait3A_823 = arith.constant 0 : i32
      %dma_wait3A_824 = arith.constant 0 : i32
      %dma_wait3A_825 = tpu.memref_slice %arg9[%dma_wait3A_823, %dma_wait3A_824] : memref<10112x64xf32, #tpu.memory_space<vmem_shared>> -> memref<10112x64xf32, #tpu.memory_space<vmem_shared>>
      tpu.wait_indirect_dma semaphore(%arg11 : memref<!tpu.dma_semaphore, #tpu.memory_space<semaphore_mem>>) src(%dma_wait3A_825 : memref<10112x64xf32, #tpu.memory_space<vmem_shared>>) dst(%dma_wait3A_819 : memref<128x64xf32, #tpu.memory_space<vmem>>)
      %run_scoped3A = arith.constant 0 : i32
      %run_scoped3A_826 = arith.constant 0 : i32
      "tpu.region"() ({
        %run_scoped3A_857 = tpu.sem_alloc : memref<!tpu.dma_semaphore, #tpu.memory_space<semaphore_mem>>
        %dma_start3A_858 = arith.constant 0 : i32
        %dma_start3A_859 = arith.constant 0 : i32
        %dma_start3A_860 = tpu.memref_slice %arg8[%run_scoped3A, %dma_start3A_858, %dma_start3A_859] : memref<2x128x64xf32, #tpu.memory_space<vmem>> -> memref<1x128x64xf32, #tpu.memory_space<vmem>>
        %dma_start3A_861 = tpu.memref_squeeze %dma_start3A_860 : memref<1x128x64xf32, #tpu.memory_space<vmem>> -> memref<128x64xf32, #tpu.memory_space<vmem>>
        %dma_start3A_862 = arith.constant 0 : i32
        %dma_start3A_863 = tpu.memref_slice %arg7[%run_scoped3A_826, %dma_start3A_862] : memref<2x128xi32, #tpu.memory_space<vmem>> -> memref<1x128xi32, #tpu.memory_space<vmem>>
        %dma_start3A_864 = tpu.memref_squeeze %dma_start3A_863 : memref<1x128xi32, #tpu.memory_space<vmem>> -> memref<128xi32, #tpu.memory_space<vmem>>
        %dma_start3A_865 = arith.constant 0 : i32
        %dma_start3A_866 = arith.constant 0 : i32
        %dma_start3A_867 = tpu.memref_slice %arg10[%dma_start3A_865, %dma_start3A_866] : memref<10112x64xf32, #tpu.memory_space<vmem_shared>> -> memref<10112x64xf32, #tpu.memory_space<vmem_shared>>
        tpu.enqueue_indirect_dma source(%dma_start3A_861 : memref<128x64xf32, #tpu.memory_space<vmem>>) target(%dma_start3A_867 : memref<10112x64xf32, #tpu.memory_space<vmem_shared>>) offsets(%dma_start3A_864 : memref<128xi32, #tpu.memory_space<vmem>>) semaphore(%run_scoped3A_857 : memref<!tpu.dma_semaphore, #tpu.memory_space<semaphore_mem>>) {add = true}
        %dma_wait3A_868 = arith.constant 0 : i32
        %dma_wait3A_869 = arith.constant 0 : i32
        %dma_wait3A_870 = tpu.memref_slice %arg8[%run_scoped3A, %dma_wait3A_868, %dma_wait3A_869] : memref<2x128x64xf32, #tpu.memory_space<vmem>> -> memref<1x128x64xf32, #tpu.memory_space<vmem>>
        %dma_wait3A_871 = tpu.memref_squeeze %dma_wait3A_870 : memref<1x128x64xf32, #tpu.memory_space<vmem>> -> memref<128x64xf32, #tpu.memory_space<vmem>>
        %dma_wait3A_872 = arith.constant 0 : i32
        %dma_wait3A_873 = tpu.memref_slice %arg7[%run_scoped3A_826, %dma_wait3A_872] : memref<2x128xi32, #tpu.memory_space<vmem>> -> memref<1x128xi32, #tpu.memory_space<vmem>>
        %dma_wait3A_874 = tpu.memref_squeeze %dma_wait3A_873 : memref<1x128xi32, #tpu.memory_space<vmem>> -> memref<128xi32, #tpu.memory_space<vmem>>
        %dma_wait3A_875 = arith.constant 0 : i32
        %dma_wait3A_876 = arith.constant 0 : i32
        %dma_wait3A_877 = tpu.memref_slice %arg10[%dma_wait3A_875, %dma_wait3A_876] : memref<10112x64xf32, #tpu.memory_space<vmem_shared>> -> memref<10112x64xf32, #tpu.memory_space<vmem_shared>>
        tpu.wait_indirect_dma semaphore(%run_scoped3A_857 : memref<!tpu.dma_semaphore, #tpu.memory_space<semaphore_mem>>) src(%dma_wait3A_871 : memref<128x64xf32, #tpu.memory_space<vmem>>) dst(%dma_wait3A_877 : memref<10112x64xf32, #tpu.memory_space<vmem_shared>>)
        tpu.yield
      }) : () -> ()
      %add3A_827 = arith.constant 2 : i32
      %add3A_828 = arith.addi %add3A_814, %add3A_827 : i32
      %lt3A_829 = arith.constant 80 : i32
      %lt3A_830 = arith.cmpi slt, %add3A_828, %lt3A_829 : i32
      %convert_element_type3A_831 = arith.extui %lt3A_830 : i1 to i32
      %cond3A_832 = arith.constant 0 : i32
      %cond3A_833 = arith.cmpi ne, %convert_element_type3A_831, %cond3A_832 : i32
      scf.if %cond3A_833 {
        %add3A_857 = arith.constant 2 : i32
        %add3A_858 = arith.addi %add3A_814, %add3A_857 : i32
        %get3A_859 = arith.index_cast %add3A_858 : i32 to index
        %get3A_860 = arith.constant 0 : index
        %get3A_861 = tpu.vector_load %arg5[%get3A_859, %get3A_860] {strides = array<i32>} : memref<80x128xi32, #tpu.memory_space<vmem>>, vector<1x16xi32>,
        %get3A_862 = vector.shape_cast %get3A_861 : vector<1x16xi32> to vector<16xi32>
        %shift_right_logical3A_863 = arith.constant 14 : i32
        %shift_right_logical3A_864 = vector.broadcast %shift_right_logical3A_863 : i32 to vector<16xi32>
        %shift_right_logical3A_865 = arith.shrui %get3A_862, %shift_right_logical3A_864 : vector<16xi32>
        %swap3A_866 = arith.constant 0 : i32
        %swap3A_867 = arith.index_cast %swap3A_866 : i32 to index
        %swap3A_868 = arith.constant 0 : index
        %swap3A_869 = tpu.vector_load %arg6[%swap3A_867, %swap3A_868] {strides = array<i32>} : memref<2x128xi32, #tpu.memory_space<vmem>>, vector<1x16xi32>,
        %swap3A_870 = vector.shape_cast %swap3A_869 : vector<1x16xi32> to vector<16xi32>
        %swap3A_871 = vector.shape_cast %shift_right_logical3A_865 : vector<16xi32> to vector<1x16xi32>
        tpu.vector_store %arg6[%swap3A_867, %swap3A_868], %swap3A_871 {strides = array<i32>} : memref<2x128xi32, #tpu.memory_space<vmem>>, vector<1x16xi32>,
        %and3A_872 = arith.constant 16383 : i32
        %and3A_873 = vector.broadcast %and3A_872 : i32 to vector<16xi32>
        %and3A_874 = arith.andi %get3A_862, %and3A_873 : vector<16xi32>
        %swap3A_875 = arith.constant 0 : i32
        %swap3A_876 = arith.index_cast %swap3A_875 : i32 to index
        %swap3A_877 = arith.constant 0 : index
        %swap3A_878 = tpu.vector_load %arg7[%swap3A_876, %swap3A_877] {strides = array<i32>} : memref<2x128xi32, #tpu.memory_space<vmem>>, vector<1x16xi32>,
        %swap3A_879 = vector.shape_cast %swap3A_878 : vector<1x16xi32> to vector<16xi32>
        %swap3A_880 = vector.shape_cast %and3A_874 : vector<16xi32> to vector<1x16xi32>
        tpu.vector_store %arg7[%swap3A_876, %swap3A_877], %swap3A_880 {strides = array<i32>} : memref<2x128xi32, #tpu.memory_space<vmem>>, vector<1x16xi32>,
        %get3A_881 = arith.index_cast %add3A_858 : i32 to index
        %get3A_882 = arith.constant 16 : index
        %get3A_883 = tpu.vector_load %arg5[%get3A_881, %get3A_882] {strides = array<i32>} : memref<80x128xi32, #tpu.memory_space<vmem>>, vector<1x16xi32>,
        %get3A_884 = vector.shape_cast %get3A_883 : vector<1x16xi32> to vector<16xi32>
        %shift_right_logical3A_885 = arith.constant 14 : i32
        %shift_right_logical3A_886 = vector.broadcast %shift_right_logical3A_885 : i32 to vector<16xi32>
        %shift_right_logical3A_887 = arith.shrui %get3A_884, %shift_right_logical3A_886 : vector<16xi32>
        %swap3A_888 = arith.constant 0 : i32
        %swap3A_889 = arith.index_cast %swap3A_888 : i32 to index
        %swap3A_890 = arith.constant 16 : index
        %swap3A_891 = tpu.vector_load %arg6[%swap3A_889, %swap3A_890] {strides = array<i32>} : memref<2x128xi32, #tpu.memory_space<vmem>>, vector<1x16xi32>,
        %swap3A_892 = vector.shape_cast %swap3A_891 : vector<1x16xi32> to vector<16xi32>
        %swap3A_893 = vector.shape_cast %shift_right_logical3A_887 : vector<16xi32> to vector<1x16xi32>
        tpu.vector_store %arg6[%swap3A_889, %swap3A_890], %swap3A_893 {strides = array<i32>} : memref<2x128xi32, #tpu.memory_space<vmem>>, vector<1x16xi32>,
        %and3A_894 = arith.constant 16383 : i32
        %and3A_895 = vector.broadcast %and3A_894 : i32 to vector<16xi32>
        %and3A_896 = arith.andi %get3A_884, %and3A_895 : vector<16xi32>
        %swap3A_897 = arith.constant 0 : i32
        %swap3A_898 = arith.index_cast %swap3A_897 : i32 to index
        %swap3A_899 = arith.constant 16 : index
        %swap3A_900 = tpu.vector_load %arg7[%swap3A_898, %swap3A_899] {strides = array<i32>} : memref<2x128xi32, #tpu.memory_space<vmem>>, vector<1x16xi32>,
        %swap3A_901 = vector.shape_cast %swap3A_900 : vector<1x16xi32> to vector<16xi32>
        %swap3A_902 = vector.shape_cast %and3A_896 : vector<16xi32> to vector<1x16xi32>
        tpu.vector_store %arg7[%swap3A_898, %swap3A_899], %swap3A_902 {strides = array<i32>} : memref<2x128xi32, #tpu.memory_space<vmem>>, vector<1x16xi32>,
        %get3A_903 = arith.index_cast %add3A_858 : i32 to index
        %get3A_904 = arith.constant 32 : index
        %get3A_905 = tpu.vector_load %arg5[%get3A_903, %get3A_904] {strides = array<i32>} : memref<80x128xi32, #tpu.memory_space<vmem>>, vector<1x16xi32>,
        %get3A_906 = vector.shape_cast %get3A_905 : vector<1x16xi32> to vector<16xi32>
        %shift_right_logical3A_907 = arith.constant 14 : i32
        %shift_right_logical3A_908 = vector.broadcast %shift_right_logical3A_907 : i32 to vector<16xi32>
        %shift_right_logical3A_909 = arith.shrui %get3A_906, %shift_right_logical3A_908 : vector<16xi32>
        %swap3A_910 = arith.constant 0 : i32
        %swap3A_911 = arith.index_cast %swap3A_910 : i32 to index
        %swap3A_912 = arith.constant 32 : index
        %swap3A_913 = tpu.vector_load %arg6[%swap3A_911, %swap3A_912] {strides = array<i32>} : memref<2x128xi32, #tpu.memory_space<vmem>>, vector<1x16xi32>,
        %swap3A_914 = vector.shape_cast %swap3A_913 : vector<1x16xi32> to vector<16xi32>
        %swap3A_915 = vector.shape_cast %shift_right_logical3A_909 : vector<16xi32> to vector<1x16xi32>
        tpu.vector_store %arg6[%swap3A_911, %swap3A_912], %swap3A_915 {strides = array<i32>} : memref<2x128xi32, #tpu.memory_space<vmem>>, vector<1x16xi32>,
        %and3A_916 = arith.constant 16383 : i32
        %and3A_917 = vector.broadcast %and3A_916 : i32 to vector<16xi32>
        %and3A_918 = arith.andi %get3A_906, %and3A_917 : vector<16xi32>
        %swap3A_919 = arith.constant 0 : i32
        %swap3A_920 = arith.index_cast %swap3A_919 : i32 to index
        %swap3A_921 = arith.constant 32 : index
        %swap3A_922 = tpu.vector_load %arg7[%swap3A_920, %swap3A_921] {strides = array<i32>} : memref<2x128xi32, #tpu.memory_space<vmem>>, vector<1x16xi32>,
        %swap3A_923 = vector.shape_cast %swap3A_922 : vector<1x16xi32> to vector<16xi32>
        %swap3A_924 = vector.shape_cast %and3A_918 : vector<16xi32> to vector<1x16xi32>
        tpu.vector_store %arg7[%swap3A_920, %swap3A_921], %swap3A_924 {strides = array<i32>} : memref<2x128xi32, #tpu.memory_space<vmem>>, vector<1x16xi32>,
        %get3A_925 = arith.index_cast %add3A_858 : i32 to index
        %get3A_926 = arith.constant 48 : index
        %get3A_927 = tpu.vector_load %arg5[%get3A_925, %get3A_926] {strides = array<i32>} : memref<80x128xi32, #tpu.memory_space<vmem>>, vector<1x16xi32>,
        %get3A_928 = vector.shape_cast %get3A_927 : vector<1x16xi32> to vector<16xi32>
        %shift_right_logical3A_929 = arith.constant 14 : i32
        %shift_right_logical3A_930 = vector.broadcast %shift_right_logical3A_929 : i32 to vector<16xi32>
        %shift_right_logical3A_931 = arith.shrui %get3A_928, %shift_right_logical3A_930 : vector<16xi32>
        %swap3A_932 = arith.constant 0 : i32
        %swap3A_933 = arith.index_cast %swap3A_932 : i32 to index
        %swap3A_934 = arith.constant 48 : index
        %swap3A_935 = tpu.vector_load %arg6[%swap3A_933, %swap3A_934] {strides = array<i32>} : memref<2x128xi32, #tpu.memory_space<vmem>>, vector<1x16xi32>,
        %swap3A_936 = vector.shape_cast %swap3A_935 : vector<1x16xi32> to vector<16xi32>
        %swap3A_937 = vector.shape_cast %shift_right_logical3A_931 : vector<16xi32> to vector<1x16xi32>
        tpu.vector_store %arg6[%swap3A_933, %swap3A_934], %swap3A_937 {strides = array<i32>} : memref<2x128xi32, #tpu.memory_space<vmem>>, vector<1x16xi32>,
        %and3A_938 = arith.constant 16383 : i32
        %and3A_939 = vector.broadcast %and3A_938 : i32 to vector<16xi32>
        %and3A_940 = arith.andi %get3A_928, %and3A_939 : vector<16xi32>
        %swap3A_941 = arith.constant 0 : i32
        %swap3A_942 = arith.index_cast %swap3A_941 : i32 to index
        %swap3A_943 = arith.constant 48 : index
        %swap3A_944 = tpu.vector_load %arg7[%swap3A_942, %swap3A_943] {strides = array<i32>} : memref<2x128xi32, #tpu.memory_space<vmem>>, vector<1x16xi32>,
        %swap3A_945 = vector.shape_cast %swap3A_944 : vector<1x16xi32> to vector<16xi32>
        %swap3A_946 = vector.shape_cast %and3A_940 : vector<16xi32> to vector<1x16xi32>
        tpu.vector_store %arg7[%swap3A_942, %swap3A_943], %swap3A_946 {strides = array<i32>} : memref<2x128xi32, #tpu.memory_space<vmem>>, vector<1x16xi32>,
        %get3A_947 = arith.index_cast %add3A_858 : i32 to index
        %get3A_948 = arith.constant 64 : index
        %get3A_949 = tpu.vector_load %arg5[%get3A_947, %get3A_948] {strides = array<i32>} : memref<80x128xi32, #tpu.memory_space<vmem>>, vector<1x16xi32>,
        %get3A_950 = vector.shape_cast %get3A_949 : vector<1x16xi32> to vector<16xi32>
        %shift_right_logical3A_951 = arith.constant 14 : i32
        %shift_right_logical3A_952 = vector.broadcast %shift_right_logical3A_951 : i32 to vector<16xi32>
        %shift_right_logical3A_953 = arith.shrui %get3A_950, %shift_right_logical3A_952 : vector<16xi32>
        %swap3A_954 = arith.constant 0 : i32
        %swap3A_955 = arith.index_cast %swap3A_954 : i32 to index
        %swap3A_956 = arith.constant 64 : index
        %swap3A_957 = tpu.vector_load %arg6[%swap3A_955, %swap3A_956] {strides = array<i32>} : memref<2x128xi32, #tpu.memory_space<vmem>>, vector<1x16xi32>,
        %swap3A_958 = vector.shape_cast %swap3A_957 : vector<1x16xi32> to vector<16xi32>
        %swap3A_959 = vector.shape_cast %shift_right_logical3A_953 : vector<16xi32> to vector<1x16xi32>
        tpu.vector_store %arg6[%swap3A_955, %swap3A_956], %swap3A_959 {strides = array<i32>} : memref<2x128xi32, #tpu.memory_space<vmem>>, vector<1x16xi32>,
        %and3A_960 = arith.constant 16383 : i32
        %and3A_961 = vector.broadcast %and3A_960 : i32 to vector<16xi32>
        %and3A_962 = arith.andi %get3A_950, %and3A_961 : vector<16xi32>
        %swap3A_963 = arith.constant 0 : i32
        %swap3A_964 = arith.index_cast %swap3A_963 : i32 to index
        %swap3A_965 = arith.constant 64 : index
        %swap3A_966 = tpu.vector_load %arg7[%swap3A_964, %swap3A_965] {strides = array<i32>} : memref<2x128xi32, #tpu.memory_space<vmem>>, vector<1x16xi32>,
        %swap3A_967 = vector.shape_cast %swap3A_966 : vector<1x16xi32> to vector<16xi32>
        %swap3A_968 = vector.shape_cast %and3A_962 : vector<16xi32> to vector<1x16xi32>
        tpu.vector_store %arg7[%swap3A_964, %swap3A_965], %swap3A_968 {strides = array<i32>} : memref<2x128xi32, #tpu.memory_space<vmem>>, vector<1x16xi32>,
        %get3A_969 = arith.index_cast %add3A_858 : i32 to index
        %get3A_970 = arith.constant 80 : index
        %get3A_971 = tpu.vector_load %arg5[%get3A_969, %get3A_970] {strides = array<i32>} : memref<80x128xi32, #tpu.memory_space<vmem>>, vector<1x16xi32>,
        %get3A_972 = vector.shape_cast %get3A_971 : vector<1x16xi32> to vector<16xi32>
        %shift_right_logical3A_973 = arith.constant 14 : i32
        %shift_right_logical3A_974 = vector.broadcast %shift_right_logical3A_973 : i32 to vector<16xi32>
        %shift_right_logical3A_975 = arith.shrui %get3A_972, %shift_right_logical3A_974 : vector<16xi32>
        %swap3A_976 = arith.constant 0 : i32
        %swap3A_977 = arith.index_cast %swap3A_976 : i32 to index
        %swap3A_978 = arith.constant 80 : index
        %swap3A_979 = tpu.vector_load %arg6[%swap3A_977, %swap3A_978] {strides = array<i32>} : memref<2x128xi32, #tpu.memory_space<vmem>>, vector<1x16xi32>,
        %swap3A_980 = vector.shape_cast %swap3A_979 : vector<1x16xi32> to vector<16xi32>
        %swap3A_981 = vector.shape_cast %shift_right_logical3A_975 : vector<16xi32> to vector<1x16xi32>
        tpu.vector_store %arg6[%swap3A_977, %swap3A_978], %swap3A_981 {strides = array<i32>} : memref<2x128xi32, #tpu.memory_space<vmem>>, vector<1x16xi32>,
        %and3A_982 = arith.constant 16383 : i32
        %and3A_983 = vector.broadcast %and3A_982 : i32 to vector<16xi32>
        %and3A_984 = arith.andi %get3A_972, %and3A_983 : vector<16xi32>
        %swap3A_985 = arith.constant 0 : i32
        %swap3A_986 = arith.index_cast %swap3A_985 : i32 to index
        %swap3A_987 = arith.constant 80 : index
        %swap3A_988 = tpu.vector_load %arg7[%swap3A_986, %swap3A_987] {strides = array<i32>} : memref<2x128xi32, #tpu.memory_space<vmem>>, vector<1x16xi32>,
        %swap3A_989 = vector.shape_cast %swap3A_988 : vector<1x16xi32> to vector<16xi32>
        %swap3A_990 = vector.shape_cast %and3A_984 : vector<16xi32> to vector<1x16xi32>
        tpu.vector_store %arg7[%swap3A_986, %swap3A_987], %swap3A_990 {strides = array<i32>} : memref<2x128xi32, #tpu.memory_space<vmem>>, vector<1x16xi32>,
        %get3A_991 = arith.index_cast %add3A_858 : i32 to index
        %get3A_992 = arith.constant 96 : index
        %get3A_993 = tpu.vector_load %arg5[%get3A_991, %get3A_992] {strides = array<i32>} : memref<80x128xi32, #tpu.memory_space<vmem>>, vector<1x16xi32>,
        %get3A_994 = vector.shape_cast %get3A_993 : vector<1x16xi32> to vector<16xi32>
        %shift_right_logical3A_995 = arith.constant 14 : i32
        %shift_right_logical3A_996 = vector.broadcast %shift_right_logical3A_995 : i32 to vector<16xi32>
        %shift_right_logical3A_997 = arith.shrui %get3A_994, %shift_right_logical3A_996 : vector<16xi32>
        %swap3A_998 = arith.constant 0 : i32
        %swap3A_999 = arith.index_cast %swap3A_998 : i32 to index
        %swap3A_1000 = arith.constant 96 : index
        %swap3A_1001 = tpu.vector_load %arg6[%swap3A_999, %swap3A_1000] {strides = array<i32>} : memref<2x128xi32, #tpu.memory_space<vmem>>, vector<1x16xi32>,
        %swap3A_1002 = vector.shape_cast %swap3A_1001 : vector<1x16xi32> to vector<16xi32>
        %swap3A_1003 = vector.shape_cast %shift_right_logical3A_997 : vector<16xi32> to vector<1x16xi32>
        tpu.vector_store %arg6[%swap3A_999, %swap3A_1000], %swap3A_1003 {strides = array<i32>} : memref<2x128xi32, #tpu.memory_space<vmem>>, vector<1x16xi32>,
        %and3A_1004 = arith.constant 16383 : i32
        %and3A_1005 = vector.broadcast %and3A_1004 : i32 to vector<16xi32>
        %and3A_1006 = arith.andi %get3A_994, %and3A_1005 : vector<16xi32>
        %swap3A_1007 = arith.constant 0 : i32
        %swap3A_1008 = arith.index_cast %swap3A_1007 : i32 to index
        %swap3A_1009 = arith.constant 96 : index
        %swap3A_1010 = tpu.vector_load %arg7[%swap3A_1008, %swap3A_1009] {strides = array<i32>} : memref<2x128xi32, #tpu.memory_space<vmem>>, vector<1x16xi32>,
        %swap3A_1011 = vector.shape_cast %swap3A_1010 : vector<1x16xi32> to vector<16xi32>
        %swap3A_1012 = vector.shape_cast %and3A_1006 : vector<16xi32> to vector<1x16xi32>
        tpu.vector_store %arg7[%swap3A_1008, %swap3A_1009], %swap3A_1012 {strides = array<i32>} : memref<2x128xi32, #tpu.memory_space<vmem>>, vector<1x16xi32>,
        %get3A_1013 = arith.index_cast %add3A_858 : i32 to index
        %get3A_1014 = arith.constant 112 : index
        %get3A_1015 = tpu.vector_load %arg5[%get3A_1013, %get3A_1014] {strides = array<i32>} : memref<80x128xi32, #tpu.memory_space<vmem>>, vector<1x16xi32>,
        %get3A_1016 = vector.shape_cast %get3A_1015 : vector<1x16xi32> to vector<16xi32>
        %shift_right_logical3A_1017 = arith.constant 14 : i32
        %shift_right_logical3A_1018 = vector.broadcast %shift_right_logical3A_1017 : i32 to vector<16xi32>
        %shift_right_logical3A_1019 = arith.shrui %get3A_1016, %shift_right_logical3A_1018 : vector<16xi32>
        %swap3A_1020 = arith.constant 0 : i32
        %swap3A_1021 = arith.index_cast %swap3A_1020 : i32 to index
        %swap3A_1022 = arith.constant 112 : index
        %swap3A_1023 = tpu.vector_load %arg6[%swap3A_1021, %swap3A_1022] {strides = array<i32>} : memref<2x128xi32, #tpu.memory_space<vmem>>, vector<1x16xi32>,
        %swap3A_1024 = vector.shape_cast %swap3A_1023 : vector<1x16xi32> to vector<16xi32>
        %swap3A_1025 = vector.shape_cast %shift_right_logical3A_1019 : vector<16xi32> to vector<1x16xi32>
        tpu.vector_store %arg6[%swap3A_1021, %swap3A_1022], %swap3A_1025 {strides = array<i32>} : memref<2x128xi32, #tpu.memory_space<vmem>>, vector<1x16xi32>,
        %and3A_1026 = arith.constant 16383 : i32
        %and3A_1027 = vector.broadcast %and3A_1026 : i32 to vector<16xi32>
        %and3A_1028 = arith.andi %get3A_1016, %and3A_1027 : vector<16xi32>
        %swap3A_1029 = arith.constant 0 : i32
        %swap3A_1030 = arith.index_cast %swap3A_1029 : i32 to index
        %swap3A_1031 = arith.constant 112 : index
        %swap3A_1032 = tpu.vector_load %arg7[%swap3A_1030, %swap3A_1031] {strides = array<i32>} : memref<2x128xi32, #tpu.memory_space<vmem>>, vector<1x16xi32>,
        %swap3A_1033 = vector.shape_cast %swap3A_1032 : vector<1x16xi32> to vector<16xi32>
        %swap3A_1034 = vector.shape_cast %and3A_1028 : vector<16xi32> to vector<1x16xi32>
        tpu.vector_store %arg7[%swap3A_1030, %swap3A_1031], %swap3A_1034 {strides = array<i32>} : memref<2x128xi32, #tpu.memory_space<vmem>>, vector<1x16xi32>,
        %dma_start3A_1035 = arith.constant 0 : i32
        %dma_start3A_1036 = arith.constant 0 : i32
        %dma_start3A_1037 = arith.constant 0 : i32
        %dma_start3A_1038 = arith.constant 0 : i32
        %dma_start3A_1039 = tpu.memref_slice %arg8[%dma_start3A_1036, %dma_start3A_1037, %dma_start3A_1038] : memref<2x128x64xf32, #tpu.memory_space<vmem>> -> memref<1x128x64xf32, #tpu.memory_space<vmem>>
        %dma_start3A_1040 = tpu.memref_squeeze %dma_start3A_1039 : memref<1x128x64xf32, #tpu.memory_space<vmem>> -> memref<128x64xf32, #tpu.memory_space<vmem>>
        %dma_start3A_1041 = arith.constant 0 : i32
        %dma_start3A_1042 = tpu.memref_slice %arg6[%dma_start3A_1035, %dma_start3A_1041] : memref<2x128xi32, #tpu.memory_space<vmem>> -> memref<1x128xi32, #tpu.memory_space<vmem>>
        %dma_start3A_1043 = tpu.memref_squeeze %dma_start3A_1042 : memref<1x128xi32, #tpu.memory_space<vmem>> -> memref<128xi32, #tpu.memory_space<vmem>>
        %dma_start3A_1044 = arith.constant 0 : i32
        %dma_start3A_1045 = arith.constant 0 : i32
        %dma_start3A_1046 = tpu.memref_slice %arg9[%dma_start3A_1044, %dma_start3A_1045] : memref<10112x64xf32, #tpu.memory_space<vmem_shared>> -> memref<10112x64xf32, #tpu.memory_space<vmem_shared>>
        tpu.enqueue_indirect_dma source(%dma_start3A_1046 : memref<10112x64xf32, #tpu.memory_space<vmem_shared>>) target(%dma_start3A_1040 : memref<128x64xf32, #tpu.memory_space<vmem>>) offsets(%dma_start3A_1043 : memref<128xi32, #tpu.memory_space<vmem>>) semaphore(%arg11 : memref<!tpu.dma_semaphore, #tpu.memory_space<semaphore_mem>>)
      } else {
      }
      %add3A_834 = arith.constant 1 : i32
      %add3A_835 = arith.addi %add3A_812, %add3A_834 : i32
      %dma_wait3A_836 = arith.constant 1 : i32
      %dma_wait3A_837 = arith.constant 1 : i32
      %dma_wait3A_838 = arith.constant 0 : i32
      %dma_wait3A_839 = arith.constant 0 : i32
      %dma_wait3A_840 = tpu.memref_slice %arg8[%dma_wait3A_837, %dma_wait3A_838, %dma_wait3A_839] : memref<2x128x64xf32, #tpu.memory_space<vmem>> -> memref<1x128x64xf32, #tpu.memory_space<vmem>>
      %dma_wait3A_841 = tpu.memref_squeeze %dma_wait3A_840 : memref<1x128x64xf32, #tpu.memory_space<vmem>> -> memref<128x64xf32, #tpu.memory_space<vmem>>
      %dma_wait3A_842 = arith.constant 0 : i32
      %dma_wait3A_843 = tpu.memref_slice %arg6[%dma_wait3A_836, %dma_wait3A_842] : memref<2x128xi32, #tpu.memory_space<vmem>> -> memref<1x128xi32, #tpu.memory_space<vmem>>
      %dma_wait3A_844 = tpu.memref_squeeze %dma_wait3A_843 : memref<1x128xi32, #tpu.memory_space<vmem>> -> memref<128xi32, #tpu.memory_space<vmem>>
      %dma_wait3A_845 = arith.constant 0 : i32
      %dma_wait3A_846 = arith.constant 0 : i32
      %dma_wait3A_847 = tpu.memref_slice %arg9[%dma_wait3A_845, %dma_wait3A_846] : memref<10112x64xf32, #tpu.memory_space<vmem_shared>> -> memref<10112x64xf32, #tpu.memory_space<vmem_shared>>
      tpu.wait_indirect_dma semaphore(%arg12 : memref<!tpu.dma_semaphore, #tpu.memory_space<semaphore_mem>>) src(%dma_wait3A_847 : memref<10112x64xf32, #tpu.memory_space<vmem_shared>>) dst(%dma_wait3A_841 : memref<128x64xf32, #tpu.memory_space<vmem>>)
      %run_scoped3A_848 = arith.constant 1 : i32
      %run_scoped3A_849 = arith.constant 1 : i32
      "tpu.region"() ({
        %run_scoped3A_857 = tpu.sem_alloc : memref<!tpu.dma_semaphore, #tpu.memory_space<semaphore_mem>>
        %dma_start3A_858 = arith.constant 0 : i32
        %dma_start3A_859 = arith.constant 0 : i32
        %dma_start3A_860 = tpu.memref_slice %arg8[%run_scoped3A_848, %dma_start3A_858, %dma_start3A_859] : memref<2x128x64xf32, #tpu.memory_space<vmem>> -> memref<1x128x64xf32, #tpu.memory_space<vmem>>
        %dma_start3A_861 = tpu.memref_squeeze %dma_start3A_860 : memref<1x128x64xf32, #tpu.memory_space<vmem>> -> memref<128x64xf32, #tpu.memory_space<vmem>>
        %dma_start3A_862 = arith.constant 0 : i32
        %dma_start3A_863 = tpu.memref_slice %arg7[%run_scoped3A_849, %dma_start3A_862] : memref<2x128xi32, #tpu.memory_space<vmem>> -> memref<1x128xi32, #tpu.memory_space<vmem>>
        %dma_start3A_864 = tpu.memref_squeeze %dma_start3A_863 : memref<1x128xi32, #tpu.memory_space<vmem>> -> memref<128xi32, #tpu.memory_space<vmem>>
        %dma_start3A_865 = arith.constant 0 : i32
        %dma_start3A_866 = arith.constant 0 : i32
        %dma_start3A_867 = tpu.memref_slice %arg10[%dma_start3A_865, %dma_start3A_866] : memref<10112x64xf32, #tpu.memory_space<vmem_shared>> -> memref<10112x64xf32, #tpu.memory_space<vmem_shared>>
        tpu.enqueue_indirect_dma source(%dma_start3A_861 : memref<128x64xf32, #tpu.memory_space<vmem>>) target(%dma_start3A_867 : memref<10112x64xf32, #tpu.memory_space<vmem_shared>>) offsets(%dma_start3A_864 : memref<128xi32, #tpu.memory_space<vmem>>) semaphore(%run_scoped3A_857 : memref<!tpu.dma_semaphore, #tpu.memory_space<semaphore_mem>>) {add = true}
        %dma_wait3A_868 = arith.constant 0 : i32
        %dma_wait3A_869 = arith.constant 0 : i32
        %dma_wait3A_870 = tpu.memref_slice %arg8[%run_scoped3A_848, %dma_wait3A_868, %dma_wait3A_869] : memref<2x128x64xf32, #tpu.memory_space<vmem>> -> memref<1x128x64xf32, #tpu.memory_space<vmem>>
        %dma_wait3A_871 = tpu.memref_squeeze %dma_wait3A_870 : memref<1x128x64xf32, #tpu.memory_space<vmem>> -> memref<128x64xf32, #tpu.memory_space<vmem>>
        %dma_wait3A_872 = arith.constant 0 : i32
        %dma_wait3A_873 = tpu.memref_slice %arg7[%run_scoped3A_849, %dma_wait3A_872] : memref<2x128xi32, #tpu.memory_space<vmem>> -> memref<1x128xi32, #tpu.memory_space<vmem>>
        %dma_wait3A_874 = tpu.memref_squeeze %dma_wait3A_873 : memref<1x128xi32, #tpu.memory_space<vmem>> -> memref<128xi32, #tpu.memory_space<vmem>>
        %dma_wait3A_875 = arith.constant 0 : i32
        %dma_wait3A_876 = arith.constant 0 : i32
        %dma_wait3A_877 = tpu.memref_slice %arg10[%dma_wait3A_875, %dma_wait3A_876] : memref<10112x64xf32, #tpu.memory_space<vmem_shared>> -> memref<10112x64xf32, #tpu.memory_space<vmem_shared>>
        tpu.wait_indirect_dma semaphore(%run_scoped3A_857 : memref<!tpu.dma_semaphore, #tpu.memory_space<semaphore_mem>>) src(%dma_wait3A_871 : memref<128x64xf32, #tpu.memory_space<vmem>>) dst(%dma_wait3A_877 : memref<10112x64xf32, #tpu.memory_space<vmem_shared>>)
        tpu.yield
      }) : () -> ()
      %add3A_850 = arith.constant 2 : i32
      %add3A_851 = arith.addi %add3A_835, %add3A_850 : i32
      %lt3A_852 = arith.constant 80 : i32
      %lt3A_853 = arith.cmpi slt, %add3A_851, %lt3A_852 : i32
      %convert_element_type3A_854 = arith.extui %lt3A_853 : i1 to i32
      %cond3A_855 = arith.constant 0 : i32
      %cond3A_856 = arith.cmpi ne, %convert_element_type3A_854, %cond3A_855 : i32
      scf.if %cond3A_856 {
        %add3A_857 = arith.constant 2 : i32
        %add3A_858 = arith.addi %add3A_835, %add3A_857 : i32
        %get3A_859 = arith.index_cast %add3A_858 : i32 to index
        %get3A_860 = arith.constant 0 : index
        %get3A_861 = tpu.vector_load %arg5[%get3A_859, %get3A_860] {strides = array<i32>} : memref<80x128xi32, #tpu.memory_space<vmem>>, vector<1x16xi32>,
        %get3A_862 = vector.shape_cast %get3A_861 : vector<1x16xi32> to vector<16xi32>
        %shift_right_logical3A_863 = arith.constant 14 : i32
        %shift_right_logical3A_864 = vector.broadcast %shift_right_logical3A_863 : i32 to vector<16xi32>
        %shift_right_logical3A_865 = arith.shrui %get3A_862, %shift_right_logical3A_864 : vector<16xi32>
        %swap3A_866 = arith.constant 1 : i32
        %swap3A_867 = arith.index_cast %swap3A_866 : i32 to index
        %swap3A_868 = arith.constant 0 : index
        %swap3A_869 = tpu.vector_load %arg6[%swap3A_867, %swap3A_868] {strides = array<i32>} : memref<2x128xi32, #tpu.memory_space<vmem>>, vector<1x16xi32>,
        %swap3A_870 = vector.shape_cast %swap3A_869 : vector<1x16xi32> to vector<16xi32>
        %swap3A_871 = vector.shape_cast %shift_right_logical3A_865 : vector<16xi32> to vector<1x16xi32>
        tpu.vector_store %arg6[%swap3A_867, %swap3A_868], %swap3A_871 {strides = array<i32>} : memref<2x128xi32, #tpu.memory_space<vmem>>, vector<1x16xi32>,
        %and3A_872 = arith.constant 16383 : i32
        %and3A_873 = vector.broadcast %and3A_872 : i32 to vector<16xi32>
        %and3A_874 = arith.andi %get3A_862, %and3A_873 : vector<16xi32>
        %swap3A_875 = arith.constant 1 : i32
        %swap3A_876 = arith.index_cast %swap3A_875 : i32 to index
        %swap3A_877 = arith.constant 0 : index
        %swap3A_878 = tpu.vector_load %arg7[%swap3A_876, %swap3A_877] {strides = array<i32>} : memref<2x128xi32, #tpu.memory_space<vmem>>, vector<1x16xi32>,
        %swap3A_879 = vector.shape_cast %swap3A_878 : vector<1x16xi32> to vector<16xi32>
        %swap3A_880 = vector.shape_cast %and3A_874 : vector<16xi32> to vector<1x16xi32>
        tpu.vector_store %arg7[%swap3A_876, %swap3A_877], %swap3A_880 {strides = array<i32>} : memref<2x128xi32, #tpu.memory_space<vmem>>, vector<1x16xi32>,
        %get3A_881 = arith.index_cast %add3A_858 : i32 to index
        %get3A_882 = arith.constant 16 : index
        %get3A_883 = tpu.vector_load %arg5[%get3A_881, %get3A_882] {strides = array<i32>} : memref<80x128xi32, #tpu.memory_space<vmem>>, vector<1x16xi32>,
        %get3A_884 = vector.shape_cast %get3A_883 : vector<1x16xi32> to vector<16xi32>
        %shift_right_logical3A_885 = arith.constant 14 : i32
        %shift_right_logical3A_886 = vector.broadcast %shift_right_logical3A_885 : i32 to vector<16xi32>
        %shift_right_logical3A_887 = arith.shrui %get3A_884, %shift_right_logical3A_886 : vector<16xi32>
        %swap3A_888 = arith.constant 1 : i32
        %swap3A_889 = arith.index_cast %swap3A_888 : i32 to index
        %swap3A_890 = arith.constant 16 : index
        %swap3A_891 = tpu.vector_load %arg6[%swap3A_889, %swap3A_890] {strides = array<i32>} : memref<2x128xi32, #tpu.memory_space<vmem>>, vector<1x16xi32>,
        %swap3A_892 = vector.shape_cast %swap3A_891 : vector<1x16xi32> to vector<16xi32>
        %swap3A_893 = vector.shape_cast %shift_right_logical3A_887 : vector<16xi32> to vector<1x16xi32>
        tpu.vector_store %arg6[%swap3A_889, %swap3A_890], %swap3A_893 {strides = array<i32>} : memref<2x128xi32, #tpu.memory_space<vmem>>, vector<1x16xi32>,
        %and3A_894 = arith.constant 16383 : i32
        %and3A_895 = vector.broadcast %and3A_894 : i32 to vector<16xi32>
        %and3A_896 = arith.andi %get3A_884, %and3A_895 : vector<16xi32>
        %swap3A_897 = arith.constant 1 : i32
        %swap3A_898 = arith.index_cast %swap3A_897 : i32 to index
        %swap3A_899 = arith.constant 16 : index
        %swap3A_900 = tpu.vector_load %arg7[%swap3A_898, %swap3A_899] {strides = array<i32>} : memref<2x128xi32, #tpu.memory_space<vmem>>, vector<1x16xi32>,
        %swap3A_901 = vector.shape_cast %swap3A_900 : vector<1x16xi32> to vector<16xi32>
        %swap3A_902 = vector.shape_cast %and3A_896 : vector<16xi32> to vector<1x16xi32>
        tpu.vector_store %arg7[%swap3A_898, %swap3A_899], %swap3A_902 {strides = array<i32>} : memref<2x128xi32, #tpu.memory_space<vmem>>, vector<1x16xi32>,
        %get3A_903 = arith.index_cast %add3A_858 : i32 to index
        %get3A_904 = arith.constant 32 : index
        %get3A_905 = tpu.vector_load %arg5[%get3A_903, %get3A_904] {strides = array<i32>} : memref<80x128xi32, #tpu.memory_space<vmem>>, vector<1x16xi32>,
        %get3A_906 = vector.shape_cast %get3A_905 : vector<1x16xi32> to vector<16xi32>
        %shift_right_logical3A_907 = arith.constant 14 : i32
        %shift_right_logical3A_908 = vector.broadcast %shift_right_logical3A_907 : i32 to vector<16xi32>
        %shift_right_logical3A_909 = arith.shrui %get3A_906, %shift_right_logical3A_908 : vector<16xi32>
        %swap3A_910 = arith.constant 1 : i32
        %swap3A_911 = arith.index_cast %swap3A_910 : i32 to index
        %swap3A_912 = arith.constant 32 : index
        %swap3A_913 = tpu.vector_load %arg6[%swap3A_911, %swap3A_912] {strides = array<i32>} : memref<2x128xi32, #tpu.memory_space<vmem>>, vector<1x16xi32>,
        %swap3A_914 = vector.shape_cast %swap3A_913 : vector<1x16xi32> to vector<16xi32>
        %swap3A_915 = vector.shape_cast %shift_right_logical3A_909 : vector<16xi32> to vector<1x16xi32>
        tpu.vector_store %arg6[%swap3A_911, %swap3A_912], %swap3A_915 {strides = array<i32>} : memref<2x128xi32, #tpu.memory_space<vmem>>, vector<1x16xi32>,
        %and3A_916 = arith.constant 16383 : i32
        %and3A_917 = vector.broadcast %and3A_916 : i32 to vector<16xi32>
        %and3A_918 = arith.andi %get3A_906, %and3A_917 : vector<16xi32>
        %swap3A_919 = arith.constant 1 : i32
        %swap3A_920 = arith.index_cast %swap3A_919 : i32 to index
        %swap3A_921 = arith.constant 32 : index
        %swap3A_922 = tpu.vector_load %arg7[%swap3A_920, %swap3A_921] {strides = array<i32>} : memref<2x128xi32, #tpu.memory_space<vmem>>, vector<1x16xi32>,
        %swap3A_923 = vector.shape_cast %swap3A_922 : vector<1x16xi32> to vector<16xi32>
        %swap3A_924 = vector.shape_cast %and3A_918 : vector<16xi32> to vector<1x16xi32>
        tpu.vector_store %arg7[%swap3A_920, %swap3A_921], %swap3A_924 {strides = array<i32>} : memref<2x128xi32, #tpu.memory_space<vmem>>, vector<1x16xi32>,
        %get3A_925 = arith.index_cast %add3A_858 : i32 to index
        %get3A_926 = arith.constant 48 : index
        %get3A_927 = tpu.vector_load %arg5[%get3A_925, %get3A_926] {strides = array<i32>} : memref<80x128xi32, #tpu.memory_space<vmem>>, vector<1x16xi32>,
        %get3A_928 = vector.shape_cast %get3A_927 : vector<1x16xi32> to vector<16xi32>
        %shift_right_logical3A_929 = arith.constant 14 : i32
        %shift_right_logical3A_930 = vector.broadcast %shift_right_logical3A_929 : i32 to vector<16xi32>
        %shift_right_logical3A_931 = arith.shrui %get3A_928, %shift_right_logical3A_930 : vector<16xi32>
        %swap3A_932 = arith.constant 1 : i32
        %swap3A_933 = arith.index_cast %swap3A_932 : i32 to index
        %swap3A_934 = arith.constant 48 : index
        %swap3A_935 = tpu.vector_load %arg6[%swap3A_933, %swap3A_934] {strides = array<i32>} : memref<2x128xi32, #tpu.memory_space<vmem>>, vector<1x16xi32>,
        %swap3A_936 = vector.shape_cast %swap3A_935 : vector<1x16xi32> to vector<16xi32>
        %swap3A_937 = vector.shape_cast %shift_right_logical3A_931 : vector<16xi32> to vector<1x16xi32>
        tpu.vector_store %arg6[%swap3A_933, %swap3A_934], %swap3A_937 {strides = array<i32>} : memref<2x128xi32, #tpu.memory_space<vmem>>, vector<1x16xi32>,
        %and3A_938 = arith.constant 16383 : i32
        %and3A_939 = vector.broadcast %and3A_938 : i32 to vector<16xi32>
        %and3A_940 = arith.andi %get3A_928, %and3A_939 : vector<16xi32>
        %swap3A_941 = arith.constant 1 : i32
        %swap3A_942 = arith.index_cast %swap3A_941 : i32 to index
        %swap3A_943 = arith.constant 48 : index
        %swap3A_944 = tpu.vector_load %arg7[%swap3A_942, %swap3A_943] {strides = array<i32>} : memref<2x128xi32, #tpu.memory_space<vmem>>, vector<1x16xi32>,
        %swap3A_945 = vector.shape_cast %swap3A_944 : vector<1x16xi32> to vector<16xi32>
        %swap3A_946 = vector.shape_cast %and3A_940 : vector<16xi32> to vector<1x16xi32>
        tpu.vector_store %arg7[%swap3A_942, %swap3A_943], %swap3A_946 {strides = array<i32>} : memref<2x128xi32, #tpu.memory_space<vmem>>, vector<1x16xi32>,
        %get3A_947 = arith.index_cast %add3A_858 : i32 to index
        %get3A_948 = arith.constant 64 : index
        %get3A_949 = tpu.vector_load %arg5[%get3A_947, %get3A_948] {strides = array<i32>} : memref<80x128xi32, #tpu.memory_space<vmem>>, vector<1x16xi32>,
        %get3A_950 = vector.shape_cast %get3A_949 : vector<1x16xi32> to vector<16xi32>
        %shift_right_logical3A_951 = arith.constant 14 : i32
        %shift_right_logical3A_952 = vector.broadcast %shift_right_logical3A_951 : i32 to vector<16xi32>
        %shift_right_logical3A_953 = arith.shrui %get3A_950, %shift_right_logical3A_952 : vector<16xi32>
        %swap3A_954 = arith.constant 1 : i32
        %swap3A_955 = arith.index_cast %swap3A_954 : i32 to index
        %swap3A_956 = arith.constant 64 : index
        %swap3A_957 = tpu.vector_load %arg6[%swap3A_955, %swap3A_956] {strides = array<i32>} : memref<2x128xi32, #tpu.memory_space<vmem>>, vector<1x16xi32>,
        %swap3A_958 = vector.shape_cast %swap3A_957 : vector<1x16xi32> to vector<16xi32>
        %swap3A_959 = vector.shape_cast %shift_right_logical3A_953 : vector<16xi32> to vector<1x16xi32>
        tpu.vector_store %arg6[%swap3A_955, %swap3A_956], %swap3A_959 {strides = array<i32>} : memref<2x128xi32, #tpu.memory_space<vmem>>, vector<1x16xi32>,
        %and3A_960 = arith.constant 16383 : i32
        %and3A_961 = vector.broadcast %and3A_960 : i32 to vector<16xi32>
        %and3A_962 = arith.andi %get3A_950, %and3A_961 : vector<16xi32>
        %swap3A_963 = arith.constant 1 : i32
        %swap3A_964 = arith.index_cast %swap3A_963 : i32 to index
        %swap3A_965 = arith.constant 64 : index
        %swap3A_966 = tpu.vector_load %arg7[%swap3A_964, %swap3A_965] {strides = array<i32>} : memref<2x128xi32, #tpu.memory_space<vmem>>, vector<1x16xi32>,
        %swap3A_967 = vector.shape_cast %swap3A_966 : vector<1x16xi32> to vector<16xi32>
        %swap3A_968 = vector.shape_cast %and3A_962 : vector<16xi32> to vector<1x16xi32>
        tpu.vector_store %arg7[%swap3A_964, %swap3A_965], %swap3A_968 {strides = array<i32>} : memref<2x128xi32, #tpu.memory_space<vmem>>, vector<1x16xi32>,
        %get3A_969 = arith.index_cast %add3A_858 : i32 to index
        %get3A_970 = arith.constant 80 : index
        %get3A_971 = tpu.vector_load %arg5[%get3A_969, %get3A_970] {strides = array<i32>} : memref<80x128xi32, #tpu.memory_space<vmem>>, vector<1x16xi32>,
        %get3A_972 = vector.shape_cast %get3A_971 : vector<1x16xi32> to vector<16xi32>
        %shift_right_logical3A_973 = arith.constant 14 : i32
        %shift_right_logical3A_974 = vector.broadcast %shift_right_logical3A_973 : i32 to vector<16xi32>
        %shift_right_logical3A_975 = arith.shrui %get3A_972, %shift_right_logical3A_974 : vector<16xi32>
        %swap3A_976 = arith.constant 1 : i32
        %swap3A_977 = arith.index_cast %swap3A_976 : i32 to index
        %swap3A_978 = arith.constant 80 : index
        %swap3A_979 = tpu.vector_load %arg6[%swap3A_977, %swap3A_978] {strides = array<i32>} : memref<2x128xi32, #tpu.memory_space<vmem>>, vector<1x16xi32>,
        %swap3A_980 = vector.shape_cast %swap3A_979 : vector<1x16xi32> to vector<16xi32>
        %swap3A_981 = vector.shape_cast %shift_right_logical3A_975 : vector<16xi32> to vector<1x16xi32>
        tpu.vector_store %arg6[%swap3A_977, %swap3A_978], %swap3A_981 {strides = array<i32>} : memref<2x128xi32, #tpu.memory_space<vmem>>, vector<1x16xi32>,
        %and3A_982 = arith.constant 16383 : i32
        %and3A_983 = vector.broadcast %and3A_982 : i32 to vector<16xi32>
        %and3A_984 = arith.andi %get3A_972, %and3A_983 : vector<16xi32>
        %swap3A_985 = arith.constant 1 : i32
        %swap3A_986 = arith.index_cast %swap3A_985 : i32 to index
        %swap3A_987 = arith.constant 80 : index
        %swap3A_988 = tpu.vector_load %arg7[%swap3A_986, %swap3A_987] {strides = array<i32>} : memref<2x128xi32, #tpu.memory_space<vmem>>, vector<1x16xi32>,
        %swap3A_989 = vector.shape_cast %swap3A_988 : vector<1x16xi32> to vector<16xi32>
        %swap3A_990 = vector.shape_cast %and3A_984 : vector<16xi32> to vector<1x16xi32>
        tpu.vector_store %arg7[%swap3A_986, %swap3A_987], %swap3A_990 {strides = array<i32>} : memref<2x128xi32, #tpu.memory_space<vmem>>, vector<1x16xi32>,
        %get3A_991 = arith.index_cast %add3A_858 : i32 to index
        %get3A_992 = arith.constant 96 : index
        %get3A_993 = tpu.vector_load %arg5[%get3A_991, %get3A_992] {strides = array<i32>} : memref<80x128xi32, #tpu.memory_space<vmem>>, vector<1x16xi32>,
        %get3A_994 = vector.shape_cast %get3A_993 : vector<1x16xi32> to vector<16xi32>
        %shift_right_logical3A_995 = arith.constant 14 : i32
        %shift_right_logical3A_996 = vector.broadcast %shift_right_logical3A_995 : i32 to vector<16xi32>
        %shift_right_logical3A_997 = arith.shrui %get3A_994, %shift_right_logical3A_996 : vector<16xi32>
        %swap3A_998 = arith.constant 1 : i32
        %swap3A_999 = arith.index_cast %swap3A_998 : i32 to index
        %swap3A_1000 = arith.constant 96 : index
        %swap3A_1001 = tpu.vector_load %arg6[%swap3A_999, %swap3A_1000] {strides = array<i32>} : memref<2x128xi32, #tpu.memory_space<vmem>>, vector<1x16xi32>,
        %swap3A_1002 = vector.shape_cast %swap3A_1001 : vector<1x16xi32> to vector<16xi32>
        %swap3A_1003 = vector.shape_cast %shift_right_logical3A_997 : vector<16xi32> to vector<1x16xi32>
        tpu.vector_store %arg6[%swap3A_999, %swap3A_1000], %swap3A_1003 {strides = array<i32>} : memref<2x128xi32, #tpu.memory_space<vmem>>, vector<1x16xi32>,
        %and3A_1004 = arith.constant 16383 : i32
        %and3A_1005 = vector.broadcast %and3A_1004 : i32 to vector<16xi32>
        %and3A_1006 = arith.andi %get3A_994, %and3A_1005 : vector<16xi32>
        %swap3A_1007 = arith.constant 1 : i32
        %swap3A_1008 = arith.index_cast %swap3A_1007 : i32 to index
        %swap3A_1009 = arith.constant 96 : index
        %swap3A_1010 = tpu.vector_load %arg7[%swap3A_1008, %swap3A_1009] {strides = array<i32>} : memref<2x128xi32, #tpu.memory_space<vmem>>, vector<1x16xi32>,
        %swap3A_1011 = vector.shape_cast %swap3A_1010 : vector<1x16xi32> to vector<16xi32>
        %swap3A_1012 = vector.shape_cast %and3A_1006 : vector<16xi32> to vector<1x16xi32>
        tpu.vector_store %arg7[%swap3A_1008, %swap3A_1009], %swap3A_1012 {strides = array<i32>} : memref<2x128xi32, #tpu.memory_space<vmem>>, vector<1x16xi32>,
        %get3A_1013 = arith.index_cast %add3A_858 : i32 to index
        %get3A_1014 = arith.constant 112 : index
        %get3A_1015 = tpu.vector_load %arg5[%get3A_1013, %get3A_1014] {strides = array<i32>} : memref<80x128xi32, #tpu.memory_space<vmem>>, vector<1x16xi32>,
        %get3A_1016 = vector.shape_cast %get3A_1015 : vector<1x16xi32> to vector<16xi32>
        %shift_right_logical3A_1017 = arith.constant 14 : i32
        %shift_right_logical3A_1018 = vector.broadcast %shift_right_logical3A_1017 : i32 to vector<16xi32>
        %shift_right_logical3A_1019 = arith.shrui %get3A_1016, %shift_right_logical3A_1018 : vector<16xi32>
        %swap3A_1020 = arith.constant 1 : i32
        %swap3A_1021 = arith.index_cast %swap3A_1020 : i32 to index
        %swap3A_1022 = arith.constant 112 : index
        %swap3A_1023 = tpu.vector_load %arg6[%swap3A_1021, %swap3A_1022] {strides = array<i32>} : memref<2x128xi32, #tpu.memory_space<vmem>>, vector<1x16xi32>,
        %swap3A_1024 = vector.shape_cast %swap3A_1023 : vector<1x16xi32> to vector<16xi32>
        %swap3A_1025 = vector.shape_cast %shift_right_logical3A_1019 : vector<16xi32> to vector<1x16xi32>
        tpu.vector_store %arg6[%swap3A_1021, %swap3A_1022], %swap3A_1025 {strides = array<i32>} : memref<2x128xi32, #tpu.memory_space<vmem>>, vector<1x16xi32>,
        %and3A_1026 = arith.constant 16383 : i32
        %and3A_1027 = vector.broadcast %and3A_1026 : i32 to vector<16xi32>
        %and3A_1028 = arith.andi %get3A_1016, %and3A_1027 : vector<16xi32>
        %swap3A_1029 = arith.constant 1 : i32
        %swap3A_1030 = arith.index_cast %swap3A_1029 : i32 to index
        %swap3A_1031 = arith.constant 112 : index
        %swap3A_1032 = tpu.vector_load %arg7[%swap3A_1030, %swap3A_1031] {strides = array<i32>} : memref<2x128xi32, #tpu.memory_space<vmem>>, vector<1x16xi32>,
        %swap3A_1033 = vector.shape_cast %swap3A_1032 : vector<1x16xi32> to vector<16xi32>
        %swap3A_1034 = vector.shape_cast %and3A_1028 : vector<16xi32> to vector<1x16xi32>
        tpu.vector_store %arg7[%swap3A_1030, %swap3A_1031], %swap3A_1034 {strides = array<i32>} : memref<2x128xi32, #tpu.memory_space<vmem>>, vector<1x16xi32>,
        %dma_start3A_1035 = arith.constant 1 : i32
        %dma_start3A_1036 = arith.constant 1 : i32
        %dma_start3A_1037 = arith.constant 0 : i32
        %dma_start3A_1038 = arith.constant 0 : i32
        %dma_start3A_1039 = tpu.memref_slice %arg8[%dma_start3A_1036, %dma_start3A_1037, %dma_start3A_1038] : memref<2x128x64xf32, #tpu.memory_space<vmem>> -> memref<1x128x64xf32, #tpu.memory_space<vmem>>
        %dma_start3A_1040 = tpu.memref_squeeze %dma_start3A_1039 : memref<1x128x64xf32, #tpu.memory_space<vmem>> -> memref<128x64xf32, #tpu.memory_space<vmem>>
        %dma_start3A_1041 = arith.constant 0 : i32
        %dma_start3A_1042 = tpu.memref_slice %arg6[%dma_start3A_1035, %dma_start3A_1041] : memref<2x128xi32, #tpu.memory_space<vmem>> -> memref<1x128xi32, #tpu.memory_space<vmem>>
        %dma_start3A_1043 = tpu.memref_squeeze %dma_start3A_1042 : memref<1x128xi32, #tpu.memory_space<vmem>> -> memref<128xi32, #tpu.memory_space<vmem>>
        %dma_start3A_1044 = arith.constant 0 : i32
        %dma_start3A_1045 = arith.constant 0 : i32
        %dma_start3A_1046 = tpu.memref_slice %arg9[%dma_start3A_1044, %dma_start3A_1045] : memref<10112x64xf32, #tpu.memory_space<vmem_shared>> -> memref<10112x64xf32, #tpu.memory_space<vmem_shared>>
        tpu.enqueue_indirect_dma source(%dma_start3A_1046 : memref<10112x64xf32, #tpu.memory_space<vmem_shared>>) target(%dma_start3A_1040 : memref<128x64xf32, #tpu.memory_space<vmem>>) offsets(%dma_start3A_1043 : memref<128xi32, #tpu.memory_space<vmem>>) semaphore(%arg12 : memref<!tpu.dma_semaphore, #tpu.memory_space<semaphore_mem>>)
      } else {
      }
    }
    %scan3A_400 = arith.constant 40 : i32
    "tpu.region"() ({
      %run_scoped3A = tpu.sem_alloc : memref<!tpu.dma_semaphore, #tpu.memory_space<semaphore_mem>>
      %dma_start3A_809 = arith.constant 80 : i32
      %dma_start3A_810 = arith.constant 0 : i32
      %dma_start3A_811 = tpu.memref_slice %arg3[%arg1, %dma_start3A_809, %dma_start3A_810] : memref<16x160x128xi32, #tpu.memory_space<hbm>> -> memref<1x80x128xi32, #tpu.memory_space<hbm>>
      %dma_start3A_812 = tpu.memref_squeeze %dma_start3A_811 : memref<1x80x128xi32, #tpu.memory_space<hbm>> -> memref<80x128xi32, #tpu.memory_space<hbm>>
      %dma_start3A_813 = arith.constant 80 : i32
      %dma_start3A_814 = arith.constant 0 : i32
      %dma_start3A_815 = tpu.memref_slice %arg3[%arg1, %dma_start3A_813, %dma_start3A_814] : memref<16x160x128xi32, #tpu.memory_space<hbm>> -> memref<1x80x128xi32, #tpu.memory_space<hbm>>
      %dma_start3A_816 = tpu.memref_squeeze %dma_start3A_815 : memref<1x80x128xi32, #tpu.memory_space<hbm>> -> memref<80x128xi32, #tpu.memory_space<hbm>>
      tpu.enqueue_dma source(%dma_start3A_816 : memref<80x128xi32, #tpu.memory_space<hbm>>) target(%arg5 : memref<80x128xi32, #tpu.memory_space<vmem>>) target_semaphore(%run_scoped3A : memref<!tpu.dma_semaphore, #tpu.memory_space<semaphore_mem>>)
      %dma_wait3A = arith.constant 80 : i32
      %dma_wait3A_817 = arith.constant 0 : i32
      %dma_wait3A_818 = tpu.memref_slice %arg3[%arg1, %dma_wait3A, %dma_wait3A_817] : memref<16x160x128xi32, #tpu.memory_space<hbm>> -> memref<1x80x128xi32, #tpu.memory_space<hbm>>
      %dma_wait3A_819 = tpu.memref_squeeze %dma_wait3A_818 : memref<1x80x128xi32, #tpu.memory_space<hbm>> -> memref<80x128xi32, #tpu.memory_space<hbm>>
      %dma_wait3A_820 = arith.constant 80 : i32
      %dma_wait3A_821 = arith.constant 0 : i32
      %dma_wait3A_822 = tpu.memref_slice %arg3[%arg1, %dma_wait3A_820, %dma_wait3A_821] : memref<16x160x128xi32, #tpu.memory_space<hbm>> -> memref<1x80x128xi32, #tpu.memory_space<hbm>>
      %dma_wait3A_823 = tpu.memref_squeeze %dma_wait3A_822 : memref<1x80x128xi32, #tpu.memory_space<hbm>> -> memref<80x128xi32, #tpu.memory_space<hbm>>
      tpu.wait_dma2 semaphore(%run_scoped3A : memref<!tpu.dma_semaphore, #tpu.memory_space<semaphore_mem>>) src(%dma_wait3A_823 : memref<80x128xi32, #tpu.memory_space<hbm>>) dst(%arg5 : memref<80x128xi32, #tpu.memory_space<vmem>>)
      tpu.yield
    }) : () -> ()
    %get3A_401 = arith.constant 0 : i32
    %get3A_402 = arith.index_cast %get3A_401 : i32 to index
    %get3A_403 = arith.constant 0 : index
    %get3A_404 = tpu.vector_load %arg5[%get3A_402, %get3A_403] {strides = array<i32>} : memref<80x128xi32, #tpu.memory_space<vmem>>, vector<1x16xi32>,
    %get3A_405 = vector.shape_cast %get3A_404 : vector<1x16xi32> to vector<16xi32>
    %shift_right_logical3A_406 = arith.constant 14 : i32
    %shift_right_logical3A_407 = vector.broadcast %shift_right_logical3A_406 : i32 to vector<16xi32>
    %shift_right_logical3A_408 = arith.shrui %get3A_405, %shift_right_logical3A_407 : vector<16xi32>
    %swap3A_409 = arith.constant 0 : i32
    %swap3A_410 = arith.index_cast %swap3A_409 : i32 to index
    %swap3A_411 = arith.constant 0 : index
    %swap3A_412 = tpu.vector_load %arg6[%swap3A_410, %swap3A_411] {strides = array<i32>} : memref<2x128xi32, #tpu.memory_space<vmem>>, vector<1x16xi32>,
    %swap3A_413 = vector.shape_cast %swap3A_412 : vector<1x16xi32> to vector<16xi32>
    %swap3A_414 = vector.shape_cast %shift_right_logical3A_408 : vector<16xi32> to vector<1x16xi32>
    tpu.vector_store %arg6[%swap3A_410, %swap3A_411], %swap3A_414 {strides = array<i32>} : memref<2x128xi32, #tpu.memory_space<vmem>>, vector<1x16xi32>,
    %and3A_415 = arith.constant 16383 : i32
    %and3A_416 = vector.broadcast %and3A_415 : i32 to vector<16xi32>
    %and3A_417 = arith.andi %get3A_405, %and3A_416 : vector<16xi32>
    %swap3A_418 = arith.constant 0 : i32
    %swap3A_419 = arith.index_cast %swap3A_418 : i32 to index
    %swap3A_420 = arith.constant 0 : index
    %swap3A_421 = tpu.vector_load %arg7[%swap3A_419, %swap3A_420] {strides = array<i32>} : memref<2x128xi32, #tpu.memory_space<vmem>>, vector<1x16xi32>,
    %swap3A_422 = vector.shape_cast %swap3A_421 : vector<1x16xi32> to vector<16xi32>
    %swap3A_423 = vector.shape_cast %and3A_417 : vector<16xi32> to vector<1x16xi32>
    tpu.vector_store %arg7[%swap3A_419, %swap3A_420], %swap3A_423 {strides = array<i32>} : memref<2x128xi32, #tpu.memory_space<vmem>>, vector<1x16xi32>,
    %get3A_424 = arith.constant 0 : i32
    %get3A_425 = arith.index_cast %get3A_424 : i32 to index
    %get3A_426 = arith.constant 16 : index
    %get3A_427 = tpu.vector_load %arg5[%get3A_425, %get3A_426] {strides = array<i32>} : memref<80x128xi32, #tpu.memory_space<vmem>>, vector<1x16xi32>,
    %get3A_428 = vector.shape_cast %get3A_427 : vector<1x16xi32> to vector<16xi32>
    %shift_right_logical3A_429 = arith.constant 14 : i32
    %shift_right_logical3A_430 = vector.broadcast %shift_right_logical3A_429 : i32 to vector<16xi32>
    %shift_right_logical3A_431 = arith.shrui %get3A_428, %shift_right_logical3A_430 : vector<16xi32>
    %swap3A_432 = arith.constant 0 : i32
    %swap3A_433 = arith.index_cast %swap3A_432 : i32 to index
    %swap3A_434 = arith.constant 16 : index
    %swap3A_435 = tpu.vector_load %arg6[%swap3A_433, %swap3A_434] {strides = array<i32>} : memref<2x128xi32, #tpu.memory_space<vmem>>, vector<1x16xi32>,
    %swap3A_436 = vector.shape_cast %swap3A_435 : vector<1x16xi32> to vector<16xi32>
    %swap3A_437 = vector.shape_cast %shift_right_logical3A_431 : vector<16xi32> to vector<1x16xi32>
    tpu.vector_store %arg6[%swap3A_433, %swap3A_434], %swap3A_437 {strides = array<i32>} : memref<2x128xi32, #tpu.memory_space<vmem>>, vector<1x16xi32>,
    %and3A_438 = arith.constant 16383 : i32
    %and3A_439 = vector.broadcast %and3A_438 : i32 to vector<16xi32>
    %and3A_440 = arith.andi %get3A_428, %and3A_439 : vector<16xi32>
    %swap3A_441 = arith.constant 0 : i32
    %swap3A_442 = arith.index_cast %swap3A_441 : i32 to index
    %swap3A_443 = arith.constant 16 : index
    %swap3A_444 = tpu.vector_load %arg7[%swap3A_442, %swap3A_443] {strides = array<i32>} : memref<2x128xi32, #tpu.memory_space<vmem>>, vector<1x16xi32>,
    %swap3A_445 = vector.shape_cast %swap3A_444 : vector<1x16xi32> to vector<16xi32>
    %swap3A_446 = vector.shape_cast %and3A_440 : vector<16xi32> to vector<1x16xi32>
    tpu.vector_store %arg7[%swap3A_442, %swap3A_443], %swap3A_446 {strides = array<i32>} : memref<2x128xi32, #tpu.memory_space<vmem>>, vector<1x16xi32>,
    %get3A_447 = arith.constant 0 : i32
    %get3A_448 = arith.index_cast %get3A_447 : i32 to index
    %get3A_449 = arith.constant 32 : index
    %get3A_450 = tpu.vector_load %arg5[%get3A_448, %get3A_449] {strides = array<i32>} : memref<80x128xi32, #tpu.memory_space<vmem>>, vector<1x16xi32>,
    %get3A_451 = vector.shape_cast %get3A_450 : vector<1x16xi32> to vector<16xi32>
    %shift_right_logical3A_452 = arith.constant 14 : i32
    %shift_right_logical3A_453 = vector.broadcast %shift_right_logical3A_452 : i32 to vector<16xi32>
    %shift_right_logical3A_454 = arith.shrui %get3A_451, %shift_right_logical3A_453 : vector<16xi32>
    %swap3A_455 = arith.constant 0 : i32
    %swap3A_456 = arith.index_cast %swap3A_455 : i32 to index
    %swap3A_457 = arith.constant 32 : index
    %swap3A_458 = tpu.vector_load %arg6[%swap3A_456, %swap3A_457] {strides = array<i32>} : memref<2x128xi32, #tpu.memory_space<vmem>>, vector<1x16xi32>,
    %swap3A_459 = vector.shape_cast %swap3A_458 : vector<1x16xi32> to vector<16xi32>
    %swap3A_460 = vector.shape_cast %shift_right_logical3A_454 : vector<16xi32> to vector<1x16xi32>
    tpu.vector_store %arg6[%swap3A_456, %swap3A_457], %swap3A_460 {strides = array<i32>} : memref<2x128xi32, #tpu.memory_space<vmem>>, vector<1x16xi32>,
    %and3A_461 = arith.constant 16383 : i32
    %and3A_462 = vector.broadcast %and3A_461 : i32 to vector<16xi32>
    %and3A_463 = arith.andi %get3A_451, %and3A_462 : vector<16xi32>
    %swap3A_464 = arith.constant 0 : i32
    %swap3A_465 = arith.index_cast %swap3A_464 : i32 to index
    %swap3A_466 = arith.constant 32 : index
    %swap3A_467 = tpu.vector_load %arg7[%swap3A_465, %swap3A_466] {strides = array<i32>} : memref<2x128xi32, #tpu.memory_space<vmem>>, vector<1x16xi32>,
    %swap3A_468 = vector.shape_cast %swap3A_467 : vector<1x16xi32> to vector<16xi32>
    %swap3A_469 = vector.shape_cast %and3A_463 : vector<16xi32> to vector<1x16xi32>
    tpu.vector_store %arg7[%swap3A_465, %swap3A_466], %swap3A_469 {strides = array<i32>} : memref<2x128xi32, #tpu.memory_space<vmem>>, vector<1x16xi32>,
    %get3A_470 = arith.constant 0 : i32
    %get3A_471 = arith.index_cast %get3A_470 : i32 to index
    %get3A_472 = arith.constant 48 : index
    %get3A_473 = tpu.vector_load %arg5[%get3A_471, %get3A_472] {strides = array<i32>} : memref<80x128xi32, #tpu.memory_space<vmem>>, vector<1x16xi32>,
    %get3A_474 = vector.shape_cast %get3A_473 : vector<1x16xi32> to vector<16xi32>
    %shift_right_logical3A_475 = arith.constant 14 : i32
    %shift_right_logical3A_476 = vector.broadcast %shift_right_logical3A_475 : i32 to vector<16xi32>
    %shift_right_logical3A_477 = arith.shrui %get3A_474, %shift_right_logical3A_476 : vector<16xi32>
    %swap3A_478 = arith.constant 0 : i32
    %swap3A_479 = arith.index_cast %swap3A_478 : i32 to index
    %swap3A_480 = arith.constant 48 : index
    %swap3A_481 = tpu.vector_load %arg6[%swap3A_479, %swap3A_480] {strides = array<i32>} : memref<2x128xi32, #tpu.memory_space<vmem>>, vector<1x16xi32>,
    %swap3A_482 = vector.shape_cast %swap3A_481 : vector<1x16xi32> to vector<16xi32>
    %swap3A_483 = vector.shape_cast %shift_right_logical3A_477 : vector<16xi32> to vector<1x16xi32>
    tpu.vector_store %arg6[%swap3A_479, %swap3A_480], %swap3A_483 {strides = array<i32>} : memref<2x128xi32, #tpu.memory_space<vmem>>, vector<1x16xi32>,
    %and3A_484 = arith.constant 16383 : i32
    %and3A_485 = vector.broadcast %and3A_484 : i32 to vector<16xi32>
    %and3A_486 = arith.andi %get3A_474, %and3A_485 : vector<16xi32>
    %swap3A_487 = arith.constant 0 : i32
    %swap3A_488 = arith.index_cast %swap3A_487 : i32 to index
    %swap3A_489 = arith.constant 48 : index
    %swap3A_490 = tpu.vector_load %arg7[%swap3A_488, %swap3A_489] {strides = array<i32>} : memref<2x128xi32, #tpu.memory_space<vmem>>, vector<1x16xi32>,
    %swap3A_491 = vector.shape_cast %swap3A_490 : vector<1x16xi32> to vector<16xi32>
    %swap3A_492 = vector.shape_cast %and3A_486 : vector<16xi32> to vector<1x16xi32>
    tpu.vector_store %arg7[%swap3A_488, %swap3A_489], %swap3A_492 {strides = array<i32>} : memref<2x128xi32, #tpu.memory_space<vmem>>, vector<1x16xi32>,
    %get3A_493 = arith.constant 0 : i32
    %get3A_494 = arith.index_cast %get3A_493 : i32 to index
    %get3A_495 = arith.constant 64 : index
    %get3A_496 = tpu.vector_load %arg5[%get3A_494, %get3A_495] {strides = array<i32>} : memref<80x128xi32, #tpu.memory_space<vmem>>, vector<1x16xi32>,
    %get3A_497 = vector.shape_cast %get3A_496 : vector<1x16xi32> to vector<16xi32>
    %shift_right_logical3A_498 = arith.constant 14 : i32
    %shift_right_logical3A_499 = vector.broadcast %shift_right_logical3A_498 : i32 to vector<16xi32>
    %shift_right_logical3A_500 = arith.shrui %get3A_497, %shift_right_logical3A_499 : vector<16xi32>
    %swap3A_501 = arith.constant 0 : i32
    %swap3A_502 = arith.index_cast %swap3A_501 : i32 to index
    %swap3A_503 = arith.constant 64 : index
    %swap3A_504 = tpu.vector_load %arg6[%swap3A_502, %swap3A_503] {strides = array<i32>} : memref<2x128xi32, #tpu.memory_space<vmem>>, vector<1x16xi32>,
    %swap3A_505 = vector.shape_cast %swap3A_504 : vector<1x16xi32> to vector<16xi32>
    %swap3A_506 = vector.shape_cast %shift_right_logical3A_500 : vector<16xi32> to vector<1x16xi32>
    tpu.vector_store %arg6[%swap3A_502, %swap3A_503], %swap3A_506 {strides = array<i32>} : memref<2x128xi32, #tpu.memory_space<vmem>>, vector<1x16xi32>,
    %and3A_507 = arith.constant 16383 : i32
    %and3A_508 = vector.broadcast %and3A_507 : i32 to vector<16xi32>
    %and3A_509 = arith.andi %get3A_497, %and3A_508 : vector<16xi32>
    %swap3A_510 = arith.constant 0 : i32
    %swap3A_511 = arith.index_cast %swap3A_510 : i32 to index
    %swap3A_512 = arith.constant 64 : index
    %swap3A_513 = tpu.vector_load %arg7[%swap3A_511, %swap3A_512] {strides = array<i32>} : memref<2x128xi32, #tpu.memory_space<vmem>>, vector<1x16xi32>,
    %swap3A_514 = vector.shape_cast %swap3A_513 : vector<1x16xi32> to vector<16xi32>
    %swap3A_515 = vector.shape_cast %and3A_509 : vector<16xi32> to vector<1x16xi32>
    tpu.vector_store %arg7[%swap3A_511, %swap3A_512], %swap3A_515 {strides = array<i32>} : memref<2x128xi32, #tpu.memory_space<vmem>>, vector<1x16xi32>,
    %get3A_516 = arith.constant 0 : i32
    %get3A_517 = arith.index_cast %get3A_516 : i32 to index
    %get3A_518 = arith.constant 80 : index
    %get3A_519 = tpu.vector_load %arg5[%get3A_517, %get3A_518] {strides = array<i32>} : memref<80x128xi32, #tpu.memory_space<vmem>>, vector<1x16xi32>,
    %get3A_520 = vector.shape_cast %get3A_519 : vector<1x16xi32> to vector<16xi32>
    %shift_right_logical3A_521 = arith.constant 14 : i32
    %shift_right_logical3A_522 = vector.broadcast %shift_right_logical3A_521 : i32 to vector<16xi32>
    %shift_right_logical3A_523 = arith.shrui %get3A_520, %shift_right_logical3A_522 : vector<16xi32>
    %swap3A_524 = arith.constant 0 : i32
    %swap3A_525 = arith.index_cast %swap3A_524 : i32 to index
    %swap3A_526 = arith.constant 80 : index
    %swap3A_527 = tpu.vector_load %arg6[%swap3A_525, %swap3A_526] {strides = array<i32>} : memref<2x128xi32, #tpu.memory_space<vmem>>, vector<1x16xi32>,
    %swap3A_528 = vector.shape_cast %swap3A_527 : vector<1x16xi32> to vector<16xi32>
    %swap3A_529 = vector.shape_cast %shift_right_logical3A_523 : vector<16xi32> to vector<1x16xi32>
    tpu.vector_store %arg6[%swap3A_525, %swap3A_526], %swap3A_529 {strides = array<i32>} : memref<2x128xi32, #tpu.memory_space<vmem>>, vector<1x16xi32>,
    %and3A_530 = arith.constant 16383 : i32
    %and3A_531 = vector.broadcast %and3A_530 : i32 to vector<16xi32>
    %and3A_532 = arith.andi %get3A_520, %and3A_531 : vector<16xi32>
    %swap3A_533 = arith.constant 0 : i32
    %swap3A_534 = arith.index_cast %swap3A_533 : i32 to index
    %swap3A_535 = arith.constant 80 : index
    %swap3A_536 = tpu.vector_load %arg7[%swap3A_534, %swap3A_535] {strides = array<i32>} : memref<2x128xi32, #tpu.memory_space<vmem>>, vector<1x16xi32>,
    %swap3A_537 = vector.shape_cast %swap3A_536 : vector<1x16xi32> to vector<16xi32>
    %swap3A_538 = vector.shape_cast %and3A_532 : vector<16xi32> to vector<1x16xi32>
    tpu.vector_store %arg7[%swap3A_534, %swap3A_535], %swap3A_538 {strides = array<i32>} : memref<2x128xi32, #tpu.memory_space<vmem>>, vector<1x16xi32>,
    %get3A_539 = arith.constant 0 : i32
    %get3A_540 = arith.index_cast %get3A_539 : i32 to index
    %get3A_541 = arith.constant 96 : index
    %get3A_542 = tpu.vector_load %arg5[%get3A_540, %get3A_541] {strides = array<i32>} : memref<80x128xi32, #tpu.memory_space<vmem>>, vector<1x16xi32>,
    %get3A_543 = vector.shape_cast %get3A_542 : vector<1x16xi32> to vector<16xi32>
    %shift_right_logical3A_544 = arith.constant 14 : i32
    %shift_right_logical3A_545 = vector.broadcast %shift_right_logical3A_544 : i32 to vector<16xi32>
    %shift_right_logical3A_546 = arith.shrui %get3A_543, %shift_right_logical3A_545 : vector<16xi32>
    %swap3A_547 = arith.constant 0 : i32
    %swap3A_548 = arith.index_cast %swap3A_547 : i32 to index
    %swap3A_549 = arith.constant 96 : index
    %swap3A_550 = tpu.vector_load %arg6[%swap3A_548, %swap3A_549] {strides = array<i32>} : memref<2x128xi32, #tpu.memory_space<vmem>>, vector<1x16xi32>,
    %swap3A_551 = vector.shape_cast %swap3A_550 : vector<1x16xi32> to vector<16xi32>
    %swap3A_552 = vector.shape_cast %shift_right_logical3A_546 : vector<16xi32> to vector<1x16xi32>
    tpu.vector_store %arg6[%swap3A_548, %swap3A_549], %swap3A_552 {strides = array<i32>} : memref<2x128xi32, #tpu.memory_space<vmem>>, vector<1x16xi32>,
    %and3A_553 = arith.constant 16383 : i32
    %and3A_554 = vector.broadcast %and3A_553 : i32 to vector<16xi32>
    %and3A_555 = arith.andi %get3A_543, %and3A_554 : vector<16xi32>
    %swap3A_556 = arith.constant 0 : i32
    %swap3A_557 = arith.index_cast %swap3A_556 : i32 to index
    %swap3A_558 = arith.constant 96 : index
    %swap3A_559 = tpu.vector_load %arg7[%swap3A_557, %swap3A_558] {strides = array<i32>} : memref<2x128xi32, #tpu.memory_space<vmem>>, vector<1x16xi32>,
    %swap3A_560 = vector.shape_cast %swap3A_559 : vector<1x16xi32> to vector<16xi32>
    %swap3A_561 = vector.shape_cast %and3A_555 : vector<16xi32> to vector<1x16xi32>
    tpu.vector_store %arg7[%swap3A_557, %swap3A_558], %swap3A_561 {strides = array<i32>} : memref<2x128xi32, #tpu.memory_space<vmem>>, vector<1x16xi32>,
    %get3A_562 = arith.constant 0 : i32
    %get3A_563 = arith.index_cast %get3A_562 : i32 to index
    %get3A_564 = arith.constant 112 : index
    %get3A_565 = tpu.vector_load %arg5[%get3A_563, %get3A_564] {strides = array<i32>} : memref<80x128xi32, #tpu.memory_space<vmem>>, vector<1x16xi32>,
    %get3A_566 = vector.shape_cast %get3A_565 : vector<1x16xi32> to vector<16xi32>
    %shift_right_logical3A_567 = arith.constant 14 : i32
    %shift_right_logical3A_568 = vector.broadcast %shift_right_logical3A_567 : i32 to vector<16xi32>
    %shift_right_logical3A_569 = arith.shrui %get3A_566, %shift_right_logical3A_568 : vector<16xi32>
    %swap3A_570 = arith.constant 0 : i32
    %swap3A_571 = arith.index_cast %swap3A_570 : i32 to index
    %swap3A_572 = arith.constant 112 : index
    %swap3A_573 = tpu.vector_load %arg6[%swap3A_571, %swap3A_572] {strides = array<i32>} : memref<2x128xi32, #tpu.memory_space<vmem>>, vector<1x16xi32>,
    %swap3A_574 = vector.shape_cast %swap3A_573 : vector<1x16xi32> to vector<16xi32>
    %swap3A_575 = vector.shape_cast %shift_right_logical3A_569 : vector<16xi32> to vector<1x16xi32>
    tpu.vector_store %arg6[%swap3A_571, %swap3A_572], %swap3A_575 {strides = array<i32>} : memref<2x128xi32, #tpu.memory_space<vmem>>, vector<1x16xi32>,
    %and3A_576 = arith.constant 16383 : i32
    %and3A_577 = vector.broadcast %and3A_576 : i32 to vector<16xi32>
    %and3A_578 = arith.andi %get3A_566, %and3A_577 : vector<16xi32>
    %swap3A_579 = arith.constant 0 : i32
    %swap3A_580 = arith.index_cast %swap3A_579 : i32 to index
    %swap3A_581 = arith.constant 112 : index
    %swap3A_582 = tpu.vector_load %arg7[%swap3A_580, %swap3A_581] {strides = array<i32>} : memref<2x128xi32, #tpu.memory_space<vmem>>, vector<1x16xi32>,
    %swap3A_583 = vector.shape_cast %swap3A_582 : vector<1x16xi32> to vector<16xi32>
    %swap3A_584 = vector.shape_cast %and3A_578 : vector<16xi32> to vector<1x16xi32>
    tpu.vector_store %arg7[%swap3A_580, %swap3A_581], %swap3A_584 {strides = array<i32>} : memref<2x128xi32, #tpu.memory_space<vmem>>, vector<1x16xi32>,
    %dma_start3A_585 = arith.constant 0 : i32
    %dma_start3A_586 = arith.constant 0 : i32
    %dma_start3A_587 = arith.constant 0 : i32
    %dma_start3A_588 = arith.constant 0 : i32
    %dma_start3A_589 = tpu.memref_slice %arg8[%dma_start3A_586, %dma_start3A_587, %dma_start3A_588] : memref<2x128x64xf32, #tpu.memory_space<vmem>> -> memref<1x128x64xf32, #tpu.memory_space<vmem>>
    %dma_start3A_590 = tpu.memref_squeeze %dma_start3A_589 : memref<1x128x64xf32, #tpu.memory_space<vmem>> -> memref<128x64xf32, #tpu.memory_space<vmem>>
    %dma_start3A_591 = arith.constant 0 : i32
    %dma_start3A_592 = tpu.memref_slice %arg6[%dma_start3A_585, %dma_start3A_591] : memref<2x128xi32, #tpu.memory_space<vmem>> -> memref<1x128xi32, #tpu.memory_space<vmem>>
    %dma_start3A_593 = tpu.memref_squeeze %dma_start3A_592 : memref<1x128xi32, #tpu.memory_space<vmem>> -> memref<128xi32, #tpu.memory_space<vmem>>
    %dma_start3A_594 = arith.constant 0 : i32
    %dma_start3A_595 = arith.constant 0 : i32
    %dma_start3A_596 = tpu.memref_slice %arg9[%dma_start3A_594, %dma_start3A_595] : memref<10112x64xf32, #tpu.memory_space<vmem_shared>> -> memref<10112x64xf32, #tpu.memory_space<vmem_shared>>
    tpu.enqueue_indirect_dma source(%dma_start3A_596 : memref<10112x64xf32, #tpu.memory_space<vmem_shared>>) target(%dma_start3A_590 : memref<128x64xf32, #tpu.memory_space<vmem>>) offsets(%dma_start3A_593 : memref<128xi32, #tpu.memory_space<vmem>>) semaphore(%arg11 : memref<!tpu.dma_semaphore, #tpu.memory_space<semaphore_mem>>)
    %get3A_597 = arith.constant 1 : i32
    %get3A_598 = arith.index_cast %get3A_597 : i32 to index
    %get3A_599 = arith.constant 0 : index
    %get3A_600 = tpu.vector_load %arg5[%get3A_598, %get3A_599] {strides = array<i32>} : memref<80x128xi32, #tpu.memory_space<vmem>>, vector<1x16xi32>,
    %get3A_601 = vector.shape_cast %get3A_600 : vector<1x16xi32> to vector<16xi32>
    %shift_right_logical3A_602 = arith.constant 14 : i32
    %shift_right_logical3A_603 = vector.broadcast %shift_right_logical3A_602 : i32 to vector<16xi32>
    %shift_right_logical3A_604 = arith.shrui %get3A_601, %shift_right_logical3A_603 : vector<16xi32>
    %swap3A_605 = arith.constant 1 : i32
    %swap3A_606 = arith.index_cast %swap3A_605 : i32 to index
    %swap3A_607 = arith.constant 0 : index
    %swap3A_608 = tpu.vector_load %arg6[%swap3A_606, %swap3A_607] {strides = array<i32>} : memref<2x128xi32, #tpu.memory_space<vmem>>, vector<1x16xi32>,
    %swap3A_609 = vector.shape_cast %swap3A_608 : vector<1x16xi32> to vector<16xi32>
    %swap3A_610 = vector.shape_cast %shift_right_logical3A_604 : vector<16xi32> to vector<1x16xi32>
    tpu.vector_store %arg6[%swap3A_606, %swap3A_607], %swap3A_610 {strides = array<i32>} : memref<2x128xi32, #tpu.memory_space<vmem>>, vector<1x16xi32>,
    %and3A_611 = arith.constant 16383 : i32
    %and3A_612 = vector.broadcast %and3A_611 : i32 to vector<16xi32>
    %and3A_613 = arith.andi %get3A_601, %and3A_612 : vector<16xi32>
    %swap3A_614 = arith.constant 1 : i32
    %swap3A_615 = arith.index_cast %swap3A_614 : i32 to index
    %swap3A_616 = arith.constant 0 : index
    %swap3A_617 = tpu.vector_load %arg7[%swap3A_615, %swap3A_616] {strides = array<i32>} : memref<2x128xi32, #tpu.memory_space<vmem>>, vector<1x16xi32>,
    %swap3A_618 = vector.shape_cast %swap3A_617 : vector<1x16xi32> to vector<16xi32>
    %swap3A_619 = vector.shape_cast %and3A_613 : vector<16xi32> to vector<1x16xi32>
    tpu.vector_store %arg7[%swap3A_615, %swap3A_616], %swap3A_619 {strides = array<i32>} : memref<2x128xi32, #tpu.memory_space<vmem>>, vector<1x16xi32>,
    %get3A_620 = arith.constant 1 : i32
    %get3A_621 = arith.index_cast %get3A_620 : i32 to index
    %get3A_622 = arith.constant 16 : index
    %get3A_623 = tpu.vector_load %arg5[%get3A_621, %get3A_622] {strides = array<i32>} : memref<80x128xi32, #tpu.memory_space<vmem>>, vector<1x16xi32>,
    %get3A_624 = vector.shape_cast %get3A_623 : vector<1x16xi32> to vector<16xi32>
    %shift_right_logical3A_625 = arith.constant 14 : i32
    %shift_right_logical3A_626 = vector.broadcast %shift_right_logical3A_625 : i32 to vector<16xi32>
    %shift_right_logical3A_627 = arith.shrui %get3A_624, %shift_right_logical3A_626 : vector<16xi32>
    %swap3A_628 = arith.constant 1 : i32
    %swap3A_629 = arith.index_cast %swap3A_628 : i32 to index
    %swap3A_630 = arith.constant 16 : index
    %swap3A_631 = tpu.vector_load %arg6[%swap3A_629, %swap3A_630] {strides = array<i32>} : memref<2x128xi32, #tpu.memory_space<vmem>>, vector<1x16xi32>,
    %swap3A_632 = vector.shape_cast %swap3A_631 : vector<1x16xi32> to vector<16xi32>
    %swap3A_633 = vector.shape_cast %shift_right_logical3A_627 : vector<16xi32> to vector<1x16xi32>
    tpu.vector_store %arg6[%swap3A_629, %swap3A_630], %swap3A_633 {strides = array<i32>} : memref<2x128xi32, #tpu.memory_space<vmem>>, vector<1x16xi32>,
    %and3A_634 = arith.constant 16383 : i32
    %and3A_635 = vector.broadcast %and3A_634 : i32 to vector<16xi32>
    %and3A_636 = arith.andi %get3A_624, %and3A_635 : vector<16xi32>
    %swap3A_637 = arith.constant 1 : i32
    %swap3A_638 = arith.index_cast %swap3A_637 : i32 to index
    %swap3A_639 = arith.constant 16 : index
    %swap3A_640 = tpu.vector_load %arg7[%swap3A_638, %swap3A_639] {strides = array<i32>} : memref<2x128xi32, #tpu.memory_space<vmem>>, vector<1x16xi32>,
    %swap3A_641 = vector.shape_cast %swap3A_640 : vector<1x16xi32> to vector<16xi32>
    %swap3A_642 = vector.shape_cast %and3A_636 : vector<16xi32> to vector<1x16xi32>
    tpu.vector_store %arg7[%swap3A_638, %swap3A_639], %swap3A_642 {strides = array<i32>} : memref<2x128xi32, #tpu.memory_space<vmem>>, vector<1x16xi32>,
    %get3A_643 = arith.constant 1 : i32
    %get3A_644 = arith.index_cast %get3A_643 : i32 to index
    %get3A_645 = arith.constant 32 : index
    %get3A_646 = tpu.vector_load %arg5[%get3A_644, %get3A_645] {strides = array<i32>} : memref<80x128xi32, #tpu.memory_space<vmem>>, vector<1x16xi32>,
    %get3A_647 = vector.shape_cast %get3A_646 : vector<1x16xi32> to vector<16xi32>
    %shift_right_logical3A_648 = arith.constant 14 : i32
    %shift_right_logical3A_649 = vector.broadcast %shift_right_logical3A_648 : i32 to vector<16xi32>
    %shift_right_logical3A_650 = arith.shrui %get3A_647, %shift_right_logical3A_649 : vector<16xi32>
    %swap3A_651 = arith.constant 1 : i32
    %swap3A_652 = arith.index_cast %swap3A_651 : i32 to index
    %swap3A_653 = arith.constant 32 : index
    %swap3A_654 = tpu.vector_load %arg6[%swap3A_652, %swap3A_653] {strides = array<i32>} : memref<2x128xi32, #tpu.memory_space<vmem>>, vector<1x16xi32>,
    %swap3A_655 = vector.shape_cast %swap3A_654 : vector<1x16xi32> to vector<16xi32>
    %swap3A_656 = vector.shape_cast %shift_right_logical3A_650 : vector<16xi32> to vector<1x16xi32>
    tpu.vector_store %arg6[%swap3A_652, %swap3A_653], %swap3A_656 {strides = array<i32>} : memref<2x128xi32, #tpu.memory_space<vmem>>, vector<1x16xi32>,
    %and3A_657 = arith.constant 16383 : i32
    %and3A_658 = vector.broadcast %and3A_657 : i32 to vector<16xi32>
    %and3A_659 = arith.andi %get3A_647, %and3A_658 : vector<16xi32>
    %swap3A_660 = arith.constant 1 : i32
    %swap3A_661 = arith.index_cast %swap3A_660 : i32 to index
    %swap3A_662 = arith.constant 32 : index
    %swap3A_663 = tpu.vector_load %arg7[%swap3A_661, %swap3A_662] {strides = array<i32>} : memref<2x128xi32, #tpu.memory_space<vmem>>, vector<1x16xi32>,
    %swap3A_664 = vector.shape_cast %swap3A_663 : vector<1x16xi32> to vector<16xi32>
    %swap3A_665 = vector.shape_cast %and3A_659 : vector<16xi32> to vector<1x16xi32>
    tpu.vector_store %arg7[%swap3A_661, %swap3A_662], %swap3A_665 {strides = array<i32>} : memref<2x128xi32, #tpu.memory_space<vmem>>, vector<1x16xi32>,
    %get3A_666 = arith.constant 1 : i32
    %get3A_667 = arith.index_cast %get3A_666 : i32 to index
    %get3A_668 = arith.constant 48 : index
    %get3A_669 = tpu.vector_load %arg5[%get3A_667, %get3A_668] {strides = array<i32>} : memref<80x128xi32, #tpu.memory_space<vmem>>, vector<1x16xi32>,
    %get3A_670 = vector.shape_cast %get3A_669 : vector<1x16xi32> to vector<16xi32>
    %shift_right_logical3A_671 = arith.constant 14 : i32
    %shift_right_logical3A_672 = vector.broadcast %shift_right_logical3A_671 : i32 to vector<16xi32>
    %shift_right_logical3A_673 = arith.shrui %get3A_670, %shift_right_logical3A_672 : vector<16xi32>
    %swap3A_674 = arith.constant 1 : i32
    %swap3A_675 = arith.index_cast %swap3A_674 : i32 to index
    %swap3A_676 = arith.constant 48 : index
    %swap3A_677 = tpu.vector_load %arg6[%swap3A_675, %swap3A_676] {strides = array<i32>} : memref<2x128xi32, #tpu.memory_space<vmem>>, vector<1x16xi32>,
    %swap3A_678 = vector.shape_cast %swap3A_677 : vector<1x16xi32> to vector<16xi32>
    %swap3A_679 = vector.shape_cast %shift_right_logical3A_673 : vector<16xi32> to vector<1x16xi32>
    tpu.vector_store %arg6[%swap3A_675, %swap3A_676], %swap3A_679 {strides = array<i32>} : memref<2x128xi32, #tpu.memory_space<vmem>>, vector<1x16xi32>,
    %and3A_680 = arith.constant 16383 : i32
    %and3A_681 = vector.broadcast %and3A_680 : i32 to vector<16xi32>
    %and3A_682 = arith.andi %get3A_670, %and3A_681 : vector<16xi32>
    %swap3A_683 = arith.constant 1 : i32
    %swap3A_684 = arith.index_cast %swap3A_683 : i32 to index
    %swap3A_685 = arith.constant 48 : index
    %swap3A_686 = tpu.vector_load %arg7[%swap3A_684, %swap3A_685] {strides = array<i32>} : memref<2x128xi32, #tpu.memory_space<vmem>>, vector<1x16xi32>,
    %swap3A_687 = vector.shape_cast %swap3A_686 : vector<1x16xi32> to vector<16xi32>
    %swap3A_688 = vector.shape_cast %and3A_682 : vector<16xi32> to vector<1x16xi32>
    tpu.vector_store %arg7[%swap3A_684, %swap3A_685], %swap3A_688 {strides = array<i32>} : memref<2x128xi32, #tpu.memory_space<vmem>>, vector<1x16xi32>,
    %get3A_689 = arith.constant 1 : i32
    %get3A_690 = arith.index_cast %get3A_689 : i32 to index
    %get3A_691 = arith.constant 64 : index
    %get3A_692 = tpu.vector_load %arg5[%get3A_690, %get3A_691] {strides = array<i32>} : memref<80x128xi32, #tpu.memory_space<vmem>>, vector<1x16xi32>,
    %get3A_693 = vector.shape_cast %get3A_692 : vector<1x16xi32> to vector<16xi32>
    %shift_right_logical3A_694 = arith.constant 14 : i32
    %shift_right_logical3A_695 = vector.broadcast %shift_right_logical3A_694 : i32 to vector<16xi32>
    %shift_right_logical3A_696 = arith.shrui %get3A_693, %shift_right_logical3A_695 : vector<16xi32>
    %swap3A_697 = arith.constant 1 : i32
    %swap3A_698 = arith.index_cast %swap3A_697 : i32 to index
    %swap3A_699 = arith.constant 64 : index
    %swap3A_700 = tpu.vector_load %arg6[%swap3A_698, %swap3A_699] {strides = array<i32>} : memref<2x128xi32, #tpu.memory_space<vmem>>, vector<1x16xi32>,
    %swap3A_701 = vector.shape_cast %swap3A_700 : vector<1x16xi32> to vector<16xi32>
    %swap3A_702 = vector.shape_cast %shift_right_logical3A_696 : vector<16xi32> to vector<1x16xi32>
    tpu.vector_store %arg6[%swap3A_698, %swap3A_699], %swap3A_702 {strides = array<i32>} : memref<2x128xi32, #tpu.memory_space<vmem>>, vector<1x16xi32>,
    %and3A_703 = arith.constant 16383 : i32
    %and3A_704 = vector.broadcast %and3A_703 : i32 to vector<16xi32>
    %and3A_705 = arith.andi %get3A_693, %and3A_704 : vector<16xi32>
    %swap3A_706 = arith.constant 1 : i32
    %swap3A_707 = arith.index_cast %swap3A_706 : i32 to index
    %swap3A_708 = arith.constant 64 : index
    %swap3A_709 = tpu.vector_load %arg7[%swap3A_707, %swap3A_708] {strides = array<i32>} : memref<2x128xi32, #tpu.memory_space<vmem>>, vector<1x16xi32>,
    %swap3A_710 = vector.shape_cast %swap3A_709 : vector<1x16xi32> to vector<16xi32>
    %swap3A_711 = vector.shape_cast %and3A_705 : vector<16xi32> to vector<1x16xi32>
    tpu.vector_store %arg7[%swap3A_707, %swap3A_708], %swap3A_711 {strides = array<i32>} : memref<2x128xi32, #tpu.memory_space<vmem>>, vector<1x16xi32>,
    %get3A_712 = arith.constant 1 : i32
    %get3A_713 = arith.index_cast %get3A_712 : i32 to index
    %get3A_714 = arith.constant 80 : index
    %get3A_715 = tpu.vector_load %arg5[%get3A_713, %get3A_714] {strides = array<i32>} : memref<80x128xi32, #tpu.memory_space<vmem>>, vector<1x16xi32>,
    %get3A_716 = vector.shape_cast %get3A_715 : vector<1x16xi32> to vector<16xi32>
    %shift_right_logical3A_717 = arith.constant 14 : i32
    %shift_right_logical3A_718 = vector.broadcast %shift_right_logical3A_717 : i32 to vector<16xi32>
    %shift_right_logical3A_719 = arith.shrui %get3A_716, %shift_right_logical3A_718 : vector<16xi32>
    %swap3A_720 = arith.constant 1 : i32
    %swap3A_721 = arith.index_cast %swap3A_720 : i32 to index
    %swap3A_722 = arith.constant 80 : index
    %swap3A_723 = tpu.vector_load %arg6[%swap3A_721, %swap3A_722] {strides = array<i32>} : memref<2x128xi32, #tpu.memory_space<vmem>>, vector<1x16xi32>,
    %swap3A_724 = vector.shape_cast %swap3A_723 : vector<1x16xi32> to vector<16xi32>
    %swap3A_725 = vector.shape_cast %shift_right_logical3A_719 : vector<16xi32> to vector<1x16xi32>
    tpu.vector_store %arg6[%swap3A_721, %swap3A_722], %swap3A_725 {strides = array<i32>} : memref<2x128xi32, #tpu.memory_space<vmem>>, vector<1x16xi32>,
    %and3A_726 = arith.constant 16383 : i32
    %and3A_727 = vector.broadcast %and3A_726 : i32 to vector<16xi32>
    %and3A_728 = arith.andi %get3A_716, %and3A_727 : vector<16xi32>
    %swap3A_729 = arith.constant 1 : i32
    %swap3A_730 = arith.index_cast %swap3A_729 : i32 to index
    %swap3A_731 = arith.constant 80 : index
    %swap3A_732 = tpu.vector_load %arg7[%swap3A_730, %swap3A_731] {strides = array<i32>} : memref<2x128xi32, #tpu.memory_space<vmem>>, vector<1x16xi32>,
    %swap3A_733 = vector.shape_cast %swap3A_732 : vector<1x16xi32> to vector<16xi32>
    %swap3A_734 = vector.shape_cast %and3A_728 : vector<16xi32> to vector<1x16xi32>
    tpu.vector_store %arg7[%swap3A_730, %swap3A_731], %swap3A_734 {strides = array<i32>} : memref<2x128xi32, #tpu.memory_space<vmem>>, vector<1x16xi32>,
    %get3A_735 = arith.constant 1 : i32
    %get3A_736 = arith.index_cast %get3A_735 : i32 to index
    %get3A_737 = arith.constant 96 : index
    %get3A_738 = tpu.vector_load %arg5[%get3A_736, %get3A_737] {strides = array<i32>} : memref<80x128xi32, #tpu.memory_space<vmem>>, vector<1x16xi32>,
    %get3A_739 = vector.shape_cast %get3A_738 : vector<1x16xi32> to vector<16xi32>
    %shift_right_logical3A_740 = arith.constant 14 : i32
    %shift_right_logical3A_741 = vector.broadcast %shift_right_logical3A_740 : i32 to vector<16xi32>
    %shift_right_logical3A_742 = arith.shrui %get3A_739, %shift_right_logical3A_741 : vector<16xi32>
    %swap3A_743 = arith.constant 1 : i32
    %swap3A_744 = arith.index_cast %swap3A_743 : i32 to index
    %swap3A_745 = arith.constant 96 : index
    %swap3A_746 = tpu.vector_load %arg6[%swap3A_744, %swap3A_745] {strides = array<i32>} : memref<2x128xi32, #tpu.memory_space<vmem>>, vector<1x16xi32>,
    %swap3A_747 = vector.shape_cast %swap3A_746 : vector<1x16xi32> to vector<16xi32>
    %swap3A_748 = vector.shape_cast %shift_right_logical3A_742 : vector<16xi32> to vector<1x16xi32>
    tpu.vector_store %arg6[%swap3A_744, %swap3A_745], %swap3A_748 {strides = array<i32>} : memref<2x128xi32, #tpu.memory_space<vmem>>, vector<1x16xi32>,
    %and3A_749 = arith.constant 16383 : i32
    %and3A_750 = vector.broadcast %and3A_749 : i32 to vector<16xi32>
    %and3A_751 = arith.andi %get3A_739, %and3A_750 : vector<16xi32>
    %swap3A_752 = arith.constant 1 : i32
    %swap3A_753 = arith.index_cast %swap3A_752 : i32 to index
    %swap3A_754 = arith.constant 96 : index
    %swap3A_755 = tpu.vector_load %arg7[%swap3A_753, %swap3A_754] {strides = array<i32>} : memref<2x128xi32, #tpu.memory_space<vmem>>, vector<1x16xi32>,
    %swap3A_756 = vector.shape_cast %swap3A_755 : vector<1x16xi32> to vector<16xi32>
    %swap3A_757 = vector.shape_cast %and3A_751 : vector<16xi32> to vector<1x16xi32>
    tpu.vector_store %arg7[%swap3A_753, %swap3A_754], %swap3A_757 {strides = array<i32>} : memref<2x128xi32, #tpu.memory_space<vmem>>, vector<1x16xi32>,
    %get3A_758 = arith.constant 1 : i32
    %get3A_759 = arith.index_cast %get3A_758 : i32 to index
    %get3A_760 = arith.constant 112 : index
    %get3A_761 = tpu.vector_load %arg5[%get3A_759, %get3A_760] {strides = array<i32>} : memref<80x128xi32, #tpu.memory_space<vmem>>, vector<1x16xi32>,
    %get3A_762 = vector.shape_cast %get3A_761 : vector<1x16xi32> to vector<16xi32>
    %shift_right_logical3A_763 = arith.constant 14 : i32
    %shift_right_logical3A_764 = vector.broadcast %shift_right_logical3A_763 : i32 to vector<16xi32>
    %shift_right_logical3A_765 = arith.shrui %get3A_762, %shift_right_logical3A_764 : vector<16xi32>
    %swap3A_766 = arith.constant 1 : i32
    %swap3A_767 = arith.index_cast %swap3A_766 : i32 to index
    %swap3A_768 = arith.constant 112 : index
    %swap3A_769 = tpu.vector_load %arg6[%swap3A_767, %swap3A_768] {strides = array<i32>} : memref<2x128xi32, #tpu.memory_space<vmem>>, vector<1x16xi32>,
    %swap3A_770 = vector.shape_cast %swap3A_769 : vector<1x16xi32> to vector<16xi32>
    %swap3A_771 = vector.shape_cast %shift_right_logical3A_765 : vector<16xi32> to vector<1x16xi32>
    tpu.vector_store %arg6[%swap3A_767, %swap3A_768], %swap3A_771 {strides = array<i32>} : memref<2x128xi32, #tpu.memory_space<vmem>>, vector<1x16xi32>,
    %and3A_772 = arith.constant 16383 : i32
    %and3A_773 = vector.broadcast %and3A_772 : i32 to vector<16xi32>
    %and3A_774 = arith.andi %get3A_762, %and3A_773 : vector<16xi32>
    %swap3A_775 = arith.constant 1 : i32
    %swap3A_776 = arith.index_cast %swap3A_775 : i32 to index
    %swap3A_777 = arith.constant 112 : index
    %swap3A_778 = tpu.vector_load %arg7[%swap3A_776, %swap3A_777] {strides = array<i32>} : memref<2x128xi32, #tpu.memory_space<vmem>>, vector<1x16xi32>,
    %swap3A_779 = vector.shape_cast %swap3A_778 : vector<1x16xi32> to vector<16xi32>
    %swap3A_780 = vector.shape_cast %and3A_774 : vector<16xi32> to vector<1x16xi32>
    tpu.vector_store %arg7[%swap3A_776, %swap3A_777], %swap3A_780 {strides = array<i32>} : memref<2x128xi32, #tpu.memory_space<vmem>>, vector<1x16xi32>,
    %dma_start3A_781 = arith.constant 1 : i32
    %dma_start3A_782 = arith.constant 1 : i32
    %dma_start3A_783 = arith.constant 0 : i32
    %dma_start3A_784 = arith.constant 0 : i32
    %dma_start3A_785 = tpu.memref_slice %arg8[%dma_start3A_782, %dma_start3A_783, %dma_start3A_784] : memref<2x128x64xf32, #tpu.memory_space<vmem>> -> memref<1x128x64xf32, #tpu.memory_space<vmem>>
    %dma_start3A_786 = tpu.memref_squeeze %dma_start3A_785 : memref<1x128x64xf32, #tpu.memory_space<vmem>> -> memref<128x64xf32, #tpu.memory_space<vmem>>
    %dma_start3A_787 = arith.constant 0 : i32
    %dma_start3A_788 = tpu.memref_slice %arg6[%dma_start3A_781, %dma_start3A_787] : memref<2x128xi32, #tpu.memory_space<vmem>> -> memref<1x128xi32, #tpu.memory_space<vmem>>
    %dma_start3A_789 = tpu.memref_squeeze %dma_start3A_788 : memref<1x128xi32, #tpu.memory_space<vmem>> -> memref<128xi32, #tpu.memory_space<vmem>>
    %dma_start3A_790 = arith.constant 0 : i32
    %dma_start3A_791 = arith.constant 0 : i32
    %dma_start3A_792 = tpu.memref_slice %arg9[%dma_start3A_790, %dma_start3A_791] : memref<10112x64xf32, #tpu.memory_space<vmem_shared>> -> memref<10112x64xf32, #tpu.memory_space<vmem_shared>>
    tpu.enqueue_indirect_dma source(%dma_start3A_792 : memref<10112x64xf32, #tpu.memory_space<vmem_shared>>) target(%dma_start3A_786 : memref<128x64xf32, #tpu.memory_space<vmem>>) offsets(%dma_start3A_789 : memref<128xi32, #tpu.memory_space<vmem>>) semaphore(%arg12 : memref<!tpu.dma_semaphore, #tpu.memory_space<semaphore_mem>>)
    %scan3A_793 = arith.constant 0 : i32
    %scan3A_794 = arith.constant 40 : i32
    %scan3A_795 = arith.addi %scan3A_793, %scan3A_794 : i32
    %scan3A_796 = arith.constant 1 : i32
    scf.for %scan3A_809 = %scan3A_793 to %scan3A_795 step %scan3A_796  : i32 {
      %mul3A_810 = arith.constant 2 : i32
      %mul3A_811 = arith.muli %scan3A_809, %mul3A_810 : i32
      %add3A = arith.constant 0 : i32
      %add3A_812 = arith.addi %add3A, %mul3A_811 : i32
      %add3A_813 = arith.constant 0 : i32
      %add3A_814 = arith.addi %add3A_812, %add3A_813 : i32
      %dma_wait3A = arith.constant 0 : i32
      %dma_wait3A_815 = arith.constant 0 : i32
      %dma_wait3A_816 = arith.constant 0 : i32
      %dma_wait3A_817 = arith.constant 0 : i32
      %dma_wait3A_818 = tpu.memref_slice %arg8[%dma_wait3A_815, %dma_wait3A_816, %dma_wait3A_817] : memref<2x128x64xf32, #tpu.memory_space<vmem>> -> memref<1x128x64xf32, #tpu.memory_space<vmem>>
      %dma_wait3A_819 = tpu.memref_squeeze %dma_wait3A_818 : memref<1x128x64xf32, #tpu.memory_space<vmem>> -> memref<128x64xf32, #tpu.memory_space<vmem>>
      %dma_wait3A_820 = arith.constant 0 : i32
      %dma_wait3A_821 = tpu.memref_slice %arg6[%dma_wait3A, %dma_wait3A_820] : memref<2x128xi32, #tpu.memory_space<vmem>> -> memref<1x128xi32, #tpu.memory_space<vmem>>
      %dma_wait3A_822 = tpu.memref_squeeze %dma_wait3A_821 : memref<1x128xi32, #tpu.memory_space<vmem>> -> memref<128xi32, #tpu.memory_space<vmem>>
      %dma_wait3A_823 = arith.constant 0 : i32
      %dma_wait3A_824 = arith.constant 0 : i32
      %dma_wait3A_825 = tpu.memref_slice %arg9[%dma_wait3A_823, %dma_wait3A_824] : memref<10112x64xf32, #tpu.memory_space<vmem_shared>> -> memref<10112x64xf32, #tpu.memory_space<vmem_shared>>
      tpu.wait_indirect_dma semaphore(%arg11 : memref<!tpu.dma_semaphore, #tpu.memory_space<semaphore_mem>>) src(%dma_wait3A_825 : memref<10112x64xf32, #tpu.memory_space<vmem_shared>>) dst(%dma_wait3A_819 : memref<128x64xf32, #tpu.memory_space<vmem>>)
      %run_scoped3A = arith.constant 0 : i32
      %run_scoped3A_826 = arith.constant 0 : i32
      "tpu.region"() ({
        %run_scoped3A_857 = tpu.sem_alloc : memref<!tpu.dma_semaphore, #tpu.memory_space<semaphore_mem>>
        %dma_start3A_858 = arith.constant 0 : i32
        %dma_start3A_859 = arith.constant 0 : i32
        %dma_start3A_860 = tpu.memref_slice %arg8[%run_scoped3A, %dma_start3A_858, %dma_start3A_859] : memref<2x128x64xf32, #tpu.memory_space<vmem>> -> memref<1x128x64xf32, #tpu.memory_space<vmem>>
        %dma_start3A_861 = tpu.memref_squeeze %dma_start3A_860 : memref<1x128x64xf32, #tpu.memory_space<vmem>> -> memref<128x64xf32, #tpu.memory_space<vmem>>
        %dma_start3A_862 = arith.constant 0 : i32
        %dma_start3A_863 = tpu.memref_slice %arg7[%run_scoped3A_826, %dma_start3A_862] : memref<2x128xi32, #tpu.memory_space<vmem>> -> memref<1x128xi32, #tpu.memory_space<vmem>>
        %dma_start3A_864 = tpu.memref_squeeze %dma_start3A_863 : memref<1x128xi32, #tpu.memory_space<vmem>> -> memref<128xi32, #tpu.memory_space<vmem>>
        %dma_start3A_865 = arith.constant 0 : i32
        %dma_start3A_866 = arith.constant 0 : i32
        %dma_start3A_867 = tpu.memref_slice %arg10[%dma_start3A_865, %dma_start3A_866] : memref<10112x64xf32, #tpu.memory_space<vmem_shared>> -> memref<10112x64xf32, #tpu.memory_space<vmem_shared>>
        tpu.enqueue_indirect_dma source(%dma_start3A_861 : memref<128x64xf32, #tpu.memory_space<vmem>>) target(%dma_start3A_867 : memref<10112x64xf32, #tpu.memory_space<vmem_shared>>) offsets(%dma_start3A_864 : memref<128xi32, #tpu.memory_space<vmem>>) semaphore(%run_scoped3A_857 : memref<!tpu.dma_semaphore, #tpu.memory_space<semaphore_mem>>) {add = true}
        %dma_wait3A_868 = arith.constant 0 : i32
        %dma_wait3A_869 = arith.constant 0 : i32
        %dma_wait3A_870 = tpu.memref_slice %arg8[%run_scoped3A, %dma_wait3A_868, %dma_wait3A_869] : memref<2x128x64xf32, #tpu.memory_space<vmem>> -> memref<1x128x64xf32, #tpu.memory_space<vmem>>
        %dma_wait3A_871 = tpu.memref_squeeze %dma_wait3A_870 : memref<1x128x64xf32, #tpu.memory_space<vmem>> -> memref<128x64xf32, #tpu.memory_space<vmem>>
        %dma_wait3A_872 = arith.constant 0 : i32
        %dma_wait3A_873 = tpu.memref_slice %arg7[%run_scoped3A_826, %dma_wait3A_872] : memref<2x128xi32, #tpu.memory_space<vmem>> -> memref<1x128xi32, #tpu.memory_space<vmem>>
        %dma_wait3A_874 = tpu.memref_squeeze %dma_wait3A_873 : memref<1x128xi32, #tpu.memory_space<vmem>> -> memref<128xi32, #tpu.memory_space<vmem>>
        %dma_wait3A_875 = arith.constant 0 : i32
        %dma_wait3A_876 = arith.constant 0 : i32
        %dma_wait3A_877 = tpu.memref_slice %arg10[%dma_wait3A_875, %dma_wait3A_876] : memref<10112x64xf32, #tpu.memory_space<vmem_shared>> -> memref<10112x64xf32, #tpu.memory_space<vmem_shared>>
        tpu.wait_indirect_dma semaphore(%run_scoped3A_857 : memref<!tpu.dma_semaphore, #tpu.memory_space<semaphore_mem>>) src(%dma_wait3A_871 : memref<128x64xf32, #tpu.memory_space<vmem>>) dst(%dma_wait3A_877 : memref<10112x64xf32, #tpu.memory_space<vmem_shared>>)
        tpu.yield
      }) : () -> ()
      %add3A_827 = arith.constant 2 : i32
      %add3A_828 = arith.addi %add3A_814, %add3A_827 : i32
      %lt3A_829 = arith.constant 80 : i32
      %lt3A_830 = arith.cmpi slt, %add3A_828, %lt3A_829 : i32
      %convert_element_type3A_831 = arith.extui %lt3A_830 : i1 to i32
      %cond3A_832 = arith.constant 0 : i32
      %cond3A_833 = arith.cmpi ne, %convert_element_type3A_831, %cond3A_832 : i32
      scf.if %cond3A_833 {
        %add3A_857 = arith.constant 2 : i32
        %add3A_858 = arith.addi %add3A_814, %add3A_857 : i32
        %get3A_859 = arith.index_cast %add3A_858 : i32 to index
        %get3A_860 = arith.constant 0 : index
        %get3A_861 = tpu.vector_load %arg5[%get3A_859, %get3A_860] {strides = array<i32>} : memref<80x128xi32, #tpu.memory_space<vmem>>, vector<1x16xi32>,
        %get3A_862 = vector.shape_cast %get3A_861 : vector<1x16xi32> to vector<16xi32>
        %shift_right_logical3A_863 = arith.constant 14 : i32
        %shift_right_logical3A_864 = vector.broadcast %shift_right_logical3A_863 : i32 to vector<16xi32>
        %shift_right_logical3A_865 = arith.shrui %get3A_862, %shift_right_logical3A_864 : vector<16xi32>
        %swap3A_866 = arith.constant 0 : i32
        %swap3A_867 = arith.index_cast %swap3A_866 : i32 to index
        %swap3A_868 = arith.constant 0 : index
        %swap3A_869 = tpu.vector_load %arg6[%swap3A_867, %swap3A_868] {strides = array<i32>} : memref<2x128xi32, #tpu.memory_space<vmem>>, vector<1x16xi32>,
        %swap3A_870 = vector.shape_cast %swap3A_869 : vector<1x16xi32> to vector<16xi32>
        %swap3A_871 = vector.shape_cast %shift_right_logical3A_865 : vector<16xi32> to vector<1x16xi32>
        tpu.vector_store %arg6[%swap3A_867, %swap3A_868], %swap3A_871 {strides = array<i32>} : memref<2x128xi32, #tpu.memory_space<vmem>>, vector<1x16xi32>,
        %and3A_872 = arith.constant 16383 : i32
        %and3A_873 = vector.broadcast %and3A_872 : i32 to vector<16xi32>
        %and3A_874 = arith.andi %get3A_862, %and3A_873 : vector<16xi32>
        %swap3A_875 = arith.constant 0 : i32
        %swap3A_876 = arith.index_cast %swap3A_875 : i32 to index
        %swap3A_877 = arith.constant 0 : index
        %swap3A_878 = tpu.vector_load %arg7[%swap3A_876, %swap3A_877] {strides = array<i32>} : memref<2x128xi32, #tpu.memory_space<vmem>>, vector<1x16xi32>,
        %swap3A_879 = vector.shape_cast %swap3A_878 : vector<1x16xi32> to vector<16xi32>
        %swap3A_880 = vector.shape_cast %and3A_874 : vector<16xi32> to vector<1x16xi32>
        tpu.vector_store %arg7[%swap3A_876, %swap3A_877], %swap3A_880 {strides = array<i32>} : memref<2x128xi32, #tpu.memory_space<vmem>>, vector<1x16xi32>,
        %get3A_881 = arith.index_cast %add3A_858 : i32 to index
        %get3A_882 = arith.constant 16 : index
        %get3A_883 = tpu.vector_load %arg5[%get3A_881, %get3A_882] {strides = array<i32>} : memref<80x128xi32, #tpu.memory_space<vmem>>, vector<1x16xi32>,
        %get3A_884 = vector.shape_cast %get3A_883 : vector<1x16xi32> to vector<16xi32>
        %shift_right_logical3A_885 = arith.constant 14 : i32
        %shift_right_logical3A_886 = vector.broadcast %shift_right_logical3A_885 : i32 to vector<16xi32>
        %shift_right_logical3A_887 = arith.shrui %get3A_884, %shift_right_logical3A_886 : vector<16xi32>
        %swap3A_888 = arith.constant 0 : i32
        %swap3A_889 = arith.index_cast %swap3A_888 : i32 to index
        %swap3A_890 = arith.constant 16 : index
        %swap3A_891 = tpu.vector_load %arg6[%swap3A_889, %swap3A_890] {strides = array<i32>} : memref<2x128xi32, #tpu.memory_space<vmem>>, vector<1x16xi32>,
        %swap3A_892 = vector.shape_cast %swap3A_891 : vector<1x16xi32> to vector<16xi32>
        %swap3A_893 = vector.shape_cast %shift_right_logical3A_887 : vector<16xi32> to vector<1x16xi32>
        tpu.vector_store %arg6[%swap3A_889, %swap3A_890], %swap3A_893 {strides = array<i32>} : memref<2x128xi32, #tpu.memory_space<vmem>>, vector<1x16xi32>,
        %and3A_894 = arith.constant 16383 : i32
        %and3A_895 = vector.broadcast %and3A_894 : i32 to vector<16xi32>
        %and3A_896 = arith.andi %get3A_884, %and3A_895 : vector<16xi32>
        %swap3A_897 = arith.constant 0 : i32
        %swap3A_898 = arith.index_cast %swap3A_897 : i32 to index
        %swap3A_899 = arith.constant 16 : index
        %swap3A_900 = tpu.vector_load %arg7[%swap3A_898, %swap3A_899] {strides = array<i32>} : memref<2x128xi32, #tpu.memory_space<vmem>>, vector<1x16xi32>,
        %swap3A_901 = vector.shape_cast %swap3A_900 : vector<1x16xi32> to vector<16xi32>
        %swap3A_902 = vector.shape_cast %and3A_896 : vector<16xi32> to vector<1x16xi32>
        tpu.vector_store %arg7[%swap3A_898, %swap3A_899], %swap3A_902 {strides = array<i32>} : memref<2x128xi32, #tpu.memory_space<vmem>>, vector<1x16xi32>,
        %get3A_903 = arith.index_cast %add3A_858 : i32 to index
        %get3A_904 = arith.constant 32 : index
        %get3A_905 = tpu.vector_load %arg5[%get3A_903, %get3A_904] {strides = array<i32>} : memref<80x128xi32, #tpu.memory_space<vmem>>, vector<1x16xi32>,
        %get3A_906 = vector.shape_cast %get3A_905 : vector<1x16xi32> to vector<16xi32>
        %shift_right_logical3A_907 = arith.constant 14 : i32
        %shift_right_logical3A_908 = vector.broadcast %shift_right_logical3A_907 : i32 to vector<16xi32>
        %shift_right_logical3A_909 = arith.shrui %get3A_906, %shift_right_logical3A_908 : vector<16xi32>
        %swap3A_910 = arith.constant 0 : i32
        %swap3A_911 = arith.index_cast %swap3A_910 : i32 to index
        %swap3A_912 = arith.constant 32 : index
        %swap3A_913 = tpu.vector_load %arg6[%swap3A_911, %swap3A_912] {strides = array<i32>} : memref<2x128xi32, #tpu.memory_space<vmem>>, vector<1x16xi32>,
        %swap3A_914 = vector.shape_cast %swap3A_913 : vector<1x16xi32> to vector<16xi32>
        %swap3A_915 = vector.shape_cast %shift_right_logical3A_909 : vector<16xi32> to vector<1x16xi32>
        tpu.vector_store %arg6[%swap3A_911, %swap3A_912], %swap3A_915 {strides = array<i32>} : memref<2x128xi32, #tpu.memory_space<vmem>>, vector<1x16xi32>,
        %and3A_916 = arith.constant 16383 : i32
        %and3A_917 = vector.broadcast %and3A_916 : i32 to vector<16xi32>
        %and3A_918 = arith.andi %get3A_906, %and3A_917 : vector<16xi32>
        %swap3A_919 = arith.constant 0 : i32
        %swap3A_920 = arith.index_cast %swap3A_919 : i32 to index
        %swap3A_921 = arith.constant 32 : index
        %swap3A_922 = tpu.vector_load %arg7[%swap3A_920, %swap3A_921] {strides = array<i32>} : memref<2x128xi32, #tpu.memory_space<vmem>>, vector<1x16xi32>,
        %swap3A_923 = vector.shape_cast %swap3A_922 : vector<1x16xi32> to vector<16xi32>
        %swap3A_924 = vector.shape_cast %and3A_918 : vector<16xi32> to vector<1x16xi32>
        tpu.vector_store %arg7[%swap3A_920, %swap3A_921], %swap3A_924 {strides = array<i32>} : memref<2x128xi32, #tpu.memory_space<vmem>>, vector<1x16xi32>,
        %get3A_925 = arith.index_cast %add3A_858 : i32 to index
        %get3A_926 = arith.constant 48 : index
        %get3A_927 = tpu.vector_load %arg5[%get3A_925, %get3A_926] {strides = array<i32>} : memref<80x128xi32, #tpu.memory_space<vmem>>, vector<1x16xi32>,
        %get3A_928 = vector.shape_cast %get3A_927 : vector<1x16xi32> to vector<16xi32>
        %shift_right_logical3A_929 = arith.constant 14 : i32
        %shift_right_logical3A_930 = vector.broadcast %shift_right_logical3A_929 : i32 to vector<16xi32>
        %shift_right_logical3A_931 = arith.shrui %get3A_928, %shift_right_logical3A_930 : vector<16xi32>
        %swap3A_932 = arith.constant 0 : i32
        %swap3A_933 = arith.index_cast %swap3A_932 : i32 to index
        %swap3A_934 = arith.constant 48 : index
        %swap3A_935 = tpu.vector_load %arg6[%swap3A_933, %swap3A_934] {strides = array<i32>} : memref<2x128xi32, #tpu.memory_space<vmem>>, vector<1x16xi32>,
        %swap3A_936 = vector.shape_cast %swap3A_935 : vector<1x16xi32> to vector<16xi32>
        %swap3A_937 = vector.shape_cast %shift_right_logical3A_931 : vector<16xi32> to vector<1x16xi32>
        tpu.vector_store %arg6[%swap3A_933, %swap3A_934], %swap3A_937 {strides = array<i32>} : memref<2x128xi32, #tpu.memory_space<vmem>>, vector<1x16xi32>,
        %and3A_938 = arith.constant 16383 : i32
        %and3A_939 = vector.broadcast %and3A_938 : i32 to vector<16xi32>
        %and3A_940 = arith.andi %get3A_928, %and3A_939 : vector<16xi32>
        %swap3A_941 = arith.constant 0 : i32
        %swap3A_942 = arith.index_cast %swap3A_941 : i32 to index
        %swap3A_943 = arith.constant 48 : index
        %swap3A_944 = tpu.vector_load %arg7[%swap3A_942, %swap3A_943] {strides = array<i32>} : memref<2x128xi32, #tpu.memory_space<vmem>>, vector<1x16xi32>,
        %swap3A_945 = vector.shape_cast %swap3A_944 : vector<1x16xi32> to vector<16xi32>
        %swap3A_946 = vector.shape_cast %and3A_940 : vector<16xi32> to vector<1x16xi32>
        tpu.vector_store %arg7[%swap3A_942, %swap3A_943], %swap3A_946 {strides = array<i32>} : memref<2x128xi32, #tpu.memory_space<vmem>>, vector<1x16xi32>,
        %get3A_947 = arith.index_cast %add3A_858 : i32 to index
        %get3A_948 = arith.constant 64 : index
        %get3A_949 = tpu.vector_load %arg5[%get3A_947, %get3A_948] {strides = array<i32>} : memref<80x128xi32, #tpu.memory_space<vmem>>, vector<1x16xi32>,
        %get3A_950 = vector.shape_cast %get3A_949 : vector<1x16xi32> to vector<16xi32>
        %shift_right_logical3A_951 = arith.constant 14 : i32
        %shift_right_logical3A_952 = vector.broadcast %shift_right_logical3A_951 : i32 to vector<16xi32>
        %shift_right_logical3A_953 = arith.shrui %get3A_950, %shift_right_logical3A_952 : vector<16xi32>
        %swap3A_954 = arith.constant 0 : i32
        %swap3A_955 = arith.index_cast %swap3A_954 : i32 to index
        %swap3A_956 = arith.constant 64 : index
        %swap3A_957 = tpu.vector_load %arg6[%swap3A_955, %swap3A_956] {strides = array<i32>} : memref<2x128xi32, #tpu.memory_space<vmem>>, vector<1x16xi32>,
        %swap3A_958 = vector.shape_cast %swap3A_957 : vector<1x16xi32> to vector<16xi32>
        %swap3A_959 = vector.shape_cast %shift_right_logical3A_953 : vector<16xi32> to vector<1x16xi32>
        tpu.vector_store %arg6[%swap3A_955, %swap3A_956], %swap3A_959 {strides = array<i32>} : memref<2x128xi32, #tpu.memory_space<vmem>>, vector<1x16xi32>,
        %and3A_960 = arith.constant 16383 : i32
        %and3A_961 = vector.broadcast %and3A_960 : i32 to vector<16xi32>
        %and3A_962 = arith.andi %get3A_950, %and3A_961 : vector<16xi32>
        %swap3A_963 = arith.constant 0 : i32
        %swap3A_964 = arith.index_cast %swap3A_963 : i32 to index
        %swap3A_965 = arith.constant 64 : index
        %swap3A_966 = tpu.vector_load %arg7[%swap3A_964, %swap3A_965] {strides = array<i32>} : memref<2x128xi32, #tpu.memory_space<vmem>>, vector<1x16xi32>,
        %swap3A_967 = vector.shape_cast %swap3A_966 : vector<1x16xi32> to vector<16xi32>
        %swap3A_968 = vector.shape_cast %and3A_962 : vector<16xi32> to vector<1x16xi32>
        tpu.vector_store %arg7[%swap3A_964, %swap3A_965], %swap3A_968 {strides = array<i32>} : memref<2x128xi32, #tpu.memory_space<vmem>>, vector<1x16xi32>,
        %get3A_969 = arith.index_cast %add3A_858 : i32 to index
        %get3A_970 = arith.constant 80 : index
        %get3A_971 = tpu.vector_load %arg5[%get3A_969, %get3A_970] {strides = array<i32>} : memref<80x128xi32, #tpu.memory_space<vmem>>, vector<1x16xi32>,
        %get3A_972 = vector.shape_cast %get3A_971 : vector<1x16xi32> to vector<16xi32>
        %shift_right_logical3A_973 = arith.constant 14 : i32
        %shift_right_logical3A_974 = vector.broadcast %shift_right_logical3A_973 : i32 to vector<16xi32>
        %shift_right_logical3A_975 = arith.shrui %get3A_972, %shift_right_logical3A_974 : vector<16xi32>
        %swap3A_976 = arith.constant 0 : i32
        %swap3A_977 = arith.index_cast %swap3A_976 : i32 to index
        %swap3A_978 = arith.constant 80 : index
        %swap3A_979 = tpu.vector_load %arg6[%swap3A_977, %swap3A_978] {strides = array<i32>} : memref<2x128xi32, #tpu.memory_space<vmem>>, vector<1x16xi32>,
        %swap3A_980 = vector.shape_cast %swap3A_979 : vector<1x16xi32> to vector<16xi32>
        %swap3A_981 = vector.shape_cast %shift_right_logical3A_975 : vector<16xi32> to vector<1x16xi32>
        tpu.vector_store %arg6[%swap3A_977, %swap3A_978], %swap3A_981 {strides = array<i32>} : memref<2x128xi32, #tpu.memory_space<vmem>>, vector<1x16xi32>,
        %and3A_982 = arith.constant 16383 : i32
        %and3A_983 = vector.broadcast %and3A_982 : i32 to vector<16xi32>
        %and3A_984 = arith.andi %get3A_972, %and3A_983 : vector<16xi32>
        %swap3A_985 = arith.constant 0 : i32
        %swap3A_986 = arith.index_cast %swap3A_985 : i32 to index
        %swap3A_987 = arith.constant 80 : index
        %swap3A_988 = tpu.vector_load %arg7[%swap3A_986, %swap3A_987] {strides = array<i32>} : memref<2x128xi32, #tpu.memory_space<vmem>>, vector<1x16xi32>,
        %swap3A_989 = vector.shape_cast %swap3A_988 : vector<1x16xi32> to vector<16xi32>
        %swap3A_990 = vector.shape_cast %and3A_984 : vector<16xi32> to vector<1x16xi32>
        tpu.vector_store %arg7[%swap3A_986, %swap3A_987], %swap3A_990 {strides = array<i32>} : memref<2x128xi32, #tpu.memory_space<vmem>>, vector<1x16xi32>,
        %get3A_991 = arith.index_cast %add3A_858 : i32 to index
        %get3A_992 = arith.constant 96 : index
        %get3A_993 = tpu.vector_load %arg5[%get3A_991, %get3A_992] {strides = array<i32>} : memref<80x128xi32, #tpu.memory_space<vmem>>, vector<1x16xi32>,
        %get3A_994 = vector.shape_cast %get3A_993 : vector<1x16xi32> to vector<16xi32>
        %shift_right_logical3A_995 = arith.constant 14 : i32
        %shift_right_logical3A_996 = vector.broadcast %shift_right_logical3A_995 : i32 to vector<16xi32>
        %shift_right_logical3A_997 = arith.shrui %get3A_994, %shift_right_logical3A_996 : vector<16xi32>
        %swap3A_998 = arith.constant 0 : i32
        %swap3A_999 = arith.index_cast %swap3A_998 : i32 to index
        %swap3A_1000 = arith.constant 96 : index
        %swap3A_1001 = tpu.vector_load %arg6[%swap3A_999, %swap3A_1000] {strides = array<i32>} : memref<2x128xi32, #tpu.memory_space<vmem>>, vector<1x16xi32>,
        %swap3A_1002 = vector.shape_cast %swap3A_1001 : vector<1x16xi32> to vector<16xi32>
        %swap3A_1003 = vector.shape_cast %shift_right_logical3A_997 : vector<16xi32> to vector<1x16xi32>
        tpu.vector_store %arg6[%swap3A_999, %swap3A_1000], %swap3A_1003 {strides = array<i32>} : memref<2x128xi32, #tpu.memory_space<vmem>>, vector<1x16xi32>,
        %and3A_1004 = arith.constant 16383 : i32
        %and3A_1005 = vector.broadcast %and3A_1004 : i32 to vector<16xi32>
        %and3A_1006 = arith.andi %get3A_994, %and3A_1005 : vector<16xi32>
        %swap3A_1007 = arith.constant 0 : i32
        %swap3A_1008 = arith.index_cast %swap3A_1007 : i32 to index
        %swap3A_1009 = arith.constant 96 : index
        %swap3A_1010 = tpu.vector_load %arg7[%swap3A_1008, %swap3A_1009] {strides = array<i32>} : memref<2x128xi32, #tpu.memory_space<vmem>>, vector<1x16xi32>,
        %swap3A_1011 = vector.shape_cast %swap3A_1010 : vector<1x16xi32> to vector<16xi32>
        %swap3A_1012 = vector.shape_cast %and3A_1006 : vector<16xi32> to vector<1x16xi32>
        tpu.vector_store %arg7[%swap3A_1008, %swap3A_1009], %swap3A_1012 {strides = array<i32>} : memref<2x128xi32, #tpu.memory_space<vmem>>, vector<1x16xi32>,
        %get3A_1013 = arith.index_cast %add3A_858 : i32 to index
        %get3A_1014 = arith.constant 112 : index
        %get3A_1015 = tpu.vector_load %arg5[%get3A_1013, %get3A_1014] {strides = array<i32>} : memref<80x128xi32, #tpu.memory_space<vmem>>, vector<1x16xi32>,
        %get3A_1016 = vector.shape_cast %get3A_1015 : vector<1x16xi32> to vector<16xi32>
        %shift_right_logical3A_1017 = arith.constant 14 : i32
        %shift_right_logical3A_1018 = vector.broadcast %shift_right_logical3A_1017 : i32 to vector<16xi32>
        %shift_right_logical3A_1019 = arith.shrui %get3A_1016, %shift_right_logical3A_1018 : vector<16xi32>
        %swap3A_1020 = arith.constant 0 : i32
        %swap3A_1021 = arith.index_cast %swap3A_1020 : i32 to index
        %swap3A_1022 = arith.constant 112 : index
        %swap3A_1023 = tpu.vector_load %arg6[%swap3A_1021, %swap3A_1022] {strides = array<i32>} : memref<2x128xi32, #tpu.memory_space<vmem>>, vector<1x16xi32>,
        %swap3A_1024 = vector.shape_cast %swap3A_1023 : vector<1x16xi32> to vector<16xi32>
        %swap3A_1025 = vector.shape_cast %shift_right_logical3A_1019 : vector<16xi32> to vector<1x16xi32>
        tpu.vector_store %arg6[%swap3A_1021, %swap3A_1022], %swap3A_1025 {strides = array<i32>} : memref<2x128xi32, #tpu.memory_space<vmem>>, vector<1x16xi32>,
        %and3A_1026 = arith.constant 16383 : i32
        %and3A_1027 = vector.broadcast %and3A_1026 : i32 to vector<16xi32>
        %and3A_1028 = arith.andi %get3A_1016, %and3A_1027 : vector<16xi32>
        %swap3A_1029 = arith.constant 0 : i32
        %swap3A_1030 = arith.index_cast %swap3A_1029 : i32 to index
        %swap3A_1031 = arith.constant 112 : index
        %swap3A_1032 = tpu.vector_load %arg7[%swap3A_1030, %swap3A_1031] {strides = array<i32>} : memref<2x128xi32, #tpu.memory_space<vmem>>, vector<1x16xi32>,
        %swap3A_1033 = vector.shape_cast %swap3A_1032 : vector<1x16xi32> to vector<16xi32>
        %swap3A_1034 = vector.shape_cast %and3A_1028 : vector<16xi32> to vector<1x16xi32>
        tpu.vector_store %arg7[%swap3A_1030, %swap3A_1031], %swap3A_1034 {strides = array<i32>} : memref<2x128xi32, #tpu.memory_space<vmem>>, vector<1x16xi32>,
        %dma_start3A_1035 = arith.constant 0 : i32
        %dma_start3A_1036 = arith.constant 0 : i32
        %dma_start3A_1037 = arith.constant 0 : i32
        %dma_start3A_1038 = arith.constant 0 : i32
        %dma_start3A_1039 = tpu.memref_slice %arg8[%dma_start3A_1036, %dma_start3A_1037, %dma_start3A_1038] : memref<2x128x64xf32, #tpu.memory_space<vmem>> -> memref<1x128x64xf32, #tpu.memory_space<vmem>>
        %dma_start3A_1040 = tpu.memref_squeeze %dma_start3A_1039 : memref<1x128x64xf32, #tpu.memory_space<vmem>> -> memref<128x64xf32, #tpu.memory_space<vmem>>
        %dma_start3A_1041 = arith.constant 0 : i32
        %dma_start3A_1042 = tpu.memref_slice %arg6[%dma_start3A_1035, %dma_start3A_1041] : memref<2x128xi32, #tpu.memory_space<vmem>> -> memref<1x128xi32, #tpu.memory_space<vmem>>
        %dma_start3A_1043 = tpu.memref_squeeze %dma_start3A_1042 : memref<1x128xi32, #tpu.memory_space<vmem>> -> memref<128xi32, #tpu.memory_space<vmem>>
        %dma_start3A_1044 = arith.constant 0 : i32
        %dma_start3A_1045 = arith.constant 0 : i32
        %dma_start3A_1046 = tpu.memref_slice %arg9[%dma_start3A_1044, %dma_start3A_1045] : memref<10112x64xf32, #tpu.memory_space<vmem_shared>> -> memref<10112x64xf32, #tpu.memory_space<vmem_shared>>
        tpu.enqueue_indirect_dma source(%dma_start3A_1046 : memref<10112x64xf32, #tpu.memory_space<vmem_shared>>) target(%dma_start3A_1040 : memref<128x64xf32, #tpu.memory_space<vmem>>) offsets(%dma_start3A_1043 : memref<128xi32, #tpu.memory_space<vmem>>) semaphore(%arg11 : memref<!tpu.dma_semaphore, #tpu.memory_space<semaphore_mem>>)
      } else {
      }
      %add3A_834 = arith.constant 1 : i32
      %add3A_835 = arith.addi %add3A_812, %add3A_834 : i32
      %dma_wait3A_836 = arith.constant 1 : i32
      %dma_wait3A_837 = arith.constant 1 : i32
      %dma_wait3A_838 = arith.constant 0 : i32
      %dma_wait3A_839 = arith.constant 0 : i32
      %dma_wait3A_840 = tpu.memref_slice %arg8[%dma_wait3A_837, %dma_wait3A_838, %dma_wait3A_839] : memref<2x128x64xf32, #tpu.memory_space<vmem>> -> memref<1x128x64xf32, #tpu.memory_space<vmem>>
      %dma_wait3A_841 = tpu.memref_squeeze %dma_wait3A_840 : memref<1x128x64xf32, #tpu.memory_space<vmem>> -> memref<128x64xf32, #tpu.memory_space<vmem>>
      %dma_wait3A_842 = arith.constant 0 : i32
      %dma_wait3A_843 = tpu.memref_slice %arg6[%dma_wait3A_836, %dma_wait3A_842] : memref<2x128xi32, #tpu.memory_space<vmem>> -> memref<1x128xi32, #tpu.memory_space<vmem>>
      %dma_wait3A_844 = tpu.memref_squeeze %dma_wait3A_843 : memref<1x128xi32, #tpu.memory_space<vmem>> -> memref<128xi32, #tpu.memory_space<vmem>>
      %dma_wait3A_845 = arith.constant 0 : i32
      %dma_wait3A_846 = arith.constant 0 : i32
      %dma_wait3A_847 = tpu.memref_slice %arg9[%dma_wait3A_845, %dma_wait3A_846] : memref<10112x64xf32, #tpu.memory_space<vmem_shared>> -> memref<10112x64xf32, #tpu.memory_space<vmem_shared>>
      tpu.wait_indirect_dma semaphore(%arg12 : memref<!tpu.dma_semaphore, #tpu.memory_space<semaphore_mem>>) src(%dma_wait3A_847 : memref<10112x64xf32, #tpu.memory_space<vmem_shared>>) dst(%dma_wait3A_841 : memref<128x64xf32, #tpu.memory_space<vmem>>)
      %run_scoped3A_848 = arith.constant 1 : i32
      %run_scoped3A_849 = arith.constant 1 : i32
      "tpu.region"() ({
        %run_scoped3A_857 = tpu.sem_alloc : memref<!tpu.dma_semaphore, #tpu.memory_space<semaphore_mem>>
        %dma_start3A_858 = arith.constant 0 : i32
        %dma_start3A_859 = arith.constant 0 : i32
        %dma_start3A_860 = tpu.memref_slice %arg8[%run_scoped3A_848, %dma_start3A_858, %dma_start3A_859] : memref<2x128x64xf32, #tpu.memory_space<vmem>> -> memref<1x128x64xf32, #tpu.memory_space<vmem>>
        %dma_start3A_861 = tpu.memref_squeeze %dma_start3A_860 : memref<1x128x64xf32, #tpu.memory_space<vmem>> -> memref<128x64xf32, #tpu.memory_space<vmem>>
        %dma_start3A_862 = arith.constant 0 : i32
        %dma_start3A_863 = tpu.memref_slice %arg7[%run_scoped3A_849, %dma_start3A_862] : memref<2x128xi32, #tpu.memory_space<vmem>> -> memref<1x128xi32, #tpu.memory_space<vmem>>
        %dma_start3A_864 = tpu.memref_squeeze %dma_start3A_863 : memref<1x128xi32, #tpu.memory_space<vmem>> -> memref<128xi32, #tpu.memory_space<vmem>>
        %dma_start3A_865 = arith.constant 0 : i32
        %dma_start3A_866 = arith.constant 0 : i32
        %dma_start3A_867 = tpu.memref_slice %arg10[%dma_start3A_865, %dma_start3A_866] : memref<10112x64xf32, #tpu.memory_space<vmem_shared>> -> memref<10112x64xf32, #tpu.memory_space<vmem_shared>>
        tpu.enqueue_indirect_dma source(%dma_start3A_861 : memref<128x64xf32, #tpu.memory_space<vmem>>) target(%dma_start3A_867 : memref<10112x64xf32, #tpu.memory_space<vmem_shared>>) offsets(%dma_start3A_864 : memref<128xi32, #tpu.memory_space<vmem>>) semaphore(%run_scoped3A_857 : memref<!tpu.dma_semaphore, #tpu.memory_space<semaphore_mem>>) {add = true}
        %dma_wait3A_868 = arith.constant 0 : i32
        %dma_wait3A_869 = arith.constant 0 : i32
        %dma_wait3A_870 = tpu.memref_slice %arg8[%run_scoped3A_848, %dma_wait3A_868, %dma_wait3A_869] : memref<2x128x64xf32, #tpu.memory_space<vmem>> -> memref<1x128x64xf32, #tpu.memory_space<vmem>>
        %dma_wait3A_871 = tpu.memref_squeeze %dma_wait3A_870 : memref<1x128x64xf32, #tpu.memory_space<vmem>> -> memref<128x64xf32, #tpu.memory_space<vmem>>
        %dma_wait3A_872 = arith.constant 0 : i32
        %dma_wait3A_873 = tpu.memref_slice %arg7[%run_scoped3A_849, %dma_wait3A_872] : memref<2x128xi32, #tpu.memory_space<vmem>> -> memref<1x128xi32, #tpu.memory_space<vmem>>
        %dma_wait3A_874 = tpu.memref_squeeze %dma_wait3A_873 : memref<1x128xi32, #tpu.memory_space<vmem>> -> memref<128xi32, #tpu.memory_space<vmem>>
        %dma_wait3A_875 = arith.constant 0 : i32
        %dma_wait3A_876 = arith.constant 0 : i32
        %dma_wait3A_877 = tpu.memref_slice %arg10[%dma_wait3A_875, %dma_wait3A_876] : memref<10112x64xf32, #tpu.memory_space<vmem_shared>> -> memref<10112x64xf32, #tpu.memory_space<vmem_shared>>
        tpu.wait_indirect_dma semaphore(%run_scoped3A_857 : memref<!tpu.dma_semaphore, #tpu.memory_space<semaphore_mem>>) src(%dma_wait3A_871 : memref<128x64xf32, #tpu.memory_space<vmem>>) dst(%dma_wait3A_877 : memref<10112x64xf32, #tpu.memory_space<vmem_shared>>)
        tpu.yield
      }) : () -> ()
      %add3A_850 = arith.constant 2 : i32
      %add3A_851 = arith.addi %add3A_835, %add3A_850 : i32
      %lt3A_852 = arith.constant 80 : i32
      %lt3A_853 = arith.cmpi slt, %add3A_851, %lt3A_852 : i32
      %convert_element_type3A_854 = arith.extui %lt3A_853 : i1 to i32
      %cond3A_855 = arith.constant 0 : i32
      %cond3A_856 = arith.cmpi ne, %convert_element_type3A_854, %cond3A_855 : i32
      scf.if %cond3A_856 {
        %add3A_857 = arith.constant 2 : i32
        %add3A_858 = arith.addi %add3A_835, %add3A_857 : i32
        %get3A_859 = arith.index_cast %add3A_858 : i32 to index
        %get3A_860 = arith.constant 0 : index
        %get3A_861 = tpu.vector_load %arg5[%get3A_859, %get3A_860] {strides = array<i32>} : memref<80x128xi32, #tpu.memory_space<vmem>>, vector<1x16xi32>,
        %get3A_862 = vector.shape_cast %get3A_861 : vector<1x16xi32> to vector<16xi32>
        %shift_right_logical3A_863 = arith.constant 14 : i32
        %shift_right_logical3A_864 = vector.broadcast %shift_right_logical3A_863 : i32 to vector<16xi32>
        %shift_right_logical3A_865 = arith.shrui %get3A_862, %shift_right_logical3A_864 : vector<16xi32>
        %swap3A_866 = arith.constant 1 : i32
        %swap3A_867 = arith.index_cast %swap3A_866 : i32 to index
        %swap3A_868 = arith.constant 0 : index
        %swap3A_869 = tpu.vector_load %arg6[%swap3A_867, %swap3A_868] {strides = array<i32>} : memref<2x128xi32, #tpu.memory_space<vmem>>, vector<1x16xi32>,
        %swap3A_870 = vector.shape_cast %swap3A_869 : vector<1x16xi32> to vector<16xi32>
        %swap3A_871 = vector.shape_cast %shift_right_logical3A_865 : vector<16xi32> to vector<1x16xi32>
        tpu.vector_store %arg6[%swap3A_867, %swap3A_868], %swap3A_871 {strides = array<i32>} : memref<2x128xi32, #tpu.memory_space<vmem>>, vector<1x16xi32>,
        %and3A_872 = arith.constant 16383 : i32
        %and3A_873 = vector.broadcast %and3A_872 : i32 to vector<16xi32>
        %and3A_874 = arith.andi %get3A_862, %and3A_873 : vector<16xi32>
        %swap3A_875 = arith.constant 1 : i32
        %swap3A_876 = arith.index_cast %swap3A_875 : i32 to index
        %swap3A_877 = arith.constant 0 : index
        %swap3A_878 = tpu.vector_load %arg7[%swap3A_876, %swap3A_877] {strides = array<i32>} : memref<2x128xi32, #tpu.memory_space<vmem>>, vector<1x16xi32>,
        %swap3A_879 = vector.shape_cast %swap3A_878 : vector<1x16xi32> to vector<16xi32>
        %swap3A_880 = vector.shape_cast %and3A_874 : vector<16xi32> to vector<1x16xi32>
        tpu.vector_store %arg7[%swap3A_876, %swap3A_877], %swap3A_880 {strides = array<i32>} : memref<2x128xi32, #tpu.memory_space<vmem>>, vector<1x16xi32>,
        %get3A_881 = arith.index_cast %add3A_858 : i32 to index
        %get3A_882 = arith.constant 16 : index
        %get3A_883 = tpu.vector_load %arg5[%get3A_881, %get3A_882] {strides = array<i32>} : memref<80x128xi32, #tpu.memory_space<vmem>>, vector<1x16xi32>,
        %get3A_884 = vector.shape_cast %get3A_883 : vector<1x16xi32> to vector<16xi32>
        %shift_right_logical3A_885 = arith.constant 14 : i32
        %shift_right_logical3A_886 = vector.broadcast %shift_right_logical3A_885 : i32 to vector<16xi32>
        %shift_right_logical3A_887 = arith.shrui %get3A_884, %shift_right_logical3A_886 : vector<16xi32>
        %swap3A_888 = arith.constant 1 : i32
        %swap3A_889 = arith.index_cast %swap3A_888 : i32 to index
        %swap3A_890 = arith.constant 16 : index
        %swap3A_891 = tpu.vector_load %arg6[%swap3A_889, %swap3A_890] {strides = array<i32>} : memref<2x128xi32, #tpu.memory_space<vmem>>, vector<1x16xi32>,
        %swap3A_892 = vector.shape_cast %swap3A_891 : vector<1x16xi32> to vector<16xi32>
        %swap3A_893 = vector.shape_cast %shift_right_logical3A_887 : vector<16xi32> to vector<1x16xi32>
        tpu.vector_store %arg6[%swap3A_889, %swap3A_890], %swap3A_893 {strides = array<i32>} : memref<2x128xi32, #tpu.memory_space<vmem>>, vector<1x16xi32>,
        %and3A_894 = arith.constant 16383 : i32
        %and3A_895 = vector.broadcast %and3A_894 : i32 to vector<16xi32>
        %and3A_896 = arith.andi %get3A_884, %and3A_895 : vector<16xi32>
        %swap3A_897 = arith.constant 1 : i32
        %swap3A_898 = arith.index_cast %swap3A_897 : i32 to index
        %swap3A_899 = arith.constant 16 : index
        %swap3A_900 = tpu.vector_load %arg7[%swap3A_898, %swap3A_899] {strides = array<i32>} : memref<2x128xi32, #tpu.memory_space<vmem>>, vector<1x16xi32>,
        %swap3A_901 = vector.shape_cast %swap3A_900 : vector<1x16xi32> to vector<16xi32>
        %swap3A_902 = vector.shape_cast %and3A_896 : vector<16xi32> to vector<1x16xi32>
        tpu.vector_store %arg7[%swap3A_898, %swap3A_899], %swap3A_902 {strides = array<i32>} : memref<2x128xi32, #tpu.memory_space<vmem>>, vector<1x16xi32>,
        %get3A_903 = arith.index_cast %add3A_858 : i32 to index
        %get3A_904 = arith.constant 32 : index
        %get3A_905 = tpu.vector_load %arg5[%get3A_903, %get3A_904] {strides = array<i32>} : memref<80x128xi32, #tpu.memory_space<vmem>>, vector<1x16xi32>,
        %get3A_906 = vector.shape_cast %get3A_905 : vector<1x16xi32> to vector<16xi32>
        %shift_right_logical3A_907 = arith.constant 14 : i32
        %shift_right_logical3A_908 = vector.broadcast %shift_right_logical3A_907 : i32 to vector<16xi32>
        %shift_right_logical3A_909 = arith.shrui %get3A_906, %shift_right_logical3A_908 : vector<16xi32>
        %swap3A_910 = arith.constant 1 : i32
        %swap3A_911 = arith.index_cast %swap3A_910 : i32 to index
        %swap3A_912 = arith.constant 32 : index
        %swap3A_913 = tpu.vector_load %arg6[%swap3A_911, %swap3A_912] {strides = array<i32>} : memref<2x128xi32, #tpu.memory_space<vmem>>, vector<1x16xi32>,
        %swap3A_914 = vector.shape_cast %swap3A_913 : vector<1x16xi32> to vector<16xi32>
        %swap3A_915 = vector.shape_cast %shift_right_logical3A_909 : vector<16xi32> to vector<1x16xi32>
        tpu.vector_store %arg6[%swap3A_911, %swap3A_912], %swap3A_915 {strides = array<i32>} : memref<2x128xi32, #tpu.memory_space<vmem>>, vector<1x16xi32>,
        %and3A_916 = arith.constant 16383 : i32
        %and3A_917 = vector.broadcast %and3A_916 : i32 to vector<16xi32>
        %and3A_918 = arith.andi %get3A_906, %and3A_917 : vector<16xi32>
        %swap3A_919 = arith.constant 1 : i32
        %swap3A_920 = arith.index_cast %swap3A_919 : i32 to index
        %swap3A_921 = arith.constant 32 : index
        %swap3A_922 = tpu.vector_load %arg7[%swap3A_920, %swap3A_921] {strides = array<i32>} : memref<2x128xi32, #tpu.memory_space<vmem>>, vector<1x16xi32>,
        %swap3A_923 = vector.shape_cast %swap3A_922 : vector<1x16xi32> to vector<16xi32>
        %swap3A_924 = vector.shape_cast %and3A_918 : vector<16xi32> to vector<1x16xi32>
        tpu.vector_store %arg7[%swap3A_920, %swap3A_921], %swap3A_924 {strides = array<i32>} : memref<2x128xi32, #tpu.memory_space<vmem>>, vector<1x16xi32>,
        %get3A_925 = arith.index_cast %add3A_858 : i32 to index
        %get3A_926 = arith.constant 48 : index
        %get3A_927 = tpu.vector_load %arg5[%get3A_925, %get3A_926] {strides = array<i32>} : memref<80x128xi32, #tpu.memory_space<vmem>>, vector<1x16xi32>,
        %get3A_928 = vector.shape_cast %get3A_927 : vector<1x16xi32> to vector<16xi32>
        %shift_right_logical3A_929 = arith.constant 14 : i32
        %shift_right_logical3A_930 = vector.broadcast %shift_right_logical3A_929 : i32 to vector<16xi32>
        %shift_right_logical3A_931 = arith.shrui %get3A_928, %shift_right_logical3A_930 : vector<16xi32>
        %swap3A_932 = arith.constant 1 : i32
        %swap3A_933 = arith.index_cast %swap3A_932 : i32 to index
        %swap3A_934 = arith.constant 48 : index
        %swap3A_935 = tpu.vector_load %arg6[%swap3A_933, %swap3A_934] {strides = array<i32>} : memref<2x128xi32, #tpu.memory_space<vmem>>, vector<1x16xi32>,
        %swap3A_936 = vector.shape_cast %swap3A_935 : vector<1x16xi32> to vector<16xi32>
        %swap3A_937 = vector.shape_cast %shift_right_logical3A_931 : vector<16xi32> to vector<1x16xi32>
        tpu.vector_store %arg6[%swap3A_933, %swap3A_934], %swap3A_937 {strides = array<i32>} : memref<2x128xi32, #tpu.memory_space<vmem>>, vector<1x16xi32>,
        %and3A_938 = arith.constant 16383 : i32
        %and3A_939 = vector.broadcast %and3A_938 : i32 to vector<16xi32>
        %and3A_940 = arith.andi %get3A_928, %and3A_939 : vector<16xi32>
        %swap3A_941 = arith.constant 1 : i32
        %swap3A_942 = arith.index_cast %swap3A_941 : i32 to index
        %swap3A_943 = arith.constant 48 : index
        %swap3A_944 = tpu.vector_load %arg7[%swap3A_942, %swap3A_943] {strides = array<i32>} : memref<2x128xi32, #tpu.memory_space<vmem>>, vector<1x16xi32>,
        %swap3A_945 = vector.shape_cast %swap3A_944 : vector<1x16xi32> to vector<16xi32>
        %swap3A_946 = vector.shape_cast %and3A_940 : vector<16xi32> to vector<1x16xi32>
        tpu.vector_store %arg7[%swap3A_942, %swap3A_943], %swap3A_946 {strides = array<i32>} : memref<2x128xi32, #tpu.memory_space<vmem>>, vector<1x16xi32>,
        %get3A_947 = arith.index_cast %add3A_858 : i32 to index
        %get3A_948 = arith.constant 64 : index
        %get3A_949 = tpu.vector_load %arg5[%get3A_947, %get3A_948] {strides = array<i32>} : memref<80x128xi32, #tpu.memory_space<vmem>>, vector<1x16xi32>,
        %get3A_950 = vector.shape_cast %get3A_949 : vector<1x16xi32> to vector<16xi32>
        %shift_right_logical3A_951 = arith.constant 14 : i32
        %shift_right_logical3A_952 = vector.broadcast %shift_right_logical3A_951 : i32 to vector<16xi32>
        %shift_right_logical3A_953 = arith.shrui %get3A_950, %shift_right_logical3A_952 : vector<16xi32>
        %swap3A_954 = arith.constant 1 : i32
        %swap3A_955 = arith.index_cast %swap3A_954 : i32 to index
        %swap3A_956 = arith.constant 64 : index
        %swap3A_957 = tpu.vector_load %arg6[%swap3A_955, %swap3A_956] {strides = array<i32>} : memref<2x128xi32, #tpu.memory_space<vmem>>, vector<1x16xi32>,
        %swap3A_958 = vector.shape_cast %swap3A_957 : vector<1x16xi32> to vector<16xi32>
        %swap3A_959 = vector.shape_cast %shift_right_logical3A_953 : vector<16xi32> to vector<1x16xi32>
        tpu.vector_store %arg6[%swap3A_955, %swap3A_956], %swap3A_959 {strides = array<i32>} : memref<2x128xi32, #tpu.memory_space<vmem>>, vector<1x16xi32>,
        %and3A_960 = arith.constant 16383 : i32
        %and3A_961 = vector.broadcast %and3A_960 : i32 to vector<16xi32>
        %and3A_962 = arith.andi %get3A_950, %and3A_961 : vector<16xi32>
        %swap3A_963 = arith.constant 1 : i32
        %swap3A_964 = arith.index_cast %swap3A_963 : i32 to index
        %swap3A_965 = arith.constant 64 : index
        %swap3A_966 = tpu.vector_load %arg7[%swap3A_964, %swap3A_965] {strides = array<i32>} : memref<2x128xi32, #tpu.memory_space<vmem>>, vector<1x16xi32>,
        %swap3A_967 = vector.shape_cast %swap3A_966 : vector<1x16xi32> to vector<16xi32>
        %swap3A_968 = vector.shape_cast %and3A_962 : vector<16xi32> to vector<1x16xi32>
        tpu.vector_store %arg7[%swap3A_964, %swap3A_965], %swap3A_968 {strides = array<i32>} : memref<2x128xi32, #tpu.memory_space<vmem>>, vector<1x16xi32>,
        %get3A_969 = arith.index_cast %add3A_858 : i32 to index
        %get3A_970 = arith.constant 80 : index
        %get3A_971 = tpu.vector_load %arg5[%get3A_969, %get3A_970] {strides = array<i32>} : memref<80x128xi32, #tpu.memory_space<vmem>>, vector<1x16xi32>,
        %get3A_972 = vector.shape_cast %get3A_971 : vector<1x16xi32> to vector<16xi32>
        %shift_right_logical3A_973 = arith.constant 14 : i32
        %shift_right_logical3A_974 = vector.broadcast %shift_right_logical3A_973 : i32 to vector<16xi32>
        %shift_right_logical3A_975 = arith.shrui %get3A_972, %shift_right_logical3A_974 : vector<16xi32>
        %swap3A_976 = arith.constant 1 : i32
        %swap3A_977 = arith.index_cast %swap3A_976 : i32 to index
        %swap3A_978 = arith.constant 80 : index
        %swap3A_979 = tpu.vector_load %arg6[%swap3A_977, %swap3A_978] {strides = array<i32>} : memref<2x128xi32, #tpu.memory_space<vmem>>, vector<1x16xi32>,
        %swap3A_980 = vector.shape_cast %swap3A_979 : vector<1x16xi32> to vector<16xi32>
        %swap3A_981 = vector.shape_cast %shift_right_logical3A_975 : vector<16xi32> to vector<1x16xi32>
        tpu.vector_store %arg6[%swap3A_977, %swap3A_978], %swap3A_981 {strides = array<i32>} : memref<2x128xi32, #tpu.memory_space<vmem>>, vector<1x16xi32>,
        %and3A_982 = arith.constant 16383 : i32
        %and3A_983 = vector.broadcast %and3A_982 : i32 to vector<16xi32>
        %and3A_984 = arith.andi %get3A_972, %and3A_983 : vector<16xi32>
        %swap3A_985 = arith.constant 1 : i32
        %swap3A_986 = arith.index_cast %swap3A_985 : i32 to index
        %swap3A_987 = arith.constant 80 : index
        %swap3A_988 = tpu.vector_load %arg7[%swap3A_986, %swap3A_987] {strides = array<i32>} : memref<2x128xi32, #tpu.memory_space<vmem>>, vector<1x16xi32>,
        %swap3A_989 = vector.shape_cast %swap3A_988 : vector<1x16xi32> to vector<16xi32>
        %swap3A_990 = vector.shape_cast %and3A_984 : vector<16xi32> to vector<1x16xi32>
        tpu.vector_store %arg7[%swap3A_986, %swap3A_987], %swap3A_990 {strides = array<i32>} : memref<2x128xi32, #tpu.memory_space<vmem>>, vector<1x16xi32>,
        %get3A_991 = arith.index_cast %add3A_858 : i32 to index
        %get3A_992 = arith.constant 96 : index
        %get3A_993 = tpu.vector_load %arg5[%get3A_991, %get3A_992] {strides = array<i32>} : memref<80x128xi32, #tpu.memory_space<vmem>>, vector<1x16xi32>,
        %get3A_994 = vector.shape_cast %get3A_993 : vector<1x16xi32> to vector<16xi32>
        %shift_right_logical3A_995 = arith.constant 14 : i32
        %shift_right_logical3A_996 = vector.broadcast %shift_right_logical3A_995 : i32 to vector<16xi32>
        %shift_right_logical3A_997 = arith.shrui %get3A_994, %shift_right_logical3A_996 : vector<16xi32>
        %swap3A_998 = arith.constant 1 : i32
        %swap3A_999 = arith.index_cast %swap3A_998 : i32 to index
        %swap3A_1000 = arith.constant 96 : index
        %swap3A_1001 = tpu.vector_load %arg6[%swap3A_999, %swap3A_1000] {strides = array<i32>} : memref<2x128xi32, #tpu.memory_space<vmem>>, vector<1x16xi32>,
        %swap3A_1002 = vector.shape_cast %swap3A_1001 : vector<1x16xi32> to vector<16xi32>
        %swap3A_1003 = vector.shape_cast %shift_right_logical3A_997 : vector<16xi32> to vector<1x16xi32>
        tpu.vector_store %arg6[%swap3A_999, %swap3A_1000], %swap3A_1003 {strides = array<i32>} : memref<2x128xi32, #tpu.memory_space<vmem>>, vector<1x16xi32>,
        %and3A_1004 = arith.constant 16383 : i32
        %and3A_1005 = vector.broadcast %and3A_1004 : i32 to vector<16xi32>
        %and3A_1006 = arith.andi %get3A_994, %and3A_1005 : vector<16xi32>
        %swap3A_1007 = arith.constant 1 : i32
        %swap3A_1008 = arith.index_cast %swap3A_1007 : i32 to index
        %swap3A_1009 = arith.constant 96 : index
        %swap3A_1010 = tpu.vector_load %arg7[%swap3A_1008, %swap3A_1009] {strides = array<i32>} : memref<2x128xi32, #tpu.memory_space<vmem>>, vector<1x16xi32>,
        %swap3A_1011 = vector.shape_cast %swap3A_1010 : vector<1x16xi32> to vector<16xi32>
        %swap3A_1012 = vector.shape_cast %and3A_1006 : vector<16xi32> to vector<1x16xi32>
        tpu.vector_store %arg7[%swap3A_1008, %swap3A_1009], %swap3A_1012 {strides = array<i32>} : memref<2x128xi32, #tpu.memory_space<vmem>>, vector<1x16xi32>,
        %get3A_1013 = arith.index_cast %add3A_858 : i32 to index
        %get3A_1014 = arith.constant 112 : index
        %get3A_1015 = tpu.vector_load %arg5[%get3A_1013, %get3A_1014] {strides = array<i32>} : memref<80x128xi32, #tpu.memory_space<vmem>>, vector<1x16xi32>,
        %get3A_1016 = vector.shape_cast %get3A_1015 : vector<1x16xi32> to vector<16xi32>
        %shift_right_logical3A_1017 = arith.constant 14 : i32
        %shift_right_logical3A_1018 = vector.broadcast %shift_right_logical3A_1017 : i32 to vector<16xi32>
        %shift_right_logical3A_1019 = arith.shrui %get3A_1016, %shift_right_logical3A_1018 : vector<16xi32>
        %swap3A_1020 = arith.constant 1 : i32
        %swap3A_1021 = arith.index_cast %swap3A_1020 : i32 to index
        %swap3A_1022 = arith.constant 112 : index
        %swap3A_1023 = tpu.vector_load %arg6[%swap3A_1021, %swap3A_1022] {strides = array<i32>} : memref<2x128xi32, #tpu.memory_space<vmem>>, vector<1x16xi32>,
        %swap3A_1024 = vector.shape_cast %swap3A_1023 : vector<1x16xi32> to vector<16xi32>
        %swap3A_1025 = vector.shape_cast %shift_right_logical3A_1019 : vector<16xi32> to vector<1x16xi32>
        tpu.vector_store %arg6[%swap3A_1021, %swap3A_1022], %swap3A_1025 {strides = array<i32>} : memref<2x128xi32, #tpu.memory_space<vmem>>, vector<1x16xi32>,
        %and3A_1026 = arith.constant 16383 : i32
        %and3A_1027 = vector.broadcast %and3A_1026 : i32 to vector<16xi32>
        %and3A_1028 = arith.andi %get3A_1016, %and3A_1027 : vector<16xi32>
        %swap3A_1029 = arith.constant 1 : i32
        %swap3A_1030 = arith.index_cast %swap3A_1029 : i32 to index
        %swap3A_1031 = arith.constant 112 : index
        %swap3A_1032 = tpu.vector_load %arg7[%swap3A_1030, %swap3A_1031] {strides = array<i32>} : memref<2x128xi32, #tpu.memory_space<vmem>>, vector<1x16xi32>,
        %swap3A_1033 = vector.shape_cast %swap3A_1032 : vector<1x16xi32> to vector<16xi32>
        %swap3A_1034 = vector.shape_cast %and3A_1028 : vector<16xi32> to vector<1x16xi32>
        tpu.vector_store %arg7[%swap3A_1030, %swap3A_1031], %swap3A_1034 {strides = array<i32>} : memref<2x128xi32, #tpu.memory_space<vmem>>, vector<1x16xi32>,
        %dma_start3A_1035 = arith.constant 1 : i32
        %dma_start3A_1036 = arith.constant 1 : i32
        %dma_start3A_1037 = arith.constant 0 : i32
        %dma_start3A_1038 = arith.constant 0 : i32
        %dma_start3A_1039 = tpu.memref_slice %arg8[%dma_start3A_1036, %dma_start3A_1037, %dma_start3A_1038] : memref<2x128x64xf32, #tpu.memory_space<vmem>> -> memref<1x128x64xf32, #tpu.memory_space<vmem>>
        %dma_start3A_1040 = tpu.memref_squeeze %dma_start3A_1039 : memref<1x128x64xf32, #tpu.memory_space<vmem>> -> memref<128x64xf32, #tpu.memory_space<vmem>>
        %dma_start3A_1041 = arith.constant 0 : i32
        %dma_start3A_1042 = tpu.memref_slice %arg6[%dma_start3A_1035, %dma_start3A_1041] : memref<2x128xi32, #tpu.memory_space<vmem>> -> memref<1x128xi32, #tpu.memory_space<vmem>>
        %dma_start3A_1043 = tpu.memref_squeeze %dma_start3A_1042 : memref<1x128xi32, #tpu.memory_space<vmem>> -> memref<128xi32, #tpu.memory_space<vmem>>
        %dma_start3A_1044 = arith.constant 0 : i32
        %dma_start3A_1045 = arith.constant 0 : i32
        %dma_start3A_1046 = tpu.memref_slice %arg9[%dma_start3A_1044, %dma_start3A_1045] : memref<10112x64xf32, #tpu.memory_space<vmem_shared>> -> memref<10112x64xf32, #tpu.memory_space<vmem_shared>>
        tpu.enqueue_indirect_dma source(%dma_start3A_1046 : memref<10112x64xf32, #tpu.memory_space<vmem_shared>>) target(%dma_start3A_1040 : memref<128x64xf32, #tpu.memory_space<vmem>>) offsets(%dma_start3A_1043 : memref<128xi32, #tpu.memory_space<vmem>>) semaphore(%arg12 : memref<!tpu.dma_semaphore, #tpu.memory_space<semaphore_mem>>)
      } else {
      }
    }
    %scan3A_797 = arith.constant 40 : i32
    %barrier3A_798 = arith.constant 0 : index
    tpu.barrier barrier_id(%barrier3A_798)
    %lt3A_799 = arith.constant 15 : i32
    %lt3A_800 = arith.cmpi slt, %arg1, %lt3A_799 : i32
    %convert_element_type3A_801 = arith.extui %lt3A_800 : i1 to i32
    %cond3A_802 = arith.constant 0 : i32
    %cond3A_803 = arith.cmpi ne, %convert_element_type3A_801, %cond3A_802 : i32
    scf.if %cond3A_803 {
      "tpu.region"() ({
        %run_scoped3A = tpu.sem_alloc : memref<!tpu.dma_semaphore, #tpu.memory_space<semaphore_mem>>
        %dma_start3A_809 = tpu.memref_slice %arg4[%multiple_of3A, %multiple_of3A_3] : memref<10000x128xf32, #tpu.memory_space<hbm>> -> memref<632x64xf32, #tpu.memory_space<hbm>>
        %dma_start3A_810 = arith.constant 0 : i32
        %dma_start3A_811 = tpu.memref_slice %arg10[%multiple_of3A, %dma_start3A_810] : memref<10112x64xf32, #tpu.memory_space<vmem_shared>> -> memref<632x64xf32, #tpu.memory_space<vmem_shared>>
        tpu.enqueue_dma source(%dma_start3A_811 : memref<632x64xf32, #tpu.memory_space<vmem_shared>>) target(%dma_start3A_809 : memref<632x64xf32, #tpu.memory_space<hbm>>) target_semaphore(%run_scoped3A : memref<!tpu.dma_semaphore, #tpu.memory_space<semaphore_mem>>)
        %dma_wait3A = tpu.memref_slice %arg4[%multiple_of3A, %multiple_of3A_3] : memref<10000x128xf32, #tpu.memory_space<hbm>> -> memref<632x64xf32, #tpu.memory_space<hbm>>
        %dma_wait3A_812 = arith.constant 0 : i32
        %dma_wait3A_813 = tpu.memref_slice %arg10[%multiple_of3A, %dma_wait3A_812] : memref<10112x64xf32, #tpu.memory_space<vmem_shared>> -> memref<632x64xf32, #tpu.memory_space<vmem_shared>>
        tpu.wait_dma2 semaphore(%run_scoped3A : memref<!tpu.dma_semaphore, #tpu.memory_space<semaphore_mem>>) src(%dma_wait3A_813 : memref<632x64xf32, #tpu.memory_space<vmem_shared>>) dst(%dma_wait3A : memref<632x64xf32, #tpu.memory_space<hbm>>)
        tpu.yield
      }) : () -> ()
    } else {
    }
    %eq3A_804 = arith.constant 15 : i32
    %eq3A_805 = arith.cmpi eq, %arg1, %eq3A_804 : i32
    %convert_element_type3A_806 = arith.extui %eq3A_805 : i1 to i32
    %cond3A_807 = arith.constant 0 : i32
    %cond3A_808 = arith.cmpi ne, %convert_element_type3A_806, %cond3A_807 : i32
    scf.if %cond3A_808 {
      "tpu.region"() ({
        %run_scoped3A = tpu.sem_alloc : memref<!tpu.dma_semaphore, #tpu.memory_space<semaphore_mem>>
        %dma_start3A_809 = tpu.memref_slice %arg4[%multiple_of3A, %multiple_of3A_3] : memref<10000x128xf32, #tpu.memory_space<hbm>> -> memref<520x64xf32, #tpu.memory_space<hbm>>
        %dma_start3A_810 = arith.constant 0 : i32
        %dma_start3A_811 = tpu.memref_slice %arg10[%multiple_of3A, %dma_start3A_810] : memref<10112x64xf32, #tpu.memory_space<vmem_shared>> -> memref<520x64xf32, #tpu.memory_space<vmem_shared>>
        tpu.enqueue_dma source(%dma_start3A_811 : memref<520x64xf32, #tpu.memory_space<vmem_shared>>) target(%dma_start3A_809 : memref<520x64xf32, #tpu.memory_space<hbm>>) target_semaphore(%run_scoped3A : memref<!tpu.dma_semaphore, #tpu.memory_space<semaphore_mem>>)
        %dma_wait3A = tpu.memref_slice %arg4[%multiple_of3A, %multiple_of3A_3] : memref<10000x128xf32, #tpu.memory_space<hbm>> -> memref<520x64xf32, #tpu.memory_space<hbm>>
        %dma_wait3A_812 = arith.constant 0 : i32
        %dma_wait3A_813 = tpu.memref_slice %arg10[%multiple_of3A, %dma_wait3A_812] : memref<10112x64xf32, #tpu.memory_space<vmem_shared>> -> memref<520x64xf32, #tpu.memory_space<vmem_shared>>
        tpu.wait_dma2 semaphore(%run_scoped3A : memref<!tpu.dma_semaphore, #tpu.memory_space<semaphore_mem>>) src(%dma_wait3A_813 : memref<520x64xf32, #tpu.memory_space<vmem_shared>>) dst(%dma_wait3A : memref<520x64xf32, #tpu.memory_space<hbm>>)
        tpu.yield
      }) : () -> ()
    } else {
    }
    return
  }
}

module attributes {stable_mosaic.version = 14 : i64} {
  func.func @body(%arg0: memref<2x2560x128xi32, #tpu.memory_space<vmem>>, %arg1: memref<16x160x128xi32, #tpu.memory_space<vmem>>) attributes {dimension_semantics = [], scalar_prefetch = 0 : i64, scratch_operands = 0 : i64, tpu.core_type = #tpu.core_type<tc>} {
    %iota3A = tpu.iota {dimensions = array<i32: 0>} : vector<2560x128xi32>
    %get3A = arith.constant 0 : index
    %get3A_0 = arith.constant 0 : index
    %get3A_1 = arith.constant 0 : index
    %get3A_2 = vector.load %arg0[%get3A, %get3A_0, %get3A_1] : memref<2x2560x128xi32, #tpu.memory_space<vmem>>, vector<1x2560x128xi32>
    %get3A_3 = vector.shape_cast %get3A_2 : vector<1x2560x128xi32> to vector<2560x128xi32>
    %shift_left3A = arith.constant 14 : i32
    %shift_left3A_4 = vector.broadcast %shift_left3A : i32 to vector<2560x128xi32>
    %shift_left3A_5 = arith.shli %get3A_3, %shift_left3A_4 : vector<2560x128xi32>
    %get3A_6 = arith.constant 1 : index
    %get3A_7 = arith.constant 0 : index
    %get3A_8 = arith.constant 0 : index
    %get3A_9 = vector.load %arg0[%get3A_6, %get3A_7, %get3A_8] : memref<2x2560x128xi32, #tpu.memory_space<vmem>>, vector<1x2560x128xi32>
    %get3A_10 = vector.shape_cast %get3A_9 : vector<1x2560x128xi32> to vector<2560x128xi32>
    %or3A = arith.ori %shift_left3A_5, %get3A_10 : vector<2560x128xi32>
    %lt3A = arith.constant 2500 : i32
    %lt3A_11 = vector.broadcast %lt3A : i32 to vector<2560x128xi32>
    %lt3A_12 = arith.cmpi slt, %iota3A, %lt3A_11 : vector<2560x128xi32>
    %jit3A = arith.constant 10000 : i32
    %broadcast_in_dim3A = vector.broadcast %jit3A : i32 to vector<2560x128xi32>
    %select_n3A = arith.select %lt3A_12, %or3A, %broadcast_in_dim3A : vector<2560x128xi1>, vector<2560x128xi32>
    %reshape3A = vector.shape_cast %select_n3A : vector<2560x128xi32> to vector<16x160x128xi32>
    %swap3A = arith.constant 0 : index
    %swap3A_13 = arith.constant 0 : index
    %swap3A_14 = arith.constant 0 : index
    %swap3A_15 = vector.load %arg1[%swap3A, %swap3A_13, %swap3A_14] : memref<16x160x128xi32, #tpu.memory_space<vmem>>, vector<16x160x128xi32>
    tpu.vector_store %arg1[%swap3A, %swap3A_13, %swap3A_14], %reshape3A {strides = array<i32>} : memref<16x160x128xi32, #tpu.memory_space<vmem>>, vector<16x160x128xi32>,
    return
  }
}

module attributes {stable_mosaic.version = 14 : i64} {
  func.func @body(%arg0: memref<10000x128xf32, #tpu.memory_space<vmem>>, %arg1: memref<128x128xf32, #tpu.memory_space<vmem>>, %arg2: memref<1x128xf32, #tpu.memory_space<vmem>>, %arg3: memref<128x128xf32, #tpu.memory_space<vmem>>, %arg4: memref<1x128xf32, #tpu.memory_space<vmem>>, %arg5: memref<1x128xf32, #tpu.memory_space<vmem>>, %arg6: memref<1x128xf32, #tpu.memory_space<vmem>>, %arg7: memref<10000x128xf32, #tpu.memory_space<vmem>>) attributes {dimension_semantics = [], scalar_prefetch = 0 : i64, scratch_operands = 0 : i64, tpu.core_type = #tpu.core_type<tc>} {
    %get3A = arith.constant 0 : index
    %get3A_0 = arith.constant 0 : index
    %get3A_1 = vector.load %arg0[%get3A, %get3A_0] : memref<10000x128xf32, #tpu.memory_space<vmem>>, vector<10000x128xf32>
    %get3A_2 = arith.constant 0 : index
    %get3A_3 = arith.constant 0 : index
    %get3A_4 = vector.load %arg1[%get3A_2, %get3A_3] : memref<128x128xf32, #tpu.memory_space<vmem>>, vector<128x128xf32>
    %dot_general3A = arith.constant dense<0.000000e+00> : vector<10000x128xf32>
    %dot_general3A_5 = tpu.matmul %get3A_1, %get3A_4, %dot_general3A {dimension_numbers = #tpu.dot_dimension_numbers<[1], [0], [0], [1], [0, 0, 1, 1], [], []>, transpose_lhs_hint = false} : vector<10000x128xf32>, vector<128x128xf32>, vector<10000x128xf32> -> vector<10000x128xf32>
    %get3A_6 = arith.constant 0 : index
    %get3A_7 = arith.constant 0 : index
    %get3A_8 = vector.load %arg2[%get3A_6, %get3A_7] : memref<1x128xf32, #tpu.memory_space<vmem>>, vector<1x128xf32>
    %add3A = vector.broadcast %get3A_8 : vector<1x128xf32> to vector<10000x128xf32>
    %add3A_9 = arith.addf %dot_general3A_5, %add3A : vector<10000x128xf32>
    %max3A = arith.constant 0.000000e+00 : f32
    %max3A_10 = vector.broadcast %max3A : f32 to vector<10000x128xf32>
    %max3A_11 = arith.maximumf %add3A_9, %max3A_10 : vector<10000x128xf32>
    %get3A_12 = arith.constant 0 : index
    %get3A_13 = arith.constant 0 : index
    %get3A_14 = vector.load %arg3[%get3A_12, %get3A_13] : memref<128x128xf32, #tpu.memory_space<vmem>>, vector<128x128xf32>
    %dot_general3A_15 = arith.constant dense<0.000000e+00> : vector<10000x128xf32>
    %dot_general3A_16 = tpu.matmul %max3A_11, %get3A_14, %dot_general3A_15 {dimension_numbers = #tpu.dot_dimension_numbers<[1], [0], [0], [1], [0, 0, 1, 1], [], []>, transpose_lhs_hint = false} : vector<10000x128xf32>, vector<128x128xf32>, vector<10000x128xf32> -> vector<10000x128xf32>
    %get3A_17 = arith.constant 0 : index
    %get3A_18 = arith.constant 0 : index
    %get3A_19 = vector.load %arg4[%get3A_17, %get3A_18] : memref<1x128xf32, #tpu.memory_space<vmem>>, vector<1x128xf32>
    %add3A_20 = vector.broadcast %get3A_19 : vector<1x128xf32> to vector<10000x128xf32>
    %add3A_21 = arith.addf %dot_general3A_16, %add3A_20 : vector<10000x128xf32>
    %reduce_sum3A = arith.constant dense<0.000000e+00> : vector<128xf32>
    %reduce_sum3A_22 = vector.multi_reduction <add>, %add3A_21, %reduce_sum3A [0] : vector<10000x128xf32> to vector<128xf32>
    %broadcast_in_dim3A = vector.shape_cast %reduce_sum3A_22 : vector<128xf32> to vector<1x128xf32>
    %div3A = arith.constant 1.000000e+04 : f32
    %div3A_23 = vector.broadcast %div3A : f32 to vector<1x128xf32>
    %div3A_24 = arith.divf %broadcast_in_dim3A, %div3A_23 : vector<1x128xf32>
    %mul3A = arith.mulf %add3A_21, %add3A_21 : vector<10000x128xf32>
    %reduce_sum3A_25 = arith.constant dense<0.000000e+00> : vector<128xf32>
    %reduce_sum3A_26 = vector.multi_reduction <add>, %mul3A, %reduce_sum3A_25 [0] : vector<10000x128xf32> to vector<128xf32>
    %broadcast_in_dim3A_27 = vector.shape_cast %reduce_sum3A_26 : vector<128xf32> to vector<1x128xf32>
    %div3A_28 = arith.constant 1.000000e+04 : f32
    %div3A_29 = vector.broadcast %div3A_28 : f32 to vector<1x128xf32>
    %div3A_30 = arith.divf %broadcast_in_dim3A_27, %div3A_29 : vector<1x128xf32>
    %mul3A_31 = arith.mulf %div3A_24, %div3A_24 : vector<1x128xf32>
    %sub3A = arith.subf %div3A_30, %mul3A_31 : vector<1x128xf32>
    %add3A_32 = arith.constant 9.99999974E-6 : f32
    %add3A_33 = vector.broadcast %add3A_32 : f32 to vector<1x128xf32>
    %add3A_34 = arith.addf %sub3A, %add3A_33 : vector<1x128xf32>
    %rsqrt3A = math.rsqrt %add3A_34 : vector<1x128xf32>
    %get3A_35 = arith.constant 0 : index
    %get3A_36 = arith.constant 0 : index
    %get3A_37 = vector.load %arg5[%get3A_35, %get3A_36] : memref<1x128xf32, #tpu.memory_space<vmem>>, vector<1x128xf32>
    %mul3A_38 = arith.mulf %rsqrt3A, %get3A_37 : vector<1x128xf32>
    %sub3A_39 = vector.broadcast %div3A_24 : vector<1x128xf32> to vector<10000x128xf32>
    %sub3A_40 = arith.subf %add3A_21, %sub3A_39 : vector<10000x128xf32>
    %mul3A_41 = vector.broadcast %mul3A_38 : vector<1x128xf32> to vector<10000x128xf32>
    %mul3A_42 = arith.mulf %sub3A_40, %mul3A_41 : vector<10000x128xf32>
    %get3A_43 = arith.constant 0 : index
    %get3A_44 = arith.constant 0 : index
    %get3A_45 = vector.load %arg6[%get3A_43, %get3A_44] : memref<1x128xf32, #tpu.memory_space<vmem>>, vector<1x128xf32>
    %add3A_46 = vector.broadcast %get3A_45 : vector<1x128xf32> to vector<10000x128xf32>
    %add3A_47 = arith.addf %mul3A_42, %add3A_46 : vector<10000x128xf32>
    %max3A_48 = arith.constant 0.000000e+00 : f32
    %max3A_49 = vector.broadcast %max3A_48 : f32 to vector<10000x128xf32>
    %max3A_50 = arith.maximumf %add3A_47, %max3A_49 : vector<10000x128xf32>
    %swap3A = arith.constant 0 : index
    %swap3A_51 = arith.constant 0 : index
    %swap3A_52 = vector.load %arg7[%swap3A, %swap3A_51] : memref<10000x128xf32, #tpu.memory_space<vmem>>, vector<10000x128xf32>
    tpu.vector_store %arg7[%swap3A, %swap3A_51], %max3A_50 {strides = array<i32>} : memref<10000x128xf32, #tpu.memory_space<vmem>>, vector<10000x128xf32>,
    return
  }
}

</mosaic_0001>

<sc_bundles>
// kernel: kernel.5.cloned.1.call-start
scs
__scs_entry_jumppad:
0x0: {  	(pc) =	sbr.rel $0x88, $3  }
0x1: {  	(tag) =	ssettag $0x0;
	lr =	simm.s32 $0x1  }
0x2: {  	[smem:$0x3F99] =	sst lr;
	_ =	strace $0xD0000000  }
0x3: {  	_ = 	snop  }
0x4: {  	_ = 	snop  }
0x5: {  	_ = 	snop  }
0x6: {  	_ = 	snop  }
0x7: {  	_ = 	snop  }
__scs_overlays_trampoline_lowered:
0x8: {  	[smem:$0x3FA8] =	sst s0  }
0x9: {  	[smem:$0x3FA9] =	sst s1  }
0xa: {  	[smem:$0x3FAA] =	sst s2  }
0xb: {  	[smem:$0x3FAB] =	sst s3  }
0xc: {  	[smem:$0x3FAC] =	sst s4  }
0xd: {  	[smem:$0x3FAD] =	sst s5  }
0xe: {  	[smem:$0x3FAE] =	sst s6  }
0xf: {  	[smem:$0x3FAF] =	sst s7  }
0x10: {  	[smem:$0x3FB0] =	sst s8  }
0x11: {  	[smem:$0x3FB1] =	sst s9;
	s0 =	simm.s32 @!p0 $0x0  }
0x12: {  	s1 =	sld [smem:$0x3F97];
	s0 =	simm.s32 @p0 $0x1  }
0x13: {  	[smem:$0x3FB2] =	sst s0;
	s0 =	simm.s32 @!p1 $0x0  }
0x14: {  	s2 =	sld [smem:$0x3F96];
	s0 =	simm.s32 @p1 $0x1  }
0x15: {  	[smem:$0x3FB3] =	sst s0;
	s0 =	simm.s32 @!p2 $0x0  }
0x16: {  	s3 =	sld [smem:$0x3FDB];
	s0 =	simm.s32 @p2 $0x1  }
0x17: {  	s4 =	simm.s32 $0x1BF5;
	[smem:$0x3FB5] =	sst s0  }
0x18: {  	s0 =	sld [smem:$0x3F98];
	_ =	swait.ge [sflag:s4], $0x0  }
0x19: {  	s7 =	sld [smem:$0x3F99]  }
0x1a: {  	s8 =	sadd.s32 $0xFFFFE003, lr  }
0x1b: {  	s9 =	sadd.s32 $0xFFFFFEF7, lr;
	s5 =	simm.s32 $0xFFFFFFFF;
	p2 =	slt.u32 s8, $0xFFFFF086  }
0x1c: {  	p1 =	slt.u32 s9, $0xF7A;
	s5 =	simm.s32 @!p2 $0x0  }
0x1d: {  	s5 =	simm.s32 @p1 $0x1;
	p0 =	seq.s32 s7, s2  }
0x1e: {  	s7 =	smul.u32 @!p0 $0xF7A, s2;
	p2 =	seq.s32 @!p0 s5, $0x0  }
0x1f: {  	s9 =	smul.u32 $0xF7A, s1;
	s8 =	simm.s32 @!p0 $0x1BF5;
	p2 =	por !p2, p0  }
0x20: {  	[sflag:s8] =	ssyncset.s32 @!p0 $0xFFFFF086;
	s6 =	sadd.s32 @!p0 s3, s7;
	s7 =	simm.s32 @!p0 $0x108  }
0x21: {  	s3 =	sadd.s32 s3, s9;
	s6 =	sadd.s32 @!p0 $0x88, s6;
	s7 =	simm.s32 @p2 $0x1082  }
0x22: {  	[simem:s7], [sflag:s8] =	dma.local @!p0 [hbm:s6], $0xF7A  }
0x23: {  	s9 =	sor.u32 $0xD0000000, s2;
	s6 =	simm.s32 $0x108;
	_ =	swait.ge @!p0 [sflag:s8], $0x0  }
0x24: {  	s3 =	sadd.s32 $0x88, s3;
	s6 =	simm.s32 @!p1 $0x1082;
	[sflag:s4] =	ssyncset.s32 $0xFFFFF086  }
0x25: {  	[simem:s6], [sflag:s4] =	dma.local [hbm:s3], $0xF7A  }
0x26: {  	[smem:$0x3F99] =	sst s1;
	(tag) =	ssettag s2;
	_ =	strace s9  }
0x27: {  	s1 =	sld [smem:$0x3FA9]  }
0x28: {  	s2 =	sld [smem:$0x3FAA]  }
0x29: {  	s4 =	sld [smem:$0x3FAC]  }
0x2a: {  	p0 =	seq.s32 s5, $0x0;
	s5 =	sld [smem:$0x3FAD]  }
0x2b: {  	s6 =	sld [smem:$0x3FAE]  }
0x2c: {  	s7 =	sld [smem:$0x3FAF]  }
0x2d: {  	s3 =	simm.s32 $0x108;
	s8 =	sld [smem:$0x3FB0]  }
0x2e: {  	s3 =	simm.s32 @!p0 $0x1082;
	s9 =	sld [smem:$0x3FB1]  }
0x2f: {  	lr =	sadd.s32 s0, s3;
	s0 =	sld [smem:$0x3FA8]  }
0x30: {  	s3 =	sld [smem:$0x3FAB]  }
0x31: {  	[smem:$0x3FB4] =	sst s10  }
0x32: {  	s10 =	sld [smem:$0x3FB2];
	_ =	sdelay $0x3  }
0x33: {  	p0 =	seq.s32 s10, $0x1;
	s10 =	sld [smem:$0x3FB4];
	_ =	sdelay $0x3  }
0x34: {  	[smem:$0x3FB4] =	sst s10  }
0x35: {  	s10 =	sld [smem:$0x3FB3];
	_ =	sdelay $0x3  }
0x36: {  	p1 =	seq.s32 s10, $0x1;
	s10 =	sld [smem:$0x3FB4];
	_ =	sdelay $0x3  }
0x37: {  	[smem:$0x3FB4] =	sst s10  }
0x38: {  	s10 =	sld [smem:$0x3FB5]  }
0x39: {  	_ = 	snop;
	(pc) =	sbr.ind lr, $3  }
0x3a: {  	_ = 	snop  }
0x3b: {  	_ = 	snop  }
0x3c: {  	p2 =	seq.s32 s10, $0x1;
	s10 =	sld [smem:$0x3FB4]  }
0x3d: {  	_ =	shalt  }
0x3e: {  	_ =	shalt  }
0x3f: {  	_ =	shalt  }
0x40: {  	_ =	shalt  }
0x41: {  	_ =	shalt  }
0x42: {  	_ =	shalt  }
0x43: {  	_ =	shalt  }
0x44: {  	_ =	shalt  }
0x45: {  	_ =	shalt  }
0x46: {  	_ =	shalt  }
0x47: {  	_ =	shalt  }
0x48: {  	_ =	shalt  }
0x49: {  	_ =	shalt  }
0x4a: {  	_ =	shalt  }
0x4b: {  	_ =	shalt  }
0x4c: {  	_ =	shalt  }
0x4d: {  	_ =	shalt  }
0x4e: {  	_ =	shalt  }
0x4f: {  	_ =	shalt  }
0x50: {  	_ =	shalt  }
0x51: {  	_ =	shalt  }
0x52: {  	_ =	shalt  }
0x53: {  	_ =	shalt  }
0x54: {  	_ =	shalt  }
0x55: {  	_ =	shalt  }
0x56: {  	_ =	shalt  }
0x57: {  	_ =	shalt  }
0x58: {  	_ =	shalt  }
0x59: {  	_ =	shalt  }
0x5a: {  	_ =	shalt  }
0x5b: {  	_ =	shalt  }
0x5c: {  	_ =	shalt  }
0x5d: {  	_ =	shalt  }
0x5e: {  	_ =	shalt  }
0x5f: {  	_ =	shalt  }
0x60: {  	_ =	shalt  }
0x61: {  	_ =	shalt  }
0x62: {  	_ =	shalt  }
0x63: {  	_ =	shalt  }
0x64: {  	_ =	shalt  }
0x65: {  	_ =	shalt  }
0x66: {  	_ =	shalt  }
0x67: {  	_ =	shalt  }
0x68: {  	_ =	shalt  }
0x69: {  	_ =	shalt  }
0x6a: {  	_ =	shalt  }
0x6b: {  	_ =	shalt  }
0x6c: {  	_ =	shalt  }
0x6d: {  	_ =	shalt  }
0x6e: {  	_ =	shalt  }
0x6f: {  	_ =	shalt  }
0x70: {  	_ =	shalt  }
0x71: {  	_ =	shalt  }
0x72: {  	_ =	shalt  }
0x73: {  	_ =	shalt  }
0x74: {  	_ =	shalt  }
0x75: {  	_ =	shalt  }
0x76: {  	_ =	shalt  }
0x77: {  	_ =	shalt  }
0x78: {  	_ =	shalt  }
0x79: {  	_ =	shalt  }
0x7a: {  	_ =	shalt  }
0x7b: {  	_ =	shalt  }
0x7c: {  	_ =	shalt  }
0x7d: {  	_ =	shalt  }
0x7e: {  	_ =	shalt  }
0x7f: {  	_ =	shalt  }
0x80: {  	_ =	shalt  }
0x81: {  	_ =	shalt  }
0x82: {  	_ =	shalt  }
0x83: {  	_ =	shalt  }
0x84: {  	_ =	shalt  }
0x85: {  	_ =	shalt  }
0x86: {  	_ =	shalt  }
0x87: {  	_ =	shalt  }
.Lfunc_end0:
.L_simem_size_0:
called_computation_lowered:
.L_overlay_start_0:
0x88: {  	s2 =	sld [smem:$0x3FD9]  }
0x89: {  	s3 =	sld [smem:$0x3FFE];
	_ =	sdelay $0x1  }
0x8a: {  	s1 =	srdreg.scid  }
0x8b: {  	s0 =	sand.u32 $0x1, s1  }
0x8c: {  	s17 =	sshll.u32 s0, $0xA;
	s2 =	sadd.s32 s3, s2  }
0x8d: {  	s2 =	sadd.s32 s2, s17  }
0x8e: {  	[smem:$0x3FC0] =	sst s2  }
0x8f: {  	_ = 	snop  }
0x90: {  	s2 =	sld [smem:$0x3FC9]  }
0x91: {  	s18 =	sld [smem:$0x3FD0];
	(tm) =	ssettm $0x1  }
0x92: {  	s4 =	sld [smem:$0x3FFB];
	_ =	sdelay $0x3  }
0x93: {  	_ =	strace s4  }
0x94: {  	s4 =	sld [smem:$0x3FFC];
	_ =	sdelay $0x3  }
0x95: {  	_ =	strace s4  }
0x96: {  	s4 =	sld [smem:$0x3FFD];
	_ =	sdelay $0x3  }
0x97: {  	_ =	strace s4  }
0x98: {  	_ =	strace $0x8FFFFFFF  }
0x99: {  	s19 =	sld [smem:$0x3FDB];
	_ =	sdelay $0x1  }
0x9a: {  	s5 =	simm.s32 $_scs_section_size  }
0x9b: {  	s6 =	simm.s32 $_size__tile_overlayer_lowered;
	s7 =	simm.s32 $_tile_overlayer_lowered  }
0x9c: {  	s22 =	simm.s32 $0x1BFF;
	s21 =	sshll.u32 s7, $0x1;
	s4 =	sadd.s32 s5, s19  }
0x9d: {  	s8 =	simm.s32 $0x0;
	s20 =	sshll.u32 s6, $0x1;
	s6 =	sadd.s32 s21, s4  }
0x9e: {  	[timem:s8], [sflag:s22] =	dma.local [hbm:s6], s20  }
0x9f: {  	_ =	swait.ge [sflag:s22], s20  }
0xa0: {  	s5 =	ssub.s32 $0x0, s20;
	[sflag:s22] =	ssyncset.done $0x0  }
0xa1: {  	[sflag:s22] =	ssyncadd.s32 s5;
	_ =	sdelay $0x1  }
0xa2: {  	s23 =	simm.s32 $0x1B8B  }
0xa3: {  	_ =	swait.ge [sflag:s23], $0x1  }
0xa4: {  	[sflag:s23] =	ssyncset.done $0x0  }
0xa5: {  	s25 =	simm.s32 $0x1B8E;
	s24 =	sld [smem:$0x3FFE];
	[sflag:s23] =	ssyncadd.s32 $0xFFFFFFFF  }
0xa6: {  	s26 =	simm.s32 $execute0_lowered;
	[smem:$0x3FD2] =	sst s25  }
0xa7: {  	s6 =	sshll.u32 s26, $0x1;
	_ =	strace $0x80000046;
	[dreg:$0x1] =	wrdreg $0xFFFFFFFF  }
0xa8: {  	s28 =	simm.s32 $_size_execute0_lowered;
	s4 =	sadd.s32 s4, s6;
	[dreg:$0x0] =	wrdreg $0x0  }
0xa9: {  	s6 =	sshll.u32 s28, $0x1;
	[dreg:$0x2] =	wrdreg s4  }
0xaa: {  	[dreg:$0x3] =	wrdreg s6  }
0xab: {  	[dreg:$0x4] =	wrdreg $0xC0  }
0xac: {  	_ =	task [dreg:s8], $0x5FFFF  }
0xad: {  	[dreg:$0x1] =	wrdreg $0xFFFFFFFF  }
0xae: {  	[dreg:$0x0] =	wrdreg $0x60  }
0xaf: {  	[dreg:$0x2] =	wrdreg s2  }
0xb0: {  	[dreg:$0x3] =	wrdreg s24  }
0xb1: {  	[dreg:$0x4] =	wrdreg s18  }
0xb2: {  	[dreg:$0x5] =	wrdreg $0x6A000  }
0xb3: {  	[dreg:$0x6] =	wrdreg $0x108000  }
0xb4: {  	[dreg:$0x7] =	wrdreg $0x9  }
0xb5: {  	_ =	task.clear_ibuf [dreg:s8], $0x8FFFF;
	_ =	strace $0x90000046  }
0xb6: {  	s29 =	simm.s32 $0x9;
	_ =	strace $0x80000048  }
0xb7: {  	_ =	swait.ge [sflag:s29], $0x1  }
0xb8: {  	[sflag:s29] =	ssyncadd.s32 $0xFFFFFFFF  }
0xb9: {  	_ =	strace $0x90000048  }
0xba: {  	_ =	sfence  }
0xbb: {  	s30 =	sld [smem:$0x0];
	_ =	sdelay $0x2  }
0xbc: {  	s31 =	sshll.u32 s1, $0xD;
	s1 =	sshrl.u32 s1, $0x2  }
0xbd: {  	s3 =	sand.u32 $0x4000, s31;
	s1 =	sadd.s32 s1, s30  }
0xbe: {  	s0 =	sor.u32 s3, s0;
	s1 =	sshll.u32 s1, $0x11  }
0xbf: {  	s0 =	sor.u32 s1, s0  }
0xc0: {  	s0 =	sadd.s32 $0x8F2B, s0  }
0xc1: {  	[sflag:s0] =	ssyncadd.remote.s32 $0x1  }
0xc2: {  	_ =	sfence.sel $0xFFFF  }
0xc3: {  	[dreg:$0x0] =	wrdreg $0xFFFFFFFF;
	(pc) =	sbr.abs _section_cstart, $3  }
0xc4: {  	[dreg:$0x1] =	wrdreg $0xFFFFFFFF  }
0xc5: {  	_ =	task.clear_ibuf [dreg:s8], $0x2FFFF;
	_ =	strace $0x9FFFFFFF  }
0xc6: {  	(tm) =	ssettm $0x7FFFFFFF  }
0xc7: {  	_ =	shalt  }
tec
execute0_lowered:
.L_overlay_start_1:
0x0: {  	(tag) =	ssettag $0x1  }
0x1: {  	s6 =	rddreg [dreg:$0x0]  }
0x2: {  	s5 =	rddreg [dreg:$0x1]  }
0x3: {  	s10 =	rddreg [dreg:$0x2]  }
0x4: {  	s1 =	rddreg [dreg:$0x3]  }
0x5: {  	s3 =	rddreg [dreg:$0x4];
	s0 =	simm.s32 $0x0;
	s8 =	srdreg.scid  }
0x6: {  	s19 =	simm.s32 $0x2800;
	s20 =	simm.s32 $0x2A00;
	s21 =	simm.s32 $0x2880  }
0x7: {  	s22 =	simm.s32 $0x4A00;
	s23 =	simm.s32 $0x1;
	s24 =	simm.s32 $0x2900  }
0x8: {  	s28 =	simm.s32 $0x2980;
	[smem:$0x7FF] =	sst s0;
	s0 =	stileid.u32  }
0x9: {  	s29 =	simm.s32 $0x0;
	s8 =	sand.u32 $0x1, s8;
	s7 =	smul.u32 $0x5000, s0  }
0xa: {  	s17 =	sadd.s32 $0x94200, s1;
	s18 =	sadd.s32 $0x94200, s3;
	s9 =	smul.u32 $0x13C00, s0  }
0xb: {  	_ =	strace $0x80000047;
	s11 =	ssub.s32 $0x2, s8;
	s26 =	smul.u32 $0x9E00, s0  }
0xc: {  	s12 =	sshll.u32 s8, $0x6;
	s30 =	sshll.u32 s8, $0x3;
	s31 =	smul.u32 $0x27800, s0  }
0xd: {  	p0 =	seq.s32 s0, $0xF;
	s13 =	sshrl.u32 s11, $0x1;
	s7 =	sshrl.u32 s7, $0x3  }
0xe: {  	s9 =	sor.u32 s12, s9;
	s11 =	ssub.s32 s11, s13;
	s15 =	sadd.s32 s26, s1  }
0xf: {  	s16 =	sadd.s32 s26, s3;
	s12 =	sshrl.u32 s31, $0x2;
	s13 =	sshrl.u32 @p0 s18, $0x3  }
0x10: {  	s18 =	simm.s32 $0x80;
	s26 =	simm.s32 $0x2;
	s14 =	sadd.s32 s7, s5  }
0x11: {  	s9 =	sshrl.u32 s9, $0x3;
	s25 =	sadd.s32 s12, s3;
	s11 =	smax.u32 s11, $0x1  }
0x12: {  	s12 =	sshrl.u32 @p0 s17, $0x3;
	s15 =	sshrl.u32 @!p0 s15, $0x3;
	s16 =	sshrl.u32 @!p0 s16, $0x3  }
0x13: {  	s17 =	simm.s32 $0x3;
	s5 =	sadd.s32 s6, s9;
	s6 =	sadd.s32 s30, s6  }
0x14: {  	s7 =	sadd.s32 $0x1400, s14;
	s8 =	sadd.s32 $0x1900, s14;
	s9 =	sadd.s32 s10, s9  }
0x15: {  	s10 =	sadd.s32 s30, s10;
	s14 =	sshll.u32 @!p0 s0, $0x6;
	s25 =	sshrl.u32 @!p0 s25, $0x3  }
0x16: {  	s6 =	sadd.s32 $0x25080, s6;
	s10 =	sadd.s32 $0x25080, s10;
	s14 =	sor.u32 @!p0 $0x1C03, s14  }
.LBB2_1:
0x17: {  	s30 =	simm.s32 @p0 $0x1;
	s31 =	simm.s32 @p0 $0x8  }
0x18: {  	s0 =	simm.s32 @p0 $0x10;
	s2 =	simm.s32 @p0 $0x1FC3;
	s4 =	simm.s32 @p0 $0x3  }
0x19: {  	[spmem:s12@s31], [sflag:s2] =	dma.strided @p0 [hbm:s6@s0], $0x1040, s30, $0x8   }
0x1a: {  	_ =	swait.ge @p0 [sflag:s4], $0x1040  }
0x1b: {  	[sflag:s4] =	ssyncset.done @p0 $0x0  }
0x1c: {  	[sflag:s4] =	ssyncadd.s32 @p0 $0xFFFFEFC0  }
0x1d: {  	[spmem:s13@s31], [sflag:s2] =	dma.strided @p0 [hbm:s6@s0], $0x1040, s30, $0x8   }
0x1e: {  	_ =	swait.ge @p0 [sflag:s4], $0x1040  }
0x1f: {  	s0 =	simm.s32 @!p0 $0x1;
	s2 =	simm.s32 @!p0 $0x8;
	[sflag:s4] =	ssyncset.done @p0 $0x0  }
0x20: {  	s30 =	simm.s32 @!p0 $0x3;
	[sflag:s4] =	ssyncadd.s32 @p0 $0xFFFFEFC0;
	s4 =	simm.s32 @!p0 $0x10  }
0x21: {  	[spmem:s15@s2], [sflag:s14] =	dma.strided @!p0 [hbm:s5@s4], $0x13C0, s0, $0x8   }
0x22: {  	_ =	swait.ge @!p0 [sflag:s30], $0x13C0  }
0x23: {  	[sflag:s30] =	ssyncset.done @!p0 $0x0  }
0x24: {  	[sflag:s30] =	ssyncadd.s32 @!p0 $0xFFFFEC40  }
0x25: {  	[spmem:s16@s2], [sflag:s14] =	dma.strided @!p0 [hbm:s5@s4], $0x13C0, s0, $0x8   }
0x26: {  	_ =	swait.ge @!p0 [sflag:s30], $0x13C0  }
0x27: {  	[sflag:s30] =	ssyncset.done @!p0 $0x0  }
0x28: {  	[sflag:s30] =	ssyncadd.s32 @!p0 $0xFFFFEC40  }
0x29: {  	s4 =	simm.s32 $0x0;
	[bflag:$0x0] =	sbarrier.arrive $0xFFFF  }
0x2a: {  	[tilespmem:s4], [sflag:$0x3] =	stream.linear.gather [hbm4b:s7+s4], $0x2800, $0x38;
	[tilespmem:$0x1A600] =	vst v63  }
0x2b: {  	_ =	swait.ge [sflag:s17], $0x2800  }
0x2c: {  	[sflag:s17] =	ssyncset.done $0x0  }
0x2d: {  	[sflag:s17] =	ssyncadd.s32 $0xFFFFD800  }
0x2e: {  	v0 =	vld [tilespmem:$0x0];
	_ =	sdelay $0x1  }
0x2f: {  	v1 =	vld [tilespmem:$0x10];
	_ =	sdelay $0x1  }
0x30: {  	v2 =	vld [tilespmem:$0x20]  }
0x31: {  	v3 =	vshrl.u32 v0, $0xE  }
0x32: {  	v0 =	vand.u32 $0x3FFF, v0;
	[tilespmem:$0x2800] =	vst v3;
	v3 =	vld [tilespmem:$0x30]  }
0x33: {  	[tilespmem:$0x2900] =	vst v0;
	v0 =	vshrl.u32 v1, $0xE  }
0x34: {  	[tilespmem:$0x2810] =	vst v0;
	v0 =	vand.u32 $0x3FFF, v1;
	v1 =	vld [tilespmem:$0x40]  }
0x35: {  	[tilespmem:$0x2910] =	vst v0;
	v0 =	vshrl.u32 v2, $0xE  }
0x36: {  	[tilespmem:$0x2820] =	vst v0;
	v0 =	vand.u32 $0x3FFF, v2;
	v2 =	vld [tilespmem:$0x50]  }
0x37: {  	[tilespmem:$0x2920] =	vst v0;
	v0 =	vshrl.u32 v3, $0xE  }
0x38: {  	[tilespmem:$0x2830] =	vst v0;
	v0 =	vand.u32 $0x3FFF, v3;
	v3 =	vld [tilespmem:$0x60]  }
0x39: {  	[tilespmem:$0x2930] =	vst v0;
	v0 =	vshrl.u32 v1, $0xE  }
0x3a: {  	[tilespmem:$0x2840] =	vst v0;
	v0 =	vand.u32 $0x3FFF, v1;
	v1 =	vld [tilespmem:$0x70]  }
0x3b: {  	[tilespmem:$0x2940] =	vst v0;
	v0 =	vshrl.u32 v2, $0xE  }
0x3c: {  	[tilespmem:$0x2850] =	vst v0;
	v0 =	vand.u32 $0x3FFF, v2  }
0x3d: {  	[tilespmem:$0x2950] =	vst v0;
	v0 =	vshrl.u32 v3, $0xE  }
0x3e: {  	[tilespmem:$0x2860] =	vst v0;
	v0 =	vand.u32 $0x3FFF, v3  }
0x3f: {  	[tilespmem:$0x2960] =	vst v0;
	v0 =	vshrl.u32 v1, $0xE  }
0x40: {  	[tilespmem:$0x2870] =	vst v0;
	v0 =	vand.u32 $0x3FFF, v1  }
0x41: {  	[tilespmem:$0x2970] =	vst v0  }
0x42: {  	[tilespmem:s20], [sflag:$0x1] =	stream.indirect.gather [spmem:s1], $0x40, s19, s18, $0xb8;
	[tilespmem:$0x1A600] =	vst v63  }
0x43: {  	v0 =	vld [tilespmem:$0x80];
	_ =	sdelay $0x1  }
0x44: {  	v1 =	vld [tilespmem:$0x90];
	_ =	sdelay $0x1  }
0x45: {  	v2 =	vld [tilespmem:$0xA0]  }
0x46: {  	v3 =	vshrl.u32 v0, $0xE  }
0x47: {  	v0 =	vand.u32 $0x3FFF, v0;
	[tilespmem:$0x2880] =	vst v3;
	v3 =	vld [tilespmem:$0xB0]  }
0x48: {  	[tilespmem:$0x2980] =	vst v0;
	v0 =	vshrl.u32 v1, $0xE  }
0x49: {  	[tilespmem:$0x2890] =	vst v0;
	v0 =	vand.u32 $0x3FFF, v1;
	v1 =	vld [tilespmem:$0xC0]  }
0x4a: {  	[tilespmem:$0x2990] =	vst v0;
	v0 =	vshrl.u32 v2, $0xE  }
0x4b: {  	[tilespmem:$0x28A0] =	vst v0;
	v0 =	vand.u32 $0x3FFF, v2;
	v2 =	vld [tilespmem:$0xD0]  }
0x4c: {  	[tilespmem:$0x29A0] =	vst v0;
	v0 =	vshrl.u32 v3, $0xE  }
0x4d: {  	[tilespmem:$0x28B0] =	vst v0;
	v0 =	vand.u32 $0x3FFF, v3;
	v3 =	vld [tilespmem:$0xE0]  }
0x4e: {  	[tilespmem:$0x29B0] =	vst v0;
	v0 =	vshrl.u32 v1, $0xE  }
0x4f: {  	[tilespmem:$0x28C0] =	vst v0;
	v0 =	vand.u32 $0x3FFF, v1;
	v1 =	vld [tilespmem:$0xF0]  }
0x50: {  	[tilespmem:$0x29C0] =	vst v0;
	v0 =	vshrl.u32 v2, $0xE  }
0x51: {  	[tilespmem:$0x28D0] =	vst v0;
	v0 =	vand.u32 $0x3FFF, v2  }
0x52: {  	[tilespmem:$0x29D0] =	vst v0;
	v0 =	vshrl.u32 v3, $0xE  }
0x53: {  	[tilespmem:$0x28E0] =	vst v0;
	v0 =	vand.u32 $0x3FFF, v3  }
0x54: {  	[tilespmem:$0x29E0] =	vst v0;
	v0 =	vshrl.u32 v1, $0xE  }
0x55: {  	[tilespmem:$0x28F0] =	vst v0;
	v0 =	vand.u32 $0x3FFF, v1  }
0x56: {  	[tilespmem:$0x29F0] =	vst v0  }
0x57: {  	[tilespmem:s22], [sflag:$0x2] =	stream.indirect.gather [spmem:s1], $0x40, s21, s18, $0xb8;
	[tilespmem:$0x1A600] =	vst v63  }
0x58: {  	_ =	swait.ge [sflag:s23], $0x2000  }
0x59: {  	[sflag:s23] =	ssyncset.done $0x0  }
0x5a: {  	[sflag:s23] =	ssyncadd.s32 $0xFFFFE000  }
0x5b: {  	[spmem:s3] =	stream.indirect.scatter.add.f32 [tilespmem:s20], [sflag:$0x3], $0x40, s24, s18, $0xb8;
	[tilespmem:$0x1A600] =	vst v63  }
0x5c: {  	_ =	swait.ge [sflag:s17], $0x2000  }
0x5d: {  	[sflag:s17] =	ssyncset.done $0x0  }
0x5e: {  	s30 =	simm.s32 $0x1F0;
	[sflag:s17] =	ssyncadd.s32 $0xFFFFE000  }
0x5f: {  	v0 =	vld [tilespmem:s30+$0xFFFFFF10];
	_ =	sdelay $0x4  }
0x60: {  	v1 =	vshrl.u32 v0, $0xE  }
0x61: {  	v0 =	vand.u32 $0x3FFF, v0;
	[tilespmem:$0x2800] =	vst v1  }
0x62: {  	[tilespmem:$0x2900] =	vst v0  }
0x63: {  	v0 =	vld [tilespmem:s30+$0xFFFFFF20];
	_ =	sdelay $0x4  }
0x64: {  	v1 =	vshrl.u32 v0, $0xE  }
0x65: {  	v0 =	vand.u32 $0x3FFF, v0;
	[tilespmem:$0x2810] =	vst v1  }
0x66: {  	[tilespmem:$0x2910] =	vst v0  }
0x67: {  	v0 =	vld [tilespmem:s30+$0xFFFFFF30];
	_ =	sdelay $0x4  }
0x68: {  	v1 =	vshrl.u32 v0, $0xE  }
0x69: {  	v0 =	vand.u32 $0x3FFF, v0;
	[tilespmem:$0x2820] =	vst v1  }
0x6a: {  	[tilespmem:$0x2920] =	vst v0  }
0x6b: {  	v0 =	vld [tilespmem:s30+$0xFFFFFF40];
	_ =	sdelay $0x4  }
0x6c: {  	v1 =	vshrl.u32 v0, $0xE  }
0x6d: {  	v0 =	vand.u32 $0x3FFF, v0;
	[tilespmem:$0x2830] =	vst v1  }
0x6e: {  	[tilespmem:$0x2930] =	vst v0  }
0x6f: {  	v0 =	vld [tilespmem:s30+$0xFFFFFF50];
	_ =	sdelay $0x4  }
0x70: {  	v1 =	vshrl.u32 v0, $0xE  }
0x71: {  	v0 =	vand.u32 $0x3FFF, v0;
	[tilespmem:$0x2840] =	vst v1  }
0x72: {  	[tilespmem:$0x2940] =	vst v0  }
0x73: {  	v0 =	vld [tilespmem:s30+$0xFFFFFF60];
	_ =	sdelay $0x4  }
0x74: {  	v1 =	vshrl.u32 v0, $0xE  }
0x75: {  	v0 =	vand.u32 $0x3FFF, v0;
	[tilespmem:$0x2850] =	vst v1  }
0x76: {  	[tilespmem:$0x2950] =	vst v0  }
0x77: {  	v0 =	vld [tilespmem:s30+$0xFFFFFF70];
	_ =	sdelay $0x4  }
0x78: {  	v1 =	vshrl.u32 v0, $0xE  }
0x79: {  	v0 =	vand.u32 $0x3FFF, v0;
	[tilespmem:$0x2860] =	vst v1  }
0x7a: {  	[tilespmem:$0x2960] =	vst v0  }
0x7b: {  	v0 =	vld [tilespmem:s30+$0xFFFFFF80];
	_ =	sdelay $0x4  }
0x7c: {  	v1 =	vshrl.u32 v0, $0xE  }
0x7d: {  	v0 =	vand.u32 $0x3FFF, v0;
	[tilespmem:$0x2870] =	vst v1  }
0x7e: {  	[tilespmem:$0x2970] =	vst v0  }
0x7f: {  	[tilespmem:s20], [sflag:$0x1] =	stream.indirect.gather [spmem:s1], $0x40, s19, s18, $0xb8;
	[tilespmem:$0x1A600] =	vst v63  }
0x80: {  	_ =	swait.ge [sflag:s26], $0x2000  }
0x81: {  	[sflag:s26] =	ssyncset.done $0x0  }
0x82: {  	[sflag:s26] =	ssyncadd.s32 $0xFFFFE000  }
0x83: {  	[spmem:s3] =	stream.indirect.scatter.add.f32 [tilespmem:s22], [sflag:$0x3], $0x40, s28, s18, $0xb8;
	[tilespmem:$0x1A600] =	vst v63  }
0x84: {  	_ =	swait.ge [sflag:s17], $0x2000  }
0x85: {  	[sflag:s17] =	ssyncset.done $0x0  }
0x86: {  	[sflag:s17] =	ssyncadd.s32 $0xFFFFE000  }
0x87: {  	v0 =	vld [tilespmem:s30+$0xFFFFFF90];
	_ =	sdelay $0x4  }
0x88: {  	v1 =	vshrl.u32 v0, $0xE  }
0x89: {  	v0 =	vand.u32 $0x3FFF, v0;
	[tilespmem:$0x2880] =	vst v1  }
0x8a: {  	[tilespmem:$0x2980] =	vst v0  }
0x8b: {  	v0 =	vld [tilespmem:s30+$0xFFFFFFA0];
	_ =	sdelay $0x4  }
0x8c: {  	v1 =	vshrl.u32 v0, $0xE  }
0x8d: {  	v0 =	vand.u32 $0x3FFF, v0;
	[tilespmem:$0x2890] =	vst v1  }
0x8e: {  	[tilespmem:$0x2990] =	vst v0  }
0x8f: {  	v0 =	vld [tilespmem:s30+$0xFFFFFFB0];
	_ =	sdelay $0x4  }
0x90: {  	v1 =	vshrl.u32 v0, $0xE  }
0x91: {  	v0 =	vand.u32 $0x3FFF, v0;
	[tilespmem:$0x28A0] =	vst v1  }
0x92: {  	[tilespmem:$0x29A0] =	vst v0  }
0x93: {  	v0 =	vld [tilespmem:s30+$0xFFFFFFC0];
	_ =	sdelay $0x4  }
0x94: {  	v1 =	vshrl.u32 v0, $0xE  }
0x95: {  	v0 =	vand.u32 $0x3FFF, v0;
	[tilespmem:$0x28B0] =	vst v1  }
0x96: {  	[tilespmem:$0x29B0] =	vst v0  }
0x97: {  	v0 =	vld [tilespmem:s30+$0xFFFFFFD0];
	_ =	sdelay $0x4  }
0x98: {  	v1 =	vshrl.u32 v0, $0xE  }
0x99: {  	v0 =	vand.u32 $0x3FFF, v0;
	[tilespmem:$0x28C0] =	vst v1  }
0x9a: {  	[tilespmem:$0x29C0] =	vst v0  }
0x9b: {  	v0 =	vld [tilespmem:s30+$0xFFFFFFE0];
	_ =	sdelay $0x4  }
0x9c: {  	v1 =	vshrl.u32 v0, $0xE  }
0x9d: {  	v0 =	vand.u32 $0x3FFF, v0;
	[tilespmem:$0x28D0] =	vst v1  }
0x9e: {  	[tilespmem:$0x29D0] =	vst v0  }
0x9f: {  	v0 =	vld [tilespmem:s30+$0xFFFFFFF0];
	_ =	sdelay $0x4  }
0xa0: {  	v1 =	vshrl.u32 v0, $0xE  }
0xa1: {  	s31 =	simm.s32 $0xBC0;
	v0 =	vand.u32 $0x3FFF, v0;
	[tilespmem:$0x28E0] =	vst v1  }
.LBB2_2:
0xa2: {  	p1 =	sne.s32 s31, $0x9FC0;
	[tilespmem:$0x29E0] =	vst v0;
	s0 =	smov.u32 s31;
	s31 =	sadd.s32 $0x400, s31  }
0xa3: {  	v0 =	vld [tilespmem:s30+$0x0];
	_ =	sdelay $0x4  }
0xa4: {  	v1 =	vshrl.u32 v0, $0xE;
	v0 =	vand.u32 $0x3FFF, v0  }
0xa5: {  	[tilespmem:$0x28F0] =	vst v1  }
0xa6: {  	[tilespmem:$0x29F0] =	vst v0  }
0xa7: {  	[tilespmem:s22], [sflag:$0x2] =	stream.indirect.gather [spmem:s1], $0x40, s21, s18, $0xb8;
	[tilespmem:$0x1A600] =	vst v63  }
0xa8: {  	_ =	swait.ge [sflag:s23], $0x2000  }
0xa9: {  	[sflag:s23] =	ssyncset.done $0x0  }
0xaa: {  	[sflag:s23] =	ssyncadd.s32 $0xFFFFE000  }
0xab: {  	[spmem:s3] =	stream.indirect.scatter.add.f32 [tilespmem:s20], [sflag:$0x3], $0x40, s24, s18, $0xb8;
	[tilespmem:$0x1A600] =	vst v63  }
0xac: {  	_ =	swait.ge [sflag:s17], $0x2000  }
0xad: {  	[sflag:s17] =	ssyncset.done $0x0  }
0xae: {  	s30 =	sshra.s32 s0, $0x2;
	[sflag:s17] =	ssyncadd.s32 $0xFFFFE000  }
0xaf: {  	v0 =	vld [tilespmem:s30+$0xFFFFFF10];
	_ =	sdelay $0x4  }
0xb0: {  	v1 =	vshrl.u32 v0, $0xE;
	v0 =	vand.u32 $0x3FFF, v0  }
0xb1: {  	[tilespmem:$0x2800] =	vst v1  }
0xb2: {  	[tilespmem:$0x2900] =	vst v0  }
0xb3: {  	v0 =	vld [tilespmem:s30+$0xFFFFFF20];
	_ =	sdelay $0x4  }
0xb4: {  	v1 =	vshrl.u32 v0, $0xE;
	v0 =	vand.u32 $0x3FFF, v0  }
0xb5: {  	[tilespmem:$0x2810] =	vst v1  }
0xb6: {  	[tilespmem:$0x2910] =	vst v0  }
0xb7: {  	v0 =	vld [tilespmem:s30+$0xFFFFFF30];
	_ =	sdelay $0x4  }
0xb8: {  	v1 =	vshrl.u32 v0, $0xE;
	v0 =	vand.u32 $0x3FFF, v0  }
0xb9: {  	[tilespmem:$0x2820] =	vst v1  }
0xba: {  	[tilespmem:$0x2920] =	vst v0  }
0xbb: {  	v0 =	vld [tilespmem:s30+$0xFFFFFF40];
	_ =	sdelay $0x4  }
0xbc: {  	v1 =	vshrl.u32 v0, $0xE;
	v0 =	vand.u32 $0x3FFF, v0  }
0xbd: {  	[tilespmem:$0x2830] =	vst v1  }
0xbe: {  	[tilespmem:$0x2930] =	vst v0  }
0xbf: {  	v0 =	vld [tilespmem:s30+$0xFFFFFF50];
	_ =	sdelay $0x4  }
0xc0: {  	v1 =	vshrl.u32 v0, $0xE;
	v0 =	vand.u32 $0x3FFF, v0  }
0xc1: {  	[tilespmem:$0x2840] =	vst v1  }
0xc2: {  	[tilespmem:$0x2940] =	vst v0  }
0xc3: {  	v0 =	vld [tilespmem:s30+$0xFFFFFF60];
	_ =	sdelay $0x4  }
0xc4: {  	v1 =	vshrl.u32 v0, $0xE;
	v0 =	vand.u32 $0x3FFF, v0  }
0xc5: {  	[tilespmem:$0x2850] =	vst v1  }
0xc6: {  	[tilespmem:$0x2950] =	vst v0  }
0xc7: {  	v0 =	vld [tilespmem:s30+$0xFFFFFF70];
	_ =	sdelay $0x4  }
0xc8: {  	v1 =	vshrl.u32 v0, $0xE;
	v0 =	vand.u32 $0x3FFF, v0  }
0xc9: {  	[tilespmem:$0x2860] =	vst v1  }
0xca: {  	[tilespmem:$0x2960] =	vst v0  }
0xcb: {  	v0 =	vld [tilespmem:s30+$0xFFFFFF80];
	_ =	sdelay $0x4  }
0xcc: {  	v1 =	vshrl.u32 v0, $0xE;
	v0 =	vand.u32 $0x3FFF, v0  }
0xcd: {  	[tilespmem:$0x2870] =	vst v1  }
0xce: {  	[tilespmem:$0x2970] =	vst v0  }
0xcf: {  	[tilespmem:s20], [sflag:$0x1] =	stream.indirect.gather [spmem:s1], $0x40, s19, s18, $0xb8;
	[tilespmem:$0x1A600] =	vst v63  }
0xd0: {  	_ =	swait.ge [sflag:s26], $0x2000  }
0xd1: {  	[sflag:s26] =	ssyncset.done $0x0  }
0xd2: {  	[sflag:s26] =	ssyncadd.s32 $0xFFFFE000  }
0xd3: {  	[spmem:s3] =	stream.indirect.scatter.add.f32 [tilespmem:s22], [sflag:$0x3], $0x40, s28, s18, $0xb8;
	[tilespmem:$0x1A600] =	vst v63  }
0xd4: {  	_ =	swait.ge [sflag:s17], $0x2000  }
0xd5: {  	[sflag:s17] =	ssyncset.done $0x0  }
0xd6: {  	[sflag:s17] =	ssyncadd.s32 $0xFFFFE000  }
0xd7: {  	v0 =	vld [tilespmem:s30+$0xFFFFFF90];
	_ =	sdelay $0x4  }
0xd8: {  	v1 =	vshrl.u32 v0, $0xE;
	v0 =	vand.u32 $0x3FFF, v0  }
0xd9: {  	[tilespmem:$0x2880] =	vst v1  }
0xda: {  	[tilespmem:$0x2980] =	vst v0  }
0xdb: {  	v0 =	vld [tilespmem:s30+$0xFFFFFFA0];
	_ =	sdelay $0x4  }
0xdc: {  	v1 =	vshrl.u32 v0, $0xE;
	v0 =	vand.u32 $0x3FFF, v0  }
0xdd: {  	[tilespmem:$0x2890] =	vst v1  }
0xde: {  	[tilespmem:$0x2990] =	vst v0  }
0xdf: {  	v0 =	vld [tilespmem:s30+$0xFFFFFFB0];
	_ =	sdelay $0x4  }
0xe0: {  	v1 =	vshrl.u32 v0, $0xE;
	v0 =	vand.u32 $0x3FFF, v0  }
0xe1: {  	[tilespmem:$0x28A0] =	vst v1  }
0xe2: {  	[tilespmem:$0x29A0] =	vst v0  }
0xe3: {  	v0 =	vld [tilespmem:s30+$0xFFFFFFC0];
	_ =	sdelay $0x4  }
0xe4: {  	v1 =	vshrl.u32 v0, $0xE;
	v0 =	vand.u32 $0x3FFF, v0  }
0xe5: {  	[tilespmem:$0x28B0] =	vst v1  }
0xe6: {  	[tilespmem:$0x29B0] =	vst v0  }
0xe7: {  	v0 =	vld [tilespmem:s30+$0xFFFFFFD0];
	_ =	sdelay $0x4  }
0xe8: {  	v1 =	vshrl.u32 v0, $0xE;
	v0 =	vand.u32 $0x3FFF, v0  }
0xe9: {  	[tilespmem:$0x28C0] =	vst v1  }
0xea: {  	[tilespmem:$0x29C0] =	vst v0  }
0xeb: {  	v0 =	vld [tilespmem:s30+$0xFFFFFFE0];
	_ =	sdelay $0x4  }
0xec: {  	v1 =	vshrl.u32 v0, $0xE;
	v0 =	vand.u32 $0x3FFF, v0  }
0xed: {  	[tilespmem:$0x28D0] =	vst v1  }
0xee: {  	[tilespmem:$0x29D0] =	vst v0  }
0xef: {  	v0 =	vld [tilespmem:s30+$0xFFFFFFF0];
	_ =	sdelay $0x1  }
.Ltmp0:
0xf0: {  	(pc) =	sbr.rel @p1 .LBB2_2-.Ltmp0, $3  }
0xf1: {  	_ =	sdelay $0x1  }
0xf2: {  	v1 =	vshrl.u32 v0, $0xE;
	v0 =	vand.u32 $0x3FFF, v0  }
0xf3: {  	[tilespmem:$0x28E0] =	vst v1  }
0xf4: {  	[tilespmem:$0x29E0] =	vst v0  }
0xf5: {  	v0 =	vld [tilespmem:s30+$0x0];
	_ =	sdelay $0x4  }
0xf6: {  	v1 =	vshrl.u32 v0, $0xE  }
0xf7: {  	v0 =	vand.u32 $0x3FFF, v0;
	[tilespmem:$0x28F0] =	vst v1  }
0xf8: {  	[tilespmem:$0x29F0] =	vst v0  }
0xf9: {  	[tilespmem:s22], [sflag:$0x2] =	stream.indirect.gather [spmem:s1], $0x40, s21, s18, $0xb8;
	[tilespmem:$0x1A600] =	vst v63  }
0xfa: {  	_ =	swait.ge [sflag:s23], $0x2000  }
0xfb: {  	[sflag:s23] =	ssyncset.done $0x0  }
0xfc: {  	[sflag:s23] =	ssyncadd.s32 $0xFFFFE000  }
0xfd: {  	[spmem:s3] =	stream.indirect.scatter.add.f32 [tilespmem:s20], [sflag:$0x3], $0x40, s24, s18, $0xb8;
	[tilespmem:$0x1A600] =	vst v63  }
0xfe: {  	_ =	swait.ge [sflag:s17], $0x2000  }
0xff: {  	[sflag:s17] =	ssyncset.done $0x0  }
0x100: {  	[sflag:s17] =	ssyncadd.s32 $0xFFFFE000  }
0x101: {  	_ =	swait.ge [sflag:s26], $0x2000  }
0x102: {  	[sflag:s26] =	ssyncset.done $0x0  }
0x103: {  	[sflag:s26] =	ssyncadd.s32 $0xFFFFE000  }
0x104: {  	[spmem:s3] =	stream.indirect.scatter.add.f32 [tilespmem:s22], [sflag:$0x3], $0x40, s28, s18, $0xb8;
	[tilespmem:$0x1A600] =	vst v63  }
0x105: {  	_ =	swait.ge [sflag:s17], $0x2000  }
0x106: {  	[sflag:s17] =	ssyncset.done $0x0  }
0x107: {  	s0 =	simm.s32 $0x0;
	[sflag:s17] =	ssyncadd.s32 $0xFFFFE000  }
0x108: {  	[tilespmem:s0], [sflag:$0x3] =	stream.linear.gather [hbm4b:s8+s0], $0x2800, $0x38;
	[tilespmem:$0x1A600] =	vst v63  }
0x109: {  	_ =	swait.ge [sflag:s17], $0x2800  }
0x10a: {  	[sflag:s17] =	ssyncset.done $0x0  }
0x10b: {  	[sflag:s17] =	ssyncadd.s32 $0xFFFFD800  }
0x10c: {  	v0 =	vld [tilespmem:$0x0];
	_ =	sdelay $0x1  }
0x10d: {  	v1 =	vld [tilespmem:$0x10];
	_ =	sdelay $0x1  }
0x10e: {  	v2 =	vld [tilespmem:$0x20]  }
0x10f: {  	v3 =	vshrl.u32 v0, $0xE  }
0x110: {  	v0 =	vand.u32 $0x3FFF, v0;
	[tilespmem:$0x2800] =	vst v3;
	v3 =	vld [tilespmem:$0x30]  }
0x111: {  	[tilespmem:$0x2900] =	vst v0;
	v0 =	vshrl.u32 v1, $0xE  }
0x112: {  	[tilespmem:$0x2810] =	vst v0;
	v0 =	vand.u32 $0x3FFF, v1;
	v1 =	vld [tilespmem:$0x40]  }
0x113: {  	[tilespmem:$0x2910] =	vst v0;
	v0 =	vshrl.u32 v2, $0xE  }
0x114: {  	[tilespmem:$0x2820] =	vst v0;
	v0 =	vand.u32 $0x3FFF, v2;
	v2 =	vld [tilespmem:$0x50]  }
0x115: {  	[tilespmem:$0x2920] =	vst v0;
	v0 =	vshrl.u32 v3, $0xE  }
0x116: {  	[tilespmem:$0x2830] =	vst v0;
	v0 =	vand.u32 $0x3FFF, v3;
	v3 =	vld [tilespmem:$0x60]  }
0x117: {  	[tilespmem:$0x2930] =	vst v0;
	v0 =	vshrl.u32 v1, $0xE  }
0x118: {  	[tilespmem:$0x2840] =	vst v0;
	v0 =	vand.u32 $0x3FFF, v1;
	v1 =	vld [tilespmem:$0x70]  }
0x119: {  	[tilespmem:$0x2940] =	vst v0;
	v0 =	vshrl.u32 v2, $0xE  }
0x11a: {  	[tilespmem:$0x2850] =	vst v0;
	v0 =	vand.u32 $0x3FFF, v2  }
0x11b: {  	[tilespmem:$0x2950] =	vst v0;
	v0 =	vshrl.u32 v3, $0xE  }
0x11c: {  	[tilespmem:$0x2860] =	vst v0;
	v0 =	vand.u32 $0x3FFF, v3  }
0x11d: {  	[tilespmem:$0x2960] =	vst v0;
	v0 =	vshrl.u32 v1, $0xE  }
0x11e: {  	[tilespmem:$0x2870] =	vst v0;
	v0 =	vand.u32 $0x3FFF, v1  }
0x11f: {  	[tilespmem:$0x2970] =	vst v0  }
0x120: {  	[tilespmem:s20], [sflag:$0x1] =	stream.indirect.gather [spmem:s1], $0x40, s19, s18, $0xb8;
	[tilespmem:$0x1A600] =	vst v63  }
0x121: {  	v0 =	vld [tilespmem:$0x80];
	_ =	sdelay $0x1  }
0x122: {  	v1 =	vld [tilespmem:$0x90];
	_ =	sdelay $0x1  }
0x123: {  	v2 =	vld [tilespmem:$0xA0]  }
0x124: {  	v3 =	vshrl.u32 v0, $0xE  }
0x125: {  	v0 =	vand.u32 $0x3FFF, v0;
	[tilespmem:$0x2880] =	vst v3;
	v3 =	vld [tilespmem:$0xB0]  }
0x126: {  	[tilespmem:$0x2980] =	vst v0;
	v0 =	vshrl.u32 v1, $0xE  }
0x127: {  	[tilespmem:$0x2890] =	vst v0;
	v0 =	vand.u32 $0x3FFF, v1;
	v1 =	vld [tilespmem:$0xC0]  }
0x128: {  	[tilespmem:$0x2990] =	vst v0;
	v0 =	vshrl.u32 v2, $0xE  }
0x129: {  	[tilespmem:$0x28A0] =	vst v0;
	v0 =	vand.u32 $0x3FFF, v2;
	v2 =	vld [tilespmem:$0xD0]  }
0x12a: {  	[tilespmem:$0x29A0] =	vst v0;
	v0 =	vshrl.u32 v3, $0xE  }
0x12b: {  	[tilespmem:$0x28B0] =	vst v0;
	v0 =	vand.u32 $0x3FFF, v3;
	v3 =	vld [tilespmem:$0xE0]  }
0x12c: {  	[tilespmem:$0x29B0] =	vst v0;
	v0 =	vshrl.u32 v1, $0xE  }
0x12d: {  	[tilespmem:$0x28C0] =	vst v0;
	v0 =	vand.u32 $0x3FFF, v1;
	v1 =	vld [tilespmem:$0xF0]  }
0x12e: {  	[tilespmem:$0x29C0] =	vst v0;
	v0 =	vshrl.u32 v2, $0xE  }
0x12f: {  	[tilespmem:$0x28D0] =	vst v0;
	v0 =	vand.u32 $0x3FFF, v2  }
0x130: {  	[tilespmem:$0x29D0] =	vst v0;
	v0 =	vshrl.u32 v3, $0xE  }
0x131: {  	[tilespmem:$0x28E0] =	vst v0;
	v0 =	vand.u32 $0x3FFF, v3  }
0x132: {  	[tilespmem:$0x29E0] =	vst v0;
	v0 =	vshrl.u32 v1, $0xE  }
0x133: {  	[tilespmem:$0x28F0] =	vst v0;
	v0 =	vand.u32 $0x3FFF, v1  }
0x134: {  	[tilespmem:$0x29F0] =	vst v0  }
0x135: {  	[tilespmem:s22], [sflag:$0x2] =	stream.indirect.gather [spmem:s1], $0x40, s21, s18, $0xb8;
	[tilespmem:$0x1A600] =	vst v63  }
0x136: {  	_ =	swait.ge [sflag:s23], $0x2000  }
0x137: {  	[sflag:s23] =	ssyncset.done $0x0  }
0x138: {  	[sflag:s23] =	ssyncadd.s32 $0xFFFFE000  }
0x139: {  	[spmem:s3] =	stream.indirect.scatter.add.f32 [tilespmem:s20], [sflag:$0x3], $0x40, s24, s18, $0xb8;
	[tilespmem:$0x1A600] =	vst v63  }
0x13a: {  	_ =	swait.ge [sflag:s17], $0x2000  }
0x13b: {  	[sflag:s17] =	ssyncset.done $0x0  }
0x13c: {  	s30 =	simm.s32 $0x1F0;
	[sflag:s17] =	ssyncadd.s32 $0xFFFFE000  }
0x13d: {  	v0 =	vld [tilespmem:s30+$0xFFFFFF10];
	_ =	sdelay $0x4  }
0x13e: {  	v1 =	vshrl.u32 v0, $0xE  }
0x13f: {  	v0 =	vand.u32 $0x3FFF, v0;
	[tilespmem:$0x2800] =	vst v1  }
0x140: {  	[tilespmem:$0x2900] =	vst v0  }
0x141: {  	v0 =	vld [tilespmem:s30+$0xFFFFFF20];
	_ =	sdelay $0x4  }
0x142: {  	v1 =	vshrl.u32 v0, $0xE  }
0x143: {  	v0 =	vand.u32 $0x3FFF, v0;
	[tilespmem:$0x2810] =	vst v1  }
0x144: {  	[tilespmem:$0x2910] =	vst v0  }
0x145: {  	v0 =	vld [tilespmem:s30+$0xFFFFFF30];
	_ =	sdelay $0x4  }
0x146: {  	v1 =	vshrl.u32 v0, $0xE  }
0x147: {  	v0 =	vand.u32 $0x3FFF, v0;
	[tilespmem:$0x2820] =	vst v1  }
0x148: {  	[tilespmem:$0x2920] =	vst v0  }
0x149: {  	v0 =	vld [tilespmem:s30+$0xFFFFFF40];
	_ =	sdelay $0x4  }
0x14a: {  	v1 =	vshrl.u32 v0, $0xE  }
0x14b: {  	v0 =	vand.u32 $0x3FFF, v0;
	[tilespmem:$0x2830] =	vst v1  }
0x14c: {  	[tilespmem:$0x2930] =	vst v0  }
0x14d: {  	v0 =	vld [tilespmem:s30+$0xFFFFFF50];
	_ =	sdelay $0x4  }
0x14e: {  	v1 =	vshrl.u32 v0, $0xE  }
0x14f: {  	v0 =	vand.u32 $0x3FFF, v0;
	[tilespmem:$0x2840] =	vst v1  }
0x150: {  	[tilespmem:$0x2940] =	vst v0  }
0x151: {  	v0 =	vld [tilespmem:s30+$0xFFFFFF60];
	_ =	sdelay $0x4  }
0x152: {  	v1 =	vshrl.u32 v0, $0xE  }
0x153: {  	v0 =	vand.u32 $0x3FFF, v0;
	[tilespmem:$0x2850] =	vst v1  }
0x154: {  	[tilespmem:$0x2950] =	vst v0  }
0x155: {  	v0 =	vld [tilespmem:s30+$0xFFFFFF70];
	_ =	sdelay $0x4  }
0x156: {  	v1 =	vshrl.u32 v0, $0xE  }
0x157: {  	v0 =	vand.u32 $0x3FFF, v0;
	[tilespmem:$0x2860] =	vst v1  }
0x158: {  	[tilespmem:$0x2960] =	vst v0  }
0x159: {  	v0 =	vld [tilespmem:s30+$0xFFFFFF80];
	_ =	sdelay $0x4  }
0x15a: {  	v1 =	vshrl.u32 v0, $0xE  }
0x15b: {  	v0 =	vand.u32 $0x3FFF, v0;
	[tilespmem:$0x2870] =	vst v1  }
0x15c: {  	[tilespmem:$0x2970] =	vst v0  }
0x15d: {  	[tilespmem:s20], [sflag:$0x1] =	stream.indirect.gather [spmem:s1], $0x40, s19, s18, $0xb8;
	[tilespmem:$0x1A600] =	vst v63  }
0x15e: {  	_ =	swait.ge [sflag:s26], $0x2000  }
0x15f: {  	[sflag:s26] =	ssyncset.done $0x0  }
0x160: {  	[sflag:s26] =	ssyncadd.s32 $0xFFFFE000  }
0x161: {  	[spmem:s3] =	stream.indirect.scatter.add.f32 [tilespmem:s22], [sflag:$0x3], $0x40, s28, s18, $0xb8;
	[tilespmem:$0x1A600] =	vst v63  }
0x162: {  	_ =	swait.ge [sflag:s17], $0x2000  }
0x163: {  	[sflag:s17] =	ssyncset.done $0x0  }
0x164: {  	[sflag:s17] =	ssyncadd.s32 $0xFFFFE000  }
0x165: {  	v0 =	vld [tilespmem:s30+$0xFFFFFF90];
	_ =	sdelay $0x4  }
0x166: {  	v1 =	vshrl.u32 v0, $0xE  }
0x167: {  	v0 =	vand.u32 $0x3FFF, v0;
	[tilespmem:$0x2880] =	vst v1  }
0x168: {  	[tilespmem:$0x2980] =	vst v0  }
0x169: {  	v0 =	vld [tilespmem:s30+$0xFFFFFFA0];
	_ =	sdelay $0x4  }
0x16a: {  	v1 =	vshrl.u32 v0, $0xE  }
0x16b: {  	v0 =	vand.u32 $0x3FFF, v0;
	[tilespmem:$0x2890] =	vst v1  }
0x16c: {  	[tilespmem:$0x2990] =	vst v0  }
0x16d: {  	v0 =	vld [tilespmem:s30+$0xFFFFFFB0];
	_ =	sdelay $0x4  }
0x16e: {  	v1 =	vshrl.u32 v0, $0xE  }
0x16f: {  	v0 =	vand.u32 $0x3FFF, v0;
	[tilespmem:$0x28A0] =	vst v1  }
0x170: {  	[tilespmem:$0x29A0] =	vst v0  }
0x171: {  	v0 =	vld [tilespmem:s30+$0xFFFFFFC0];
	_ =	sdelay $0x4  }
0x172: {  	v1 =	vshrl.u32 v0, $0xE  }
0x173: {  	v0 =	vand.u32 $0x3FFF, v0;
	[tilespmem:$0x28B0] =	vst v1  }
0x174: {  	[tilespmem:$0x29B0] =	vst v0  }
0x175: {  	v0 =	vld [tilespmem:s30+$0xFFFFFFD0];
	_ =	sdelay $0x4  }
0x176: {  	v1 =	vshrl.u32 v0, $0xE  }
0x177: {  	v0 =	vand.u32 $0x3FFF, v0;
	[tilespmem:$0x28C0] =	vst v1  }
0x178: {  	[tilespmem:$0x29C0] =	vst v0  }
0x179: {  	v0 =	vld [tilespmem:s30+$0xFFFFFFE0];
	_ =	sdelay $0x4  }
0x17a: {  	v1 =	vshrl.u32 v0, $0xE  }
0x17b: {  	v0 =	vand.u32 $0x3FFF, v0;
	[tilespmem:$0x28D0] =	vst v1  }
0x17c: {  	[tilespmem:$0x29D0] =	vst v0  }
0x17d: {  	v0 =	vld [tilespmem:s30+$0xFFFFFFF0];
	_ =	sdelay $0x4  }
0x17e: {  	v1 =	vshrl.u32 v0, $0xE  }
0x17f: {  	s31 =	simm.s32 $0xBC0;
	v0 =	vand.u32 $0x3FFF, v0;
	[tilespmem:$0x28E0] =	vst v1  }
.LBB2_4:
0x180: {  	p1 =	sne.s32 s31, $0x9FC0;
	[tilespmem:$0x29E0] =	vst v0;
	s0 =	smov.u32 s31;
	s31 =	sadd.s32 $0x400, s31  }
0x181: {  	v0 =	vld [tilespmem:s30+$0x0];
	_ =	sdelay $0x4  }
0x182: {  	v1 =	vshrl.u32 v0, $0xE;
	v0 =	vand.u32 $0x3FFF, v0  }
0x183: {  	[tilespmem:$0x28F0] =	vst v1  }
0x184: {  	[tilespmem:$0x29F0] =	vst v0  }
0x185: {  	[tilespmem:s22], [sflag:$0x2] =	stream.indirect.gather [spmem:s1], $0x40, s21, s18, $0xb8;
	[tilespmem:$0x1A600] =	vst v63  }
0x186: {  	_ =	swait.ge [sflag:s23], $0x2000  }
0x187: {  	[sflag:s23] =	ssyncset.done $0x0  }
0x188: {  	[sflag:s23] =	ssyncadd.s32 $0xFFFFE000  }
0x189: {  	[spmem:s3] =	stream.indirect.scatter.add.f32 [tilespmem:s20], [sflag:$0x3], $0x40, s24, s18, $0xb8;
	[tilespmem:$0x1A600] =	vst v63  }
0x18a: {  	_ =	swait.ge [sflag:s17], $0x2000  }
0x18b: {  	[sflag:s17] =	ssyncset.done $0x0  }
0x18c: {  	s30 =	sshra.s32 s0, $0x2;
	[sflag:s17] =	ssyncadd.s32 $0xFFFFE000  }
0x18d: {  	v0 =	vld [tilespmem:s30+$0xFFFFFF10];
	_ =	sdelay $0x4  }
0x18e: {  	v1 =	vshrl.u32 v0, $0xE;
	v0 =	vand.u32 $0x3FFF, v0  }
0x18f: {  	[tilespmem:$0x2800] =	vst v1  }
0x190: {  	[tilespmem:$0x2900] =	vst v0  }
0x191: {  	v0 =	vld [tilespmem:s30+$0xFFFFFF20];
	_ =	sdelay $0x4  }
0x192: {  	v1 =	vshrl.u32 v0, $0xE;
	v0 =	vand.u32 $0x3FFF, v0  }
0x193: {  	[tilespmem:$0x2810] =	vst v1  }
0x194: {  	[tilespmem:$0x2910] =	vst v0  }
0x195: {  	v0 =	vld [tilespmem:s30+$0xFFFFFF30];
	_ =	sdelay $0x4  }
0x196: {  	v1 =	vshrl.u32 v0, $0xE;
	v0 =	vand.u32 $0x3FFF, v0  }
0x197: {  	[tilespmem:$0x2820] =	vst v1  }
0x198: {  	[tilespmem:$0x2920] =	vst v0  }
0x199: {  	v0 =	vld [tilespmem:s30+$0xFFFFFF40];
	_ =	sdelay $0x4  }
0x19a: {  	v1 =	vshrl.u32 v0, $0xE;
	v0 =	vand.u32 $0x3FFF, v0  }
0x19b: {  	[tilespmem:$0x2830] =	vst v1  }
0x19c: {  	[tilespmem:$0x2930] =	vst v0  }
0x19d: {  	v0 =	vld [tilespmem:s30+$0xFFFFFF50];
	_ =	sdelay $0x4  }
0x19e: {  	v1 =	vshrl.u32 v0, $0xE;
	v0 =	vand.u32 $0x3FFF, v0  }
0x19f: {  	[tilespmem:$0x2840] =	vst v1  }
0x1a0: {  	[tilespmem:$0x2940] =	vst v0  }
0x1a1: {  	v0 =	vld [tilespmem:s30+$0xFFFFFF60];
	_ =	sdelay $0x4  }
0x1a2: {  	v1 =	vshrl.u32 v0, $0xE;
	v0 =	vand.u32 $0x3FFF, v0  }
0x1a3: {  	[tilespmem:$0x2850] =	vst v1  }
0x1a4: {  	[tilespmem:$0x2950] =	vst v0  }
0x1a5: {  	v0 =	vld [tilespmem:s30+$0xFFFFFF70];
	_ =	sdelay $0x4  }
0x1a6: {  	v1 =	vshrl.u32 v0, $0xE;
	v0 =	vand.u32 $0x3FFF, v0  }
0x1a7: {  	[tilespmem:$0x2860] =	vst v1  }
0x1a8: {  	[tilespmem:$0x2960] =	vst v0  }
0x1a9: {  	v0 =	vld [tilespmem:s30+$0xFFFFFF80];
	_ =	sdelay $0x4  }
0x1aa: {  	v1 =	vshrl.u32 v0, $0xE;
	v0 =	vand.u32 $0x3FFF, v0  }
0x1ab: {  	[tilespmem:$0x2870] =	vst v1  }
0x1ac: {  	[tilespmem:$0x2970] =	vst v0  }
0x1ad: {  	[tilespmem:s20], [sflag:$0x1] =	stream.indirect.gather [spmem:s1], $0x40, s19, s18, $0xb8;
	[tilespmem:$0x1A600] =	vst v63  }
0x1ae: {  	_ =	swait.ge [sflag:s26], $0x2000  }
0x1af: {  	[sflag:s26] =	ssyncset.done $0x0  }
0x1b0: {  	[sflag:s26] =	ssyncadd.s32 $0xFFFFE000  }
0x1b1: {  	[spmem:s3] =	stream.indirect.scatter.add.f32 [tilespmem:s22], [sflag:$0x3], $0x40, s28, s18, $0xb8;
	[tilespmem:$0x1A600] =	vst v63  }
0x1b2: {  	_ =	swait.ge [sflag:s17], $0x2000  }
0x1b3: {  	[sflag:s17] =	ssyncset.done $0x0  }
0x1b4: {  	[sflag:s17] =	ssyncadd.s32 $0xFFFFE000  }
0x1b5: {  	v0 =	vld [tilespmem:s30+$0xFFFFFF90];
	_ =	sdelay $0x4  }
0x1b6: {  	v1 =	vshrl.u32 v0, $0xE;
	v0 =	vand.u32 $0x3FFF, v0  }
0x1b7: {  	[tilespmem:$0x2880] =	vst v1  }
0x1b8: {  	[tilespmem:$0x2980] =	vst v0  }
0x1b9: {  	v0 =	vld [tilespmem:s30+$0xFFFFFFA0];
	_ =	sdelay $0x4  }
0x1ba: {  	v1 =	vshrl.u32 v0, $0xE;
	v0 =	vand.u32 $0x3FFF, v0  }
0x1bb: {  	[tilespmem:$0x2890] =	vst v1  }
0x1bc: {  	[tilespmem:$0x2990] =	vst v0  }
0x1bd: {  	v0 =	vld [tilespmem:s30+$0xFFFFFFB0];
	_ =	sdelay $0x4  }
0x1be: {  	v1 =	vshrl.u32 v0, $0xE;
	v0 =	vand.u32 $0x3FFF, v0  }
0x1bf: {  	[tilespmem:$0x28A0] =	vst v1  }
0x1c0: {  	[tilespmem:$0x29A0] =	vst v0  }
0x1c1: {  	v0 =	vld [tilespmem:s30+$0xFFFFFFC0];
	_ =	sdelay $0x4  }
0x1c2: {  	v1 =	vshrl.u32 v0, $0xE;
	v0 =	vand.u32 $0x3FFF, v0  }
0x1c3: {  	[tilespmem:$0x28B0] =	vst v1  }
0x1c4: {  	[tilespmem:$0x29B0] =	vst v0  }
0x1c5: {  	v0 =	vld [tilespmem:s30+$0xFFFFFFD0];
	_ =	sdelay $0x4  }
0x1c6: {  	v1 =	vshrl.u32 v0, $0xE;
	v0 =	vand.u32 $0x3FFF, v0  }
0x1c7: {  	[tilespmem:$0x28C0] =	vst v1  }
0x1c8: {  	[tilespmem:$0x29C0] =	vst v0  }
0x1c9: {  	v0 =	vld [tilespmem:s30+$0xFFFFFFE0];
	_ =	sdelay $0x4  }
0x1ca: {  	v1 =	vshrl.u32 v0, $0xE;
	v0 =	vand.u32 $0x3FFF, v0  }
0x1cb: {  	[tilespmem:$0x28D0] =	vst v1  }
0x1cc: {  	[tilespmem:$0x29D0] =	vst v0  }
0x1cd: {  	v0 =	vld [tilespmem:s30+$0xFFFFFFF0];
	_ =	sdelay $0x1  }
.Ltmp1:
0x1ce: {  	(pc) =	sbr.rel @p1 .LBB2_4-.Ltmp1, $3  }
0x1cf: {  	_ =	sdelay $0x1  }
0x1d0: {  	v1 =	vshrl.u32 v0, $0xE;
	v0 =	vand.u32 $0x3FFF, v0  }
0x1d1: {  	[tilespmem:$0x28E0] =	vst v1  }
0x1d2: {  	[tilespmem:$0x29E0] =	vst v0  }
0x1d3: {  	v0 =	vld [tilespmem:s30+$0x0];
	_ =	sdelay $0x4  }
0x1d4: {  	v1 =	vshrl.u32 v0, $0xE  }
0x1d5: {  	v0 =	vand.u32 $0x3FFF, v0;
	[tilespmem:$0x28F0] =	vst v1  }
0x1d6: {  	[tilespmem:$0x29F0] =	vst v0  }
0x1d7: {  	[tilespmem:s22], [sflag:$0x2] =	stream.indirect.gather [spmem:s1], $0x40, s21, s18, $0xb8;
	[tilespmem:$0x1A600] =	vst v63  }
0x1d8: {  	_ =	swait.ge [sflag:s23], $0x2000  }
0x1d9: {  	[sflag:s23] =	ssyncset.done $0x0  }
0x1da: {  	[sflag:s23] =	ssyncadd.s32 $0xFFFFE000  }
0x1db: {  	[spmem:s3] =	stream.indirect.scatter.add.f32 [tilespmem:s20], [sflag:$0x3], $0x40, s24, s18, $0xb8;
	[tilespmem:$0x1A600] =	vst v63  }
0x1dc: {  	_ =	swait.ge [sflag:s17], $0x2000  }
0x1dd: {  	[sflag:s17] =	ssyncset.done $0x0  }
0x1de: {  	[sflag:s17] =	ssyncadd.s32 $0xFFFFE000  }
0x1df: {  	_ =	swait.ge [sflag:s26], $0x2000  }
0x1e0: {  	[sflag:s26] =	ssyncset.done $0x0  }
0x1e1: {  	[sflag:s26] =	ssyncadd.s32 $0xFFFFE000  }
0x1e2: {  	[spmem:s3] =	stream.indirect.scatter.add.f32 [tilespmem:s22], [sflag:$0x3], $0x40, s28, s18, $0xb8;
	[tilespmem:$0x1A600] =	vst v63  }
0x1e3: {  	_ =	swait.ge [sflag:s17], $0x2000  }
0x1e4: {  	[sflag:s17] =	ssyncset.done $0x0  }
0x1e5: {  	s0 =	simm.s32 @p0 $0x1;
	s2 =	simm.s32 @p0 $0x10;
	[sflag:s17] =	ssyncadd.s32 $0xFFFFE000  }
0x1e6: {  	s4 =	simm.s32 @p0 $0x8;
	s30 =	simm.s32 @p0 $0x1FC3;
	[bflag:$0x0] =	sbarrier.arrive $0xFFFF  }
0x1e7: {  	[hbm:s10@s2], [sflag:s30] =	dma.strided @p0 [spmem:s13@s4], $0x1040, s0, $0x8   }
0x1e8: {  	s0 =	simm.s32 @p0 $0x3  }
0x1e9: {  	s29 =	sadd.s32 $0x1, s29;
	_ =	swait.ge @p0 [sflag:s0], $0x1040  }
0x1ea: {  	p1 =	sne.s32 s29, s11;
	s2 =	simm.s32 @!p0 $0x10;
	[sflag:s0] =	ssyncset.done @p0 $0x0  }
0x1eb: {  	s4 =	simm.s32 @!p0 $0x8;
	[sflag:s0] =	ssyncadd.s32 @p0 $0xFFFFEFC0;
	s0 =	simm.s32 @!p0 $0x1  }
0x1ec: {  	[hbm:s9@s2], [sflag:s14] =	dma.strided @!p0 [spmem:s25@s4], $0x13C0, s0, $0x8   }
.Ltmp2:
0x1ed: {  	_ = 	snop;
	(pc) =	sbr.rel @p1 .LBB2_1-.Ltmp2, $4  }
0x1ee: {  	s0 =	simm.s32 @!p0 $0x3  }
0x1ef: {  	_ =	swait.ge @!p0 [sflag:s0], $0x13C0  }
0x1f0: {  	[sflag:s0] =	ssyncset.done @!p0 $0x0  }
0x1f1: {  	[sflag:s0] =	ssyncadd.s32 @!p0 $0xFFFFEC40  }
0x1f2: {  	_ =	sfence.sel $0x180000  }
0x1f3: {  	[bflag:$0x0] =	sbarrier.arrive $0xFFFF  }
0x1f4: {  	_ =	strace $0x90000047  }
0x1f5: {  	s0 =	stileid.u32;
	[bflag:$0x2] =	sbarrier.arrive $0xFFFF  }
0x1f6: {  	p0 =	sne.s32 s0, $0x0;
	s0 =	rddreg [dreg:$0x5]  }
0x1f7: {  	s0 =	sadd.s32 @!p0 $0x100000, s0  }
0x1f8: {  	[sflag:s0] =	ssyncadd.tile.s32 @!p0 $0x1;
	_ =	shalt  }
.Lfunc_end2:
_tile_overlayer_lowered:
.L_overlay_start_2:
0x1f9: {  	(tag) =	ssettag $0x2  }
0x1fa: {  	s0 =	rddreg [dreg:$0x0];
	s2 =	stileid.u32  }
0x1fb: {  	s1 =	rddreg [dreg:$0x1];
	p0 =	sne.s32 s2, $0x0  }
0x1fc: {  	s3 =	rddreg [dreg:$0x2];
	[bflag:$0x3] =	sbarrier.arrive $0xFFFF;
	s2 =	simm.s32 @!p0 $0x1C03  }
0x1fd: {  	[timem:s3], [sflag:s2] =	dma.local @!p0 [hbm:s0], s1  }
0x1fe: {  	s0 =	simm.s32 @!p0 $0x3  }
0x1ff: {  	_ =	swait.ge @!p0 [sflag:s0], s1  }
0x200: {  	s1 =	ssub.s32 @!p0 $0x0, s1;
	[sflag:s0] =	ssyncset.done @!p0 $0x0  }
0x201: {  	[sflag:s0] =	ssyncadd.s32 @!p0 s1  }
0x202: {  	[bflag:$0x3] =	sbarrier.arrive $0xFFFF  }
0x203: {  	_ =	shalt  }

</sc_bundles>
